<compile_context>
chip_gen: v7x
topology: tpu7x:2x2x1
jax: 0.10.2.dev20260603
libtpu: 0.0.44.dev20260713+nightly
codegen_flags: <defaults>
</compile_context>

<pallas_src>
import functools

import jax
import jax.numpy as jnp
from jax import lax
from jax.experimental import pallas as pl
from jax.experimental.pallas import tpu as pltpu
from jax.experimental.pallas import tpu_sc as plsc

N, C, G, E, H = 10000, 32, 128, 320000, 8
NPAD = 10240
EPB = 128
ROWS = 2560
EPAD = ROWS * EPB
NTILES = 32
TPB = ROWS // NTILES
CH = 1024
EO_EDGES = EPAD // 8
NCH = EO_EDGES // CH

_mesh = plsc.VectorSubcoreMesh(core_axis_name="c", subcore_axis_name="s")
_params = pltpu.CompilerParams(needs_layout_passes=False,
                               use_tc_tiling_on_sc=False)
_dn = (((1,), (1,)), ((), ()))



def _tc_proj_body(x_ref, wl_ref, bl_ref, wr_ref, br_ref, xl_ref, xr_ref):
    x = x_ref[...]
    xl_ref[...] = lax.dot_general(x, wl_ref[...], _dn,
                                  preferred_element_type=jnp.float32) + bl_ref[...]
    xr_ref[...] = lax.dot_general(x, wr_ref[...], _dn,
                                  preferred_element_type=jnp.float32) + br_ref[...]


_tc_proj = pl.pallas_call(
    _tc_proj_body,
    out_shape=[jax.ShapeDtypeStruct((N, H), jnp.float32),
               jax.ShapeDtypeStruct((N, H), jnp.float32)],
)


def _tc_dense_body(w_ref, wt_ref, x_ref, mu_ref, var_ref, s_ref,
                   p_ref, pt_ref, qt_ref, ll_ref):
    w = w_ref[...]
    m = jnp.max(w, axis=1, keepdims=True)
    e = jnp.exp(w - m)
    p = e / jnp.sum(e, axis=1, keepdims=True)
    p_ref[...] = p
    wt = wt_ref[...]
    mt = jnp.max(wt, axis=0, keepdims=True)
    et = jnp.exp(wt - mt)
    pt = et / jnp.sum(et, axis=0, keepdims=True)
    pt_ref[...] = pt
    qt_ref[...] = jnp.log(pt + 1e-8)
    iv = 1.0 / var_ref[...]
    x = x_ref[...]
    xv = x * iv
    A = lax.dot_general(xv, mu_ref[...], _dn,
                        preferred_element_type=jnp.float32)
    a = jnp.sum(x * xv, axis=1, keepdims=True)
    mu2 = mu_ref[...] * mu_ref[...]
    qrow = lax.dot_general(iv, mu2, _dn,
                           preferred_element_type=jnp.float32)
    s = s_ref[...]
    F = -0.5 * (a - 2.0 * s * A + (s * s) * qrow)
    ll_ref[...] = (jnp.sum(p * F) * (1.0 / N)).reshape(1, 1)


_tc_dense = pl.pallas_call(
    _tc_dense_body,
    out_shape=[jax.ShapeDtypeStruct((N, C), jnp.float32),
               jax.ShapeDtypeStruct((C, N), jnp.float32),
               jax.ShapeDtypeStruct((C, N), jnp.float32),
               jax.ShapeDtypeStruct((1, 1), jnp.float32)],
)



@functools.partial(
    pl.kernel,
    out_type=[jax.ShapeDtypeStruct((ROWS, EPB), jnp.float32),
              jax.ShapeDtypeStruct((2, NPAD), jnp.float32)],
    mesh=_mesh,
    compiler_params=_params,
    scratch_types=[
        pltpu.VMEM((N, H), jnp.float32),
        pltpu.VMEM((TPB, EPB), jnp.int32),
        pltpu.VMEM((TPB, EPB), jnp.int32),
        pltpu.VMEM((TPB, EPB), jnp.float32),
        pltpu.VMEM((16,), jnp.float32),
        pltpu.VMEM((NPAD // 16,), jnp.float32),
        pltpu.VMEM_SHARED((NPAD,), jnp.float32),
        pltpu.SemaphoreType.DMA,
        pltpu.SemaphoreType.DMA,
    ],
)
def _sc_edge1(src_hbm, dst_hbm, xlr_hbm, att_hbm, ex_hbm, spart_hbm,
              xlr_v, src_v, dst_v, ex_v, att_v, zbuf, s_sh, sem_sc, sem_p):
    cid = lax.axis_index("c")
    sid = lax.axis_index("s")
    wid = cid * 16 + sid
    base = wid * TPB
    nsub = NPAD // 16

    c1 = pltpu.async_copy(xlr_hbm, xlr_v, sem_p)
    c2 = pltpu.async_copy(src_hbm.at[pl.ds(base, TPB)], src_v, sem_p)
    c3 = pltpu.async_copy(dst_hbm.at[pl.ds(base, TPB)], dst_v, sem_p)
    c4 = pltpu.async_copy(att_hbm, att_v, sem_p)
    c1.wait()
    c2.wait()
    c3.wait()
    c4.wait()

    iota = lax.iota(jnp.int32, 16)
    zero16 = jnp.zeros((16,), jnp.float32)

    def _zero(i, carry):
        zbuf[pl.ds(i * 16, 16)] = zero16
        return carry

    lax.fori_loop(0, nsub // 16, _zero, 0)
    pltpu.sync_copy(zbuf, s_sh.at[pl.ds(sid * nsub, nsub)])
    plsc.subcore_barrier()

    att_full = att_v[...]
    bf = jnp.bfloat16
    fmt = plsc.PackFormat.INTERLEAVED

    def _row(b, carry):
        grow = base + b

        def _group(k, c2):
            sl = pl.ds(k * 16, 16)
            srcv = src_v[b, sl]
            dstv = dst_v[b, sl]
            acc_a = jnp.zeros((16,), jnp.float32)
            acc_b = jnp.zeros((16,), jnp.float32)
            for w in range(4):
                wl = plsc.load_gather(xlr_v, [srcv, jnp.full((16,), w, jnp.int32)])
                wr = plsc.load_gather(xlr_v, [dstv, jnp.full((16,), w + 4, jnp.int32)])
                la, lb = plsc.unpack(plsc.bitcast(wl, bf), format=fmt)
                ra, rb = plsc.unpack(plsc.bitcast(wr, bf), format=fmt)
                v0 = la + ra
                v1 = lb + rb
                a0 = att_full[2 * w]
                a1 = att_full[2 * w + 1]
                acc_a = acc_a + a0 * v0 + a1 * v1
                acc_b = acc_b + a0 * jnp.abs(v0) + a1 * jnp.abs(v1)
            exv = jnp.exp(0.6 * acc_a + 0.4 * acc_b)
            ids = iota + (grow * EPB + k * 16)
            exv = jnp.where(ids < E, exv, 0.0)
            ex_v[b, sl] = exv
            return c2

        lax.fori_loop(0, EPB // 16, _group, 0)
        pltpu.async_copy(ex_v.at[b], s_sh.at[dst_v.at[b]], sem_sc, add=True)
        return carry

    lax.fori_loop(0, TPB, _row, 0)

    def _drain_sc(b, carry):
        pltpu.make_async_copy(ex_v.at[0], s_sh.at[dst_v.at[0]], sem_sc).wait()
        return carry

    lax.fori_loop(0, TPB, _drain_sc, 0)
    pltpu.sync_copy(ex_v, ex_hbm.at[pl.ds(base, TPB)])
    plsc.subcore_barrier()
    pltpu.sync_copy(s_sh.at[pl.ds(sid * nsub, nsub)],
                    spart_hbm.at[cid, pl.ds(sid * nsub, nsub)])



@functools.partial(
    pl.kernel,
    out_type=jax.ShapeDtypeStruct((NTILES, 16), jnp.float32),
    mesh=_mesh,
    compiler_params=_params,
    scratch_types=[
        pltpu.VMEM((4, N), jnp.float32),
        pltpu.VMEM((4, N), jnp.float32),
        pltpu.VMEM((NPAD,), jnp.float32),
        pltpu.VMEM((NPAD,), jnp.float32),
        [pltpu.VMEM((CH,), jnp.int32) for _ in range(2)],
        [pltpu.VMEM((CH,), jnp.int32) for _ in range(2)],
        [pltpu.VMEM((CH,), jnp.float32) for _ in range(2)],
        pltpu.VMEM((16,), jnp.float32),
        [pltpu.SemaphoreType.DMA for _ in range(2)],
        pltpu.SemaphoreType.DMA,
    ],
)
def _sc_edge2(srcf_hbm, dstf_hbm, exf_hbm, spart_hbm, pt_hbm, qt_hbm, out_hbm,
              pt_v, qt_v, s_v, st_v, srcb, dstb, exb, orow, sems, sem_p):
    cid = lax.axis_index("c")
    sid = lax.axis_index("s")
    wid = cid * 16 + sid
    cq = sid % 4
    eo = wid // 4

    c1 = pltpu.async_copy(pt_hbm.at[pl.ds(cq * 4, 4)], pt_v, sem_p)
    c2 = pltpu.async_copy(qt_hbm.at[pl.ds(cq * 4, 4)], qt_v, sem_p)
    c3 = pltpu.async_copy(spart_hbm.at[0], s_v, sem_p)
    c4 = pltpu.async_copy(spart_hbm.at[1], st_v, sem_p)
    c1.wait()
    c2.wait()
    c3.wait()
    c4.wait()

    def _sum(i, carry):
        sl = pl.ds(i * 16, 16)
        s_v[sl] = 1.0 / (s_v[sl] + st_v[sl] + 1e-16)
        return carry

    lax.fori_loop(0, NPAD // 16, _sum, 0)

    ebase = eo * EO_EDGES

    def _fire(ch, j):
        off = ebase + ch * CH
        pltpu.async_copy(srcf_hbm.at[pl.ds(off, CH)], srcb[j], sems[j])
        pltpu.async_copy(dstf_hbm.at[pl.ds(off, CH)], dstb[j], sems[j])
        pltpu.async_copy(exf_hbm.at[pl.ds(off, CH)], exb[j], sems[j])

    def _drain(j):
        pltpu.make_async_copy(srcf_hbm.at[pl.ds(0, CH)], srcb[j], sems[j]).wait()
        pltpu.make_async_copy(srcf_hbm.at[pl.ds(0, CH)], dstb[j], sems[j]).wait()
        pltpu.make_async_copy(exf_hbm.at[pl.ds(0, CH)], exb[j], sems[j]).wait()

    bf = jnp.bfloat16
    fmt = plsc.PackFormat.INTERLEAVED

    def _chunk(j, acc):
        def _group2(k2, acc):
            for u in range(4):
                k = 4 * k2 + u
                sl = pl.ds(k * 16, 16)
                srcv = srcb[j][sl]
                dstv = dstb[j][sl]
                alpha = exb[j][sl] * plsc.load_gather(s_v, [dstv])
                d0 = jnp.zeros((16,), jnp.float32)
                d1 = jnp.zeros((16,), jnp.float32)
                for pw in range(4):
                    pwsp = jnp.full((16,), pw, jnp.int32)
                    pp = plsc.load_gather(pt_v, [pwsp, srcv])
                    qq = plsc.load_gather(qt_v, [pwsp, dstv])
                    pa, pb = plsc.unpack(plsc.bitcast(pp, bf), format=fmt)
                    qa, qb = plsc.unpack(plsc.bitcast(qq, bf), format=fmt)
                    d0 = d0 + pa * qa
                    d1 = d1 + pb * qb
                acc = acc + alpha * (d0 + d1)
            return acc

        return lax.fori_loop(0, CH // 64, _group2, acc)

    _fire(0, 0)

    def _loop(g, acc):
        for j in range(2):
            ch = 2 * g + j

            @pl.when(ch + 1 < NCH)
            def _():
                _fire(ch + 1, 1 - j)

            _drain(j)
            acc = _chunk(j, acc)
        return acc

    acc = lax.fori_loop(0, NCH // 2, _loop, jnp.zeros((16,), jnp.float32))
    orow[...] = acc * (-1.0 / N)
    pltpu.sync_copy(orow, out_hbm.at[wid])



def kernel(X, Mu, Var, edge_index, W, S, lin_l_w, lin_l_b, lin_r_w, lin_r_b, att):
    xl, xr = _tc_proj(X, lin_l_w, lin_l_b.reshape(1, H), lin_r_w,
                      lin_r_b.reshape(1, H))
    xlr = jnp.concatenate([xl, xr], axis=1).astype(jnp.bfloat16)
    xlr = lax.bitcast_convert_type(xlr.reshape(N, H, 2), jnp.float32)
    pad = EPAD - E
    src = jnp.concatenate([edge_index[0], jnp.zeros((pad,), jnp.int32)])
    dst = jnp.concatenate([edge_index[1], jnp.zeros((pad,), jnp.int32)])
    att16 = jnp.pad(att, (0, 16 - H))
    ex, spart = _sc_edge1(src.reshape(ROWS, EPB), dst.reshape(ROWS, EPB),
                          xlr, att16)
    P, PT, QT, ll = _tc_dense(W, W.T, X, Mu, Var.reshape(1, G), S)
    ptb = PT.astype(jnp.bfloat16)
    qtb = QT.astype(jnp.bfloat16)
    ptp = lax.bitcast_convert_type(jnp.stack([ptb[:16], ptb[16:]], axis=-1),
                                   jnp.float32)
    qtp = lax.bitcast_convert_type(jnp.stack([qtb[:16], qtb[16:]], axis=-1),
                                   jnp.float32)
    ce_part = _sc_edge2(src, dst, ex.reshape(EPAD), spart, ptp, qtp)
    return (ll[0, 0], jnp.sum(ce_part), P)

# --- scband reference (transcript-rebuilt; emitter-appended) ---
"""Pipeline reference for scband-sthd-sp-gat-75814762709195 (READ-ONLY COPY).

The authoritative reference and input builder live on the scoring server;
editing this copy changes nothing except your own understanding.
"""

import jax, jax.numpy as jnp
import numpy as np

N, C, G, E, H_OUT = 10000, 32, 128, 320000, 8


def setup_inputs(seed: int = 0):
    key = jax.random.key(seed)
    ks = jax.random.split(key, 8)
    X = jax.random.uniform(ks[0], (N, G), dtype=jnp.float32)
    Mu = jax.random.uniform(ks[1], (C, G), dtype=jnp.float32)
    Var = jnp.ones((G,), dtype=jnp.float32)
    edge_index = jax.random.randint(ks[2], (2, E), 0, N, dtype=jnp.int32)
    # learned parameters
    W = jax.random.normal(ks[3], (N, C), dtype=jnp.float32) * 0.1
    S = jnp.ones((N, 1), dtype=jnp.float32)
    lin_l_w = jax.random.normal(ks[4], (H_OUT, G), dtype=jnp.float32) / np.sqrt(G)
    lin_l_b = jnp.zeros((H_OUT,), dtype=jnp.float32)
    lin_r_w = jax.random.normal(ks[5], (H_OUT, G), dtype=jnp.float32) / np.sqrt(G)
    lin_r_b = jnp.zeros((H_OUT,), dtype=jnp.float32)
    att = jax.random.normal(ks[6], (H_OUT,), dtype=jnp.float32) / np.sqrt(H_OUT)
    return {"X": X, "Mu": Mu, "Var": Var, "edge_index": edge_index,
            "W": W, "S": S, "lin_l_w": lin_l_w, "lin_l_b": lin_l_b,
            "lin_r_w": lin_r_w, "lin_r_b": lin_r_b, "att": att}


def reference(X, Mu, Var, edge_index, W, S, lin_l_w, lin_l_b, lin_r_w, lin_r_b, att):
    n = X.shape[0]
    P = jax.nn.softmax(W, axis=1)
    # chunked protein log-likelihood term (faithful to the 5000-row chunking)
    chunks = []
    for i in range(0, n, 5000):
        X_c = X[i:i + 5000][:, None, :]          # [chunk, 1, G]
        S_c = S[i:i + 5000][:, :, None]          # [chunk, 1, 1]
        F_c = -0.5 * jnp.sum((X_c - Mu[None, :, :] * S_c) ** 2 / Var, axis=2)  # [chunk, C]
        chunks.append(F_c)
    F_all = jnp.concatenate(chunks, axis=0)      # [N, C]
    ll_prot = jnp.sum(P * F_all) / n
    # GATv2Conv attention (heads=1, concat=False, add_self_loops=False)
    x_l = X @ lin_l_w.T + lin_l_b                # [N, 8]
    x_r = X @ lin_r_w.T + lin_r_b                # [N, 8]
    src = edge_index[0]
    dst = edge_index[1]
    e = x_l[src] + x_r[dst]                      # [E, 8]
    e = jnp.where(e >= 0, e, 0.2 * e)            # LeakyReLU(0.2)
    logits = jnp.sum(e * att, axis=-1)           # [E]
    # segment softmax over destination nodes
    m = jax.ops.segment_max(logits, dst, num_segments=n)
    m = jnp.where(jnp.isfinite(m), m, 0.0)
    ex = jnp.exp(logits - m[dst])
    s = jax.ops.segment_sum(ex, dst, num_segments=n)
    alpha = ex / (s[dst] + 1e-16)                # [E]
    ce_space = -jnp.sum(P[src] * alpha[:, None] * jnp.log(P[dst] + 1e-08)) / n
    return (ll_prot, ce_space, P)

if __name__ == "__main__":
    import jax
    _d = setup_inputs()
    print(jax.jit(kernel)(*tuple(_d.values())))

</pallas_src>

<mosaic_0001>
#map = affine_map<(d0, d1) -> (0, 0)>
#map1 = affine_map<(d0, d1) -> (0)>
module attributes {stable_mosaic.version = 14 : i64} {
  func.func @_sc_edge1(%arg0: i32, %arg1: i32, %arg2: memref<2560x128xi32, #tpu.memory_space<hbm>>, %arg3: memref<2560x128xi32, #tpu.memory_space<hbm>>, %arg4: memref<10000x8xf32, #tpu.memory_space<hbm>>, %arg5: memref<16xf32, #tpu.memory_space<hbm>>, %arg6: memref<2560x128xf32, #tpu.memory_space<hbm>>, %arg7: memref<2x10240xf32, #tpu.memory_space<hbm>>, %arg8: memref<10000x8xf32, #tpu.memory_space<vmem>>, %arg9: memref<80x128xi32, #tpu.memory_space<vmem>>, %arg10: memref<80x128xi32, #tpu.memory_space<vmem>>, %arg11: memref<80x128xf32, #tpu.memory_space<vmem>>, %arg12: memref<16xf32, #tpu.memory_space<vmem>>, %arg13: memref<640xf32, #tpu.memory_space<vmem>>, %arg14: memref<10240xf32, #tpu.memory_space<vmem_shared>>, %arg15: memref<!tpu.dma_semaphore, #tpu.memory_space<semaphore_mem>>, %arg16: memref<!tpu.dma_semaphore, #tpu.memory_space<semaphore_mem>>) attributes {dimension_semantics = [#tpu.dimension_semantics<core_parallel>, #tpu.dimension_semantics<subcore_parallel>], iteration_bounds = array<i64: 2, 16>, scalar_prefetch = 0 : i64, scratch_operands = 9 : i64, tpu.core_type = #tpu.core_type<sc_vector_subcore>, window_params = [{transform_indices = #map}, {transform_indices = #map}, {transform_indices = #map}, {transform_indices = #map1}, {transform_indices = #map}, {transform_indices = #map}]} {
    %mul3A = arith.constant 16 : i32
    %mul3A_0 = arith.muli %arg0, %mul3A : i32
    %add3A = arith.addi %mul3A_0, %arg1 : i32
    %mul3A_1 = arith.constant 80 : i32
    %mul3A_2 = arith.muli %add3A, %mul3A_1 : i32
    tpu.enqueue_dma source(%arg4 : memref<10000x8xf32, #tpu.memory_space<hbm>>) target(%arg8 : memref<10000x8xf32, #tpu.memory_space<vmem>>) target_semaphore(%arg16 : memref<!tpu.dma_semaphore, #tpu.memory_space<semaphore_mem>>)
    %dma_start3A = arith.constant 0 : i32
    %dma_start3A_3 = tpu.memref_slice %arg2[%mul3A_2, %dma_start3A] : memref<2560x128xi32, #tpu.memory_space<hbm>> -> memref<80x128xi32, #tpu.memory_space<hbm>>
    %dma_start3A_4 = arith.constant 0 : i32
    %dma_start3A_5 = tpu.memref_slice %arg2[%mul3A_2, %dma_start3A_4] : memref<2560x128xi32, #tpu.memory_space<hbm>> -> memref<80x128xi32, #tpu.memory_space<hbm>>
    tpu.enqueue_dma source(%dma_start3A_5 : memref<80x128xi32, #tpu.memory_space<hbm>>) target(%arg9 : memref<80x128xi32, #tpu.memory_space<vmem>>) target_semaphore(%arg16 : memref<!tpu.dma_semaphore, #tpu.memory_space<semaphore_mem>>)
    %dma_start3A_6 = arith.constant 0 : i32
    %dma_start3A_7 = tpu.memref_slice %arg3[%mul3A_2, %dma_start3A_6] : memref<2560x128xi32, #tpu.memory_space<hbm>> -> memref<80x128xi32, #tpu.memory_space<hbm>>
    %dma_start3A_8 = arith.constant 0 : i32
    %dma_start3A_9 = tpu.memref_slice %arg3[%mul3A_2, %dma_start3A_8] : memref<2560x128xi32, #tpu.memory_space<hbm>> -> memref<80x128xi32, #tpu.memory_space<hbm>>
    tpu.enqueue_dma source(%dma_start3A_9 : memref<80x128xi32, #tpu.memory_space<hbm>>) target(%arg10 : memref<80x128xi32, #tpu.memory_space<vmem>>) target_semaphore(%arg16 : memref<!tpu.dma_semaphore, #tpu.memory_space<semaphore_mem>>)
    tpu.enqueue_dma source(%arg5 : memref<16xf32, #tpu.memory_space<hbm>>) target(%arg12 : memref<16xf32, #tpu.memory_space<vmem>>) target_semaphore(%arg16 : memref<!tpu.dma_semaphore, #tpu.memory_space<semaphore_mem>>)
    tpu.wait_dma2 semaphore(%arg16 : memref<!tpu.dma_semaphore, #tpu.memory_space<semaphore_mem>>) src(%arg4 : memref<10000x8xf32, #tpu.memory_space<hbm>>) dst(%arg8 : memref<10000x8xf32, #tpu.memory_space<vmem>>)
    %dma_wait3A = arith.constant 0 : i32
    %dma_wait3A_10 = tpu.memref_slice %arg2[%mul3A_2, %dma_wait3A] : memref<2560x128xi32, #tpu.memory_space<hbm>> -> memref<80x128xi32, #tpu.memory_space<hbm>>
    %dma_wait3A_11 = arith.constant 0 : i32
    %dma_wait3A_12 = tpu.memref_slice %arg2[%mul3A_2, %dma_wait3A_11] : memref<2560x128xi32, #tpu.memory_space<hbm>> -> memref<80x128xi32, #tpu.memory_space<hbm>>
    tpu.wait_dma2 semaphore(%arg16 : memref<!tpu.dma_semaphore, #tpu.memory_space<semaphore_mem>>) src(%dma_wait3A_12 : memref<80x128xi32, #tpu.memory_space<hbm>>) dst(%arg9 : memref<80x128xi32, #tpu.memory_space<vmem>>)
    %dma_wait3A_13 = arith.constant 0 : i32
    %dma_wait3A_14 = tpu.memref_slice %arg3[%mul3A_2, %dma_wait3A_13] : memref<2560x128xi32, #tpu.memory_space<hbm>> -> memref<80x128xi32, #tpu.memory_space<hbm>>
    %dma_wait3A_15 = arith.constant 0 : i32
    %dma_wait3A_16 = tpu.memref_slice %arg3[%mul3A_2, %dma_wait3A_15] : memref<2560x128xi32, #tpu.memory_space<hbm>> -> memref<80x128xi32, #tpu.memory_space<hbm>>
    tpu.wait_dma2 semaphore(%arg16 : memref<!tpu.dma_semaphore, #tpu.memory_space<semaphore_mem>>) src(%dma_wait3A_16 : memref<80x128xi32, #tpu.memory_space<hbm>>) dst(%arg10 : memref<80x128xi32, #tpu.memory_space<vmem>>)
    tpu.wait_dma2 semaphore(%arg16 : memref<!tpu.dma_semaphore, #tpu.memory_space<semaphore_mem>>) src(%arg5 : memref<16xf32, #tpu.memory_space<hbm>>) dst(%arg12 : memref<16xf32, #tpu.memory_space<vmem>>)
    %iota3A = tpu.iota {dimensions = array<i32: 0>} : vector<16xi32>
    %broadcast_in_dim3A = arith.constant 0.000000e+00 : f32
    %broadcast_in_dim3A_17 = vector.broadcast %broadcast_in_dim3A : f32 to vector<16xf32>
    %scan3A = arith.constant 0 : i32
    %scan3A_18 = arith.constant 0 : i32
    %scan3A_19 = arith.constant 40 : i32
    %scan3A_20 = arith.addi %scan3A_18, %scan3A_19 : i32
    %scan3A_21 = arith.constant 1 : i32
    scf.for %scan3A_43 = %scan3A_18 to %scan3A_20 step %scan3A_21  : i32 {
      %mul3A_44 = arith.constant 16 : i32
      %mul3A_45 = arith.muli %scan3A_43, %mul3A_44 : i32
      %swap3A = arith.index_cast %mul3A_45 : i32 to index
      %swap3A_46 = tpu.vector_load %arg13[%swap3A] {strides = array<i32>} : memref<640xf32, #tpu.memory_space<vmem>>, vector<16xf32>,
      tpu.vector_store %arg13[%swap3A], %broadcast_in_dim3A_17 {strides = array<i32>} : memref<640xf32, #tpu.memory_space<vmem>>, vector<16xf32>,
    }
    %scan3A_22 = arith.constant 40 : i32
    %mul3A_23 = arith.constant 640 : i32
    %mul3A_24 = arith.muli %arg1, %mul3A_23 : i32
    "tpu.region"() ({
      %run_scoped3A = tpu.sem_alloc : memref<!tpu.dma_semaphore, #tpu.memory_space<semaphore_mem>>
      %dma_start3A_43 = tpu.memref_slice %arg14[%mul3A_24] : memref<10240xf32, #tpu.memory_space<vmem_shared>> -> memref<640xf32, #tpu.memory_space<vmem_shared>>
      %dma_start3A_44 = tpu.memref_slice %arg14[%mul3A_24] : memref<10240xf32, #tpu.memory_space<vmem_shared>> -> memref<640xf32, #tpu.memory_space<vmem_shared>>
      tpu.enqueue_dma source(%arg13 : memref<640xf32, #tpu.memory_space<vmem>>) target(%dma_start3A_44 : memref<640xf32, #tpu.memory_space<vmem_shared>>) target_semaphore(%run_scoped3A : memref<!tpu.dma_semaphore, #tpu.memory_space<semaphore_mem>>)
      %dma_wait3A_45 = tpu.memref_slice %arg14[%mul3A_24] : memref<10240xf32, #tpu.memory_space<vmem_shared>> -> memref<640xf32, #tpu.memory_space<vmem_shared>>
      %dma_wait3A_46 = tpu.memref_slice %arg14[%mul3A_24] : memref<10240xf32, #tpu.memory_space<vmem_shared>> -> memref<640xf32, #tpu.memory_space<vmem_shared>>
      tpu.wait_dma2 semaphore(%run_scoped3A : memref<!tpu.dma_semaphore, #tpu.memory_space<semaphore_mem>>) src(%arg13 : memref<640xf32, #tpu.memory_space<vmem>>) dst(%dma_wait3A_46 : memref<640xf32, #tpu.memory_space<vmem_shared>>)
      tpu.yield
    }) : () -> ()
    %barrier3A = arith.constant 0 : index
    tpu.barrier barrier_id(%barrier3A)
    %get3A = arith.constant 0 : index
    %get3A_25 = tpu.vector_load %arg12[%get3A] {strides = array<i32>} : memref<16xf32, #tpu.memory_space<vmem>>, vector<16xf32>,
    %scan3A_26 = arith.constant 0 : i32
    %scan3A_27 = arith.constant 0 : i32
    %scan3A_28 = arith.constant 80 : i32
    %scan3A_29 = arith.addi %scan3A_27, %scan3A_28 : i32
    %scan3A_30 = arith.constant 1 : i32
    scf.for %scan3A_43 = %scan3A_27 to %scan3A_29 step %scan3A_30  : i32 {
      %add3A_44 = arith.addi %mul3A_2, %scan3A_43 : i32
      %scan3A_45 = arith.constant 0 : i32
      %scan3A_46 = arith.constant 0 : i32
      %scan3A_47 = arith.constant 8 : i32
      %scan3A_48 = arith.addi %scan3A_46, %scan3A_47 : i32
      %scan3A_49 = arith.constant 1 : i32
      scf.for %scan3A_59 = %scan3A_46 to %scan3A_48 step %scan3A_49  : i32 {
        %mul3A_60 = arith.constant 16 : i32
        %mul3A_61 = arith.muli %scan3A_59, %mul3A_60 : i32
        %get3A_62 = arith.index_cast %scan3A_43 : i32 to index
        %get3A_63 = arith.index_cast %mul3A_61 : i32 to index
        %get3A_64 = tpu.vector_load %arg9[%get3A_62, %get3A_63] {strides = array<i32>} : memref<80x128xi32, #tpu.memory_space<vmem>>, vector<16xi32>,
        %get3A_65 = arith.index_cast %scan3A_43 : i32 to index
        %get3A_66 = arith.index_cast %mul3A_61 : i32 to index
        %get3A_67 = tpu.vector_load %arg10[%get3A_65, %get3A_66] {strides = array<i32>} : memref<80x128xi32, #tpu.memory_space<vmem>>, vector<16xi32>,
        %broadcast_in_dim3A_68 = arith.constant 0.000000e+00 : f32
        %broadcast_in_dim3A_69 = vector.broadcast %broadcast_in_dim3A_68 : f32 to vector<16xf32>
        %broadcast_in_dim3A_70 = arith.constant 0.000000e+00 : f32
        %broadcast_in_dim3A_71 = vector.broadcast %broadcast_in_dim3A_70 : f32 to vector<16xf32>
        %broadcast_in_dim3A_72 = arith.constant 0 : i32
        %broadcast_in_dim3A_73 = vector.broadcast %broadcast_in_dim3A_72 : i32 to vector<16xi32>
        %gather3A = tpu.vector_load_idx %arg8[%get3A_64, %broadcast_in_dim3A_73] : memref<10000x8xf32, #tpu.memory_space<vmem>>[vector<16xi32>, vector<16xi32>], vector<16xf32>,
        %broadcast_in_dim3A_74 = arith.constant 4 : i32
        %broadcast_in_dim3A_75 = vector.broadcast %broadcast_in_dim3A_74 : i32 to vector<16xi32>
        %gather3A_76 = tpu.vector_load_idx %arg8[%get3A_67, %broadcast_in_dim3A_75] : memref<10000x8xf32, #tpu.memory_space<vmem>>[vector<16xi32>, vector<16xi32>], vector<16xf32>,
        %bitcast3A = vector.bitcast %gather3A : vector<16xf32> to vector<32xbf16>
        %unpack3A = tpu.unpack_subelements %bitcast3A, 0 {pack_format = #tpu.pack_format<interleaved>} : vector<32xbf16> -> vector<16xf32>
        %unpack3A_77 = tpu.unpack_subelements %bitcast3A, 1 {pack_format = #tpu.pack_format<interleaved>} : vector<32xbf16> -> vector<16xf32>
        %bitcast3A_78 = vector.bitcast %gather3A_76 : vector<16xf32> to vector<32xbf16>
        %unpack3A_79 = tpu.unpack_subelements %bitcast3A_78, 0 {pack_format = #tpu.pack_format<interleaved>} : vector<32xbf16> -> vector<16xf32>
        %unpack3A_80 = tpu.unpack_subelements %bitcast3A_78, 1 {pack_format = #tpu.pack_format<interleaved>} : vector<32xbf16> -> vector<16xf32>
        %add3A_81 = arith.addf %unpack3A, %unpack3A_79 : vector<16xf32>
        %add3A_82 = arith.addf %unpack3A_77, %unpack3A_80 : vector<16xf32>
        %slice3A = vector.extract_strided_slice %get3A_25 {offsets = [0], sizes = [1], strides = [1]} : vector<16xf32> to vector<1xf32>
        %squeeze3A = vector.extract %slice3A[0] : f32 from vector<1xf32>
        %slice3A_83 = vector.extract_strided_slice %get3A_25 {offsets = [1], sizes = [1], strides = [1]} : vector<16xf32> to vector<1xf32>
        %squeeze3A_84 = vector.extract %slice3A_83[0] : f32 from vector<1xf32>
        %mul3A_85 = vector.broadcast %squeeze3A : f32 to vector<16xf32>
        %mul3A_86 = arith.mulf %mul3A_85, %add3A_81 : vector<16xf32>
        %add3A_87 = arith.addf %broadcast_in_dim3A_69, %mul3A_86 : vector<16xf32>
        %mul3A_88 = vector.broadcast %squeeze3A_84 : f32 to vector<16xf32>
        %mul3A_89 = arith.mulf %mul3A_88, %add3A_82 : vector<16xf32>
        %add3A_90 = arith.addf %add3A_87, %mul3A_89 : vector<16xf32>
        %abs3A = math.absf %add3A_81 : vector<16xf32>
        %mul3A_91 = vector.broadcast %squeeze3A : f32 to vector<16xf32>
        %mul3A_92 = arith.mulf %mul3A_91, %abs3A : vector<16xf32>
        %add3A_93 = arith.addf %broadcast_in_dim3A_71, %mul3A_92 : vector<16xf32>
        %abs3A_94 = math.absf %add3A_82 : vector<16xf32>
        %mul3A_95 = vector.broadcast %squeeze3A_84 : f32 to vector<16xf32>
        %mul3A_96 = arith.mulf %mul3A_95, %abs3A_94 : vector<16xf32>
        %add3A_97 = arith.addf %add3A_93, %mul3A_96 : vector<16xf32>
        %broadcast_in_dim3A_98 = arith.constant 1 : i32
        %broadcast_in_dim3A_99 = vector.broadcast %broadcast_in_dim3A_98 : i32 to vector<16xi32>
        %gather3A_100 = tpu.vector_load_idx %arg8[%get3A_64, %broadcast_in_dim3A_99] : memref<10000x8xf32, #tpu.memory_space<vmem>>[vector<16xi32>, vector<16xi32>], vector<16xf32>,
        %broadcast_in_dim3A_101 = arith.constant 5 : i32
        %broadcast_in_dim3A_102 = vector.broadcast %broadcast_in_dim3A_101 : i32 to vector<16xi32>
        %gather3A_103 = tpu.vector_load_idx %arg8[%get3A_67, %broadcast_in_dim3A_102] : memref<10000x8xf32, #tpu.memory_space<vmem>>[vector<16xi32>, vector<16xi32>], vector<16xf32>,
        %bitcast3A_104 = vector.bitcast %gather3A_100 : vector<16xf32> to vector<32xbf16>
        %unpack3A_105 = tpu.unpack_subelements %bitcast3A_104, 0 {pack_format = #tpu.pack_format<interleaved>} : vector<32xbf16> -> vector<16xf32>
        %unpack3A_106 = tpu.unpack_subelements %bitcast3A_104, 1 {pack_format = #tpu.pack_format<interleaved>} : vector<32xbf16> -> vector<16xf32>
        %bitcast3A_107 = vector.bitcast %gather3A_103 : vector<16xf32> to vector<32xbf16>
        %unpack3A_108 = tpu.unpack_subelements %bitcast3A_107, 0 {pack_format = #tpu.pack_format<interleaved>} : vector<32xbf16> -> vector<16xf32>
        %unpack3A_109 = tpu.unpack_subelements %bitcast3A_107, 1 {pack_format = #tpu.pack_format<interleaved>} : vector<32xbf16> -> vector<16xf32>
        %add3A_110 = arith.addf %unpack3A_105, %unpack3A_108 : vector<16xf32>
        %add3A_111 = arith.addf %unpack3A_106, %unpack3A_109 : vector<16xf32>
        %slice3A_112 = vector.extract_strided_slice %get3A_25 {offsets = [2], sizes = [1], strides = [1]} : vector<16xf32> to vector<1xf32>
        %squeeze3A_113 = vector.extract %slice3A_112[0] : f32 from vector<1xf32>
        %slice3A_114 = vector.extract_strided_slice %get3A_25 {offsets = [3], sizes = [1], strides = [1]} : vector<16xf32> to vector<1xf32>
        %squeeze3A_115 = vector.extract %slice3A_114[0] : f32 from vector<1xf32>
        %mul3A_116 = vector.broadcast %squeeze3A_113 : f32 to vector<16xf32>
        %mul3A_117 = arith.mulf %mul3A_116, %add3A_110 : vector<16xf32>
        %add3A_118 = arith.addf %add3A_90, %mul3A_117 : vector<16xf32>
        %mul3A_119 = vector.broadcast %squeeze3A_115 : f32 to vector<16xf32>
        %mul3A_120 = arith.mulf %mul3A_119, %add3A_111 : vector<16xf32>
        %add3A_121 = arith.addf %add3A_118, %mul3A_120 : vector<16xf32>
        %abs3A_122 = math.absf %add3A_110 : vector<16xf32>
        %mul3A_123 = vector.broadcast %squeeze3A_113 : f32 to vector<16xf32>
        %mul3A_124 = arith.mulf %mul3A_123, %abs3A_122 : vector<16xf32>
        %add3A_125 = arith.addf %add3A_97, %mul3A_124 : vector<16xf32>
        %abs3A_126 = math.absf %add3A_111 : vector<16xf32>
        %mul3A_127 = vector.broadcast %squeeze3A_115 : f32 to vector<16xf32>
        %mul3A_128 = arith.mulf %mul3A_127, %abs3A_126 : vector<16xf32>
        %add3A_129 = arith.addf %add3A_125, %mul3A_128 : vector<16xf32>
        %broadcast_in_dim3A_130 = arith.constant 2 : i32
        %broadcast_in_dim3A_131 = vector.broadcast %broadcast_in_dim3A_130 : i32 to vector<16xi32>
        %gather3A_132 = tpu.vector_load_idx %arg8[%get3A_64, %broadcast_in_dim3A_131] : memref<10000x8xf32, #tpu.memory_space<vmem>>[vector<16xi32>, vector<16xi32>], vector<16xf32>,
        %broadcast_in_dim3A_133 = arith.constant 6 : i32
        %broadcast_in_dim3A_134 = vector.broadcast %broadcast_in_dim3A_133 : i32 to vector<16xi32>
        %gather3A_135 = tpu.vector_load_idx %arg8[%get3A_67, %broadcast_in_dim3A_134] : memref<10000x8xf32, #tpu.memory_space<vmem>>[vector<16xi32>, vector<16xi32>], vector<16xf32>,
        %bitcast3A_136 = vector.bitcast %gather3A_132 : vector<16xf32> to vector<32xbf16>
        %unpack3A_137 = tpu.unpack_subelements %bitcast3A_136, 0 {pack_format = #tpu.pack_format<interleaved>} : vector<32xbf16> -> vector<16xf32>
        %unpack3A_138 = tpu.unpack_subelements %bitcast3A_136, 1 {pack_format = #tpu.pack_format<interleaved>} : vector<32xbf16> -> vector<16xf32>
        %bitcast3A_139 = vector.bitcast %gather3A_135 : vector<16xf32> to vector<32xbf16>
        %unpack3A_140 = tpu.unpack_subelements %bitcast3A_139, 0 {pack_format = #tpu.pack_format<interleaved>} : vector<32xbf16> -> vector<16xf32>
        %unpack3A_141 = tpu.unpack_subelements %bitcast3A_139, 1 {pack_format = #tpu.pack_format<interleaved>} : vector<32xbf16> -> vector<16xf32>
        %add3A_142 = arith.addf %unpack3A_137, %unpack3A_140 : vector<16xf32>
        %add3A_143 = arith.addf %unpack3A_138, %unpack3A_141 : vector<16xf32>
        %slice3A_144 = vector.extract_strided_slice %get3A_25 {offsets = [4], sizes = [1], strides = [1]} : vector<16xf32> to vector<1xf32>
        %squeeze3A_145 = vector.extract %slice3A_144[0] : f32 from vector<1xf32>
        %slice3A_146 = vector.extract_strided_slice %get3A_25 {offsets = [5], sizes = [1], strides = [1]} : vector<16xf32> to vector<1xf32>
        %squeeze3A_147 = vector.extract %slice3A_146[0] : f32 from vector<1xf32>
        %mul3A_148 = vector.broadcast %squeeze3A_145 : f32 to vector<16xf32>
        %mul3A_149 = arith.mulf %mul3A_148, %add3A_142 : vector<16xf32>
        %add3A_150 = arith.addf %add3A_121, %mul3A_149 : vector<16xf32>
        %mul3A_151 = vector.broadcast %squeeze3A_147 : f32 to vector<16xf32>
        %mul3A_152 = arith.mulf %mul3A_151, %add3A_143 : vector<16xf32>
        %add3A_153 = arith.addf %add3A_150, %mul3A_152 : vector<16xf32>
        %abs3A_154 = math.absf %add3A_142 : vector<16xf32>
        %mul3A_155 = vector.broadcast %squeeze3A_145 : f32 to vector<16xf32>
        %mul3A_156 = arith.mulf %mul3A_155, %abs3A_154 : vector<16xf32>
        %add3A_157 = arith.addf %add3A_129, %mul3A_156 : vector<16xf32>
        %abs3A_158 = math.absf %add3A_143 : vector<16xf32>
        %mul3A_159 = vector.broadcast %squeeze3A_147 : f32 to vector<16xf32>
        %mul3A_160 = arith.mulf %mul3A_159, %abs3A_158 : vector<16xf32>
        %add3A_161 = arith.addf %add3A_157, %mul3A_160 : vector<16xf32>
        %broadcast_in_dim3A_162 = arith.constant 3 : i32
        %broadcast_in_dim3A_163 = vector.broadcast %broadcast_in_dim3A_162 : i32 to vector<16xi32>
        %gather3A_164 = tpu.vector_load_idx %arg8[%get3A_64, %broadcast_in_dim3A_163] : memref<10000x8xf32, #tpu.memory_space<vmem>>[vector<16xi32>, vector<16xi32>], vector<16xf32>,
        %broadcast_in_dim3A_165 = arith.constant 7 : i32
        %broadcast_in_dim3A_166 = vector.broadcast %broadcast_in_dim3A_165 : i32 to vector<16xi32>
        %gather3A_167 = tpu.vector_load_idx %arg8[%get3A_67, %broadcast_in_dim3A_166] : memref<10000x8xf32, #tpu.memory_space<vmem>>[vector<16xi32>, vector<16xi32>], vector<16xf32>,
        %bitcast3A_168 = vector.bitcast %gather3A_164 : vector<16xf32> to vector<32xbf16>
        %unpack3A_169 = tpu.unpack_subelements %bitcast3A_168, 0 {pack_format = #tpu.pack_format<interleaved>} : vector<32xbf16> -> vector<16xf32>
        %unpack3A_170 = tpu.unpack_subelements %bitcast3A_168, 1 {pack_format = #tpu.pack_format<interleaved>} : vector<32xbf16> -> vector<16xf32>
        %bitcast3A_171 = vector.bitcast %gather3A_167 : vector<16xf32> to vector<32xbf16>
        %unpack3A_172 = tpu.unpack_subelements %bitcast3A_171, 0 {pack_format = #tpu.pack_format<interleaved>} : vector<32xbf16> -> vector<16xf32>
        %unpack3A_173 = tpu.unpack_subelements %bitcast3A_171, 1 {pack_format = #tpu.pack_format<interleaved>} : vector<32xbf16> -> vector<16xf32>
        %add3A_174 = arith.addf %unpack3A_169, %unpack3A_172 : vector<16xf32>
        %add3A_175 = arith.addf %unpack3A_170, %unpack3A_173 : vector<16xf32>
        %slice3A_176 = vector.extract_strided_slice %get3A_25 {offsets = [6], sizes = [1], strides = [1]} : vector<16xf32> to vector<1xf32>
        %squeeze3A_177 = vector.extract %slice3A_176[0] : f32 from vector<1xf32>
        %slice3A_178 = vector.extract_strided_slice %get3A_25 {offsets = [7], sizes = [1], strides = [1]} : vector<16xf32> to vector<1xf32>
        %squeeze3A_179 = vector.extract %slice3A_178[0] : f32 from vector<1xf32>
        %mul3A_180 = vector.broadcast %squeeze3A_177 : f32 to vector<16xf32>
        %mul3A_181 = arith.mulf %mul3A_180, %add3A_174 : vector<16xf32>
        %add3A_182 = arith.addf %add3A_153, %mul3A_181 : vector<16xf32>
        %mul3A_183 = vector.broadcast %squeeze3A_179 : f32 to vector<16xf32>
        %mul3A_184 = arith.mulf %mul3A_183, %add3A_175 : vector<16xf32>
        %add3A_185 = arith.addf %add3A_182, %mul3A_184 : vector<16xf32>
        %abs3A_186 = math.absf %add3A_174 : vector<16xf32>
        %mul3A_187 = vector.broadcast %squeeze3A_177 : f32 to vector<16xf32>
        %mul3A_188 = arith.mulf %mul3A_187, %abs3A_186 : vector<16xf32>
        %add3A_189 = arith.addf %add3A_161, %mul3A_188 : vector<16xf32>
        %abs3A_190 = math.absf %add3A_175 : vector<16xf32>
        %mul3A_191 = vector.broadcast %squeeze3A_179 : f32 to vector<16xf32>
        %mul3A_192 = arith.mulf %mul3A_191, %abs3A_190 : vector<16xf32>
        %add3A_193 = arith.addf %add3A_189, %mul3A_192 : vector<16xf32>
        %mul3A_194 = arith.constant 6.000000e-01 : f32
        %mul3A_195 = vector.broadcast %mul3A_194 : f32 to vector<16xf32>
        %mul3A_196 = arith.mulf %mul3A_195, %add3A_185 : vector<16xf32>
        %mul3A_197 = arith.constant 4.000000e-01 : f32
        %mul3A_198 = vector.broadcast %mul3A_197 : f32 to vector<16xf32>
        %mul3A_199 = arith.mulf %mul3A_198, %add3A_193 : vector<16xf32>
        %add3A_200 = arith.addf %mul3A_196, %mul3A_199 : vector<16xf32>
        %exp3A = math.exp %add3A_200 : vector<16xf32>
        %mul3A_201 = arith.constant 128 : i32
        %mul3A_202 = arith.muli %add3A_44, %mul3A_201 : i32
        %mul3A_203 = arith.constant 16 : i32
        %mul3A_204 = arith.muli %scan3A_59, %mul3A_203 : i32
        %add3A_205 = arith.addi %mul3A_202, %mul3A_204 : i32
        %add3A_206 = vector.broadcast %add3A_205 : i32 to vector<16xi32>
        %add3A_207 = arith.addi %iota3A, %add3A_206 : vector<16xi32>
        %lt3A = arith.constant 320000 : i32
        %lt3A_208 = vector.broadcast %lt3A : i32 to vector<16xi32>
        %lt3A_209 = arith.cmpi slt, %add3A_207, %lt3A_208 : vector<16xi32>
        %jit3A = arith.constant 0.000000e+00 : f32
        %broadcast_in_dim3A_210 = vector.broadcast %jit3A : f32 to vector<16xf32>
        %select_n3A = arith.select %lt3A_209, %exp3A, %broadcast_in_dim3A_210 : vector<16xi1>, vector<16xf32>
        %swap3A = arith.index_cast %scan3A_43 : i32 to index
        %swap3A_211 = arith.index_cast %mul3A_61 : i32 to index
        %swap3A_212 = tpu.vector_load %arg11[%swap3A, %swap3A_211] {strides = array<i32>} : memref<80x128xf32, #tpu.memory_space<vmem>>, vector<16xf32>,
        tpu.vector_store %arg11[%swap3A, %swap3A_211], %select_n3A {strides = array<i32>} : memref<80x128xf32, #tpu.memory_space<vmem>>, vector<16xf32>,
      }
      %scan3A_50 = arith.constant 8 : i32
      %dma_start3A_51 = arith.constant 0 : i32
      %dma_start3A_52 = tpu.memref_slice %arg11[%scan3A_43, %dma_start3A_51] : memref<80x128xf32, #tpu.memory_space<vmem>> -> memref<1x128xf32, #tpu.memory_space<vmem>>
      %dma_start3A_53 = tpu.memref_squeeze %dma_start3A_52 : memref<1x128xf32, #tpu.memory_space<vmem>> -> memref<128xf32, #tpu.memory_space<vmem>>
      %dma_start3A_54 = arith.constant 0 : i32
      %dma_start3A_55 = tpu.memref_slice %arg10[%scan3A_43, %dma_start3A_54] : memref<80x128xi32, #tpu.memory_space<vmem>> -> memref<1x128xi32, #tpu.memory_space<vmem>>
      %dma_start3A_56 = tpu.memref_squeeze %dma_start3A_55 : memref<1x128xi32, #tpu.memory_space<vmem>> -> memref<128xi32, #tpu.memory_space<vmem>>
      %dma_start3A_57 = arith.constant 0 : i32
      %dma_start3A_58 = tpu.memref_slice %arg14[%dma_start3A_57] : memref<10240xf32, #tpu.memory_space<vmem_shared>> -> memref<10240xf32, #tpu.memory_space<vmem_shared>>
      tpu.enqueue_indirect_dma source(%dma_start3A_53 : memref<128xf32, #tpu.memory_space<vmem>>) target(%dma_start3A_58 : memref<10240xf32, #tpu.memory_space<vmem_shared>>) offsets(%dma_start3A_56 : memref<128xi32, #tpu.memory_space<vmem>>) semaphore(%arg15 : memref<!tpu.dma_semaphore, #tpu.memory_space<semaphore_mem>>) {add = true}
    }
    %scan3A_31 = arith.constant 80 : i32
    %scan3A_32 = arith.constant 0 : i32
    %scan3A_33 = arith.constant 0 : i32
    %scan3A_34 = arith.constant 80 : i32
    %scan3A_35 = arith.addi %scan3A_33, %scan3A_34 : i32
    %scan3A_36 = arith.constant 1 : i32
    scf.for %scan3A_43 = %scan3A_33 to %scan3A_35 step %scan3A_36  : i32 {
      %dma_wait3A_44 = arith.constant 0 : i32
      %dma_wait3A_45 = arith.constant 0 : i32
      %dma_wait3A_46 = arith.constant 0 : i32
      %dma_wait3A_47 = tpu.memref_slice %arg11[%dma_wait3A_44, %dma_wait3A_46] : memref<80x128xf32, #tpu.memory_space<vmem>> -> memref<1x128xf32, #tpu.memory_space<vmem>>
      %dma_wait3A_48 = tpu.memref_squeeze %dma_wait3A_47 : memref<1x128xf32, #tpu.memory_space<vmem>> -> memref<128xf32, #tpu.memory_space<vmem>>
      %dma_wait3A_49 = arith.constant 0 : i32
      %dma_wait3A_50 = tpu.memref_slice %arg10[%dma_wait3A_45, %dma_wait3A_49] : memref<80x128xi32, #tpu.memory_space<vmem>> -> memref<1x128xi32, #tpu.memory_space<vmem>>
      %dma_wait3A_51 = tpu.memref_squeeze %dma_wait3A_50 : memref<1x128xi32, #tpu.memory_space<vmem>> -> memref<128xi32, #tpu.memory_space<vmem>>
      %dma_wait3A_52 = arith.constant 0 : i32
      %dma_wait3A_53 = tpu.memref_slice %arg14[%dma_wait3A_52] : memref<10240xf32, #tpu.memory_space<vmem_shared>> -> memref<10240xf32, #tpu.memory_space<vmem_shared>>
      tpu.wait_indirect_dma semaphore(%arg15 : memref<!tpu.dma_semaphore, #tpu.memory_space<semaphore_mem>>) src(%dma_wait3A_48 : memref<128xf32, #tpu.memory_space<vmem>>) dst(%dma_wait3A_53 : memref<10240xf32, #tpu.memory_space<vmem_shared>>)
    }
    %scan3A_37 = arith.constant 80 : i32
    "tpu.region"() ({
      %run_scoped3A = tpu.sem_alloc : memref<!tpu.dma_semaphore, #tpu.memory_space<semaphore_mem>>
      %dma_start3A_43 = arith.constant 0 : i32
      %dma_start3A_44 = tpu.memref_slice %arg6[%mul3A_2, %dma_start3A_43] : memref<2560x128xf32, #tpu.memory_space<hbm>> -> memref<80x128xf32, #tpu.memory_space<hbm>>
      %dma_start3A_45 = arith.constant 0 : i32
      %dma_start3A_46 = tpu.memref_slice %arg6[%mul3A_2, %dma_start3A_45] : memref<2560x128xf32, #tpu.memory_space<hbm>> -> memref<80x128xf32, #tpu.memory_space<hbm>>
      tpu.enqueue_dma source(%arg11 : memref<80x128xf32, #tpu.memory_space<vmem>>) target(%dma_start3A_46 : memref<80x128xf32, #tpu.memory_space<hbm>>) target_semaphore(%run_scoped3A : memref<!tpu.dma_semaphore, #tpu.memory_space<semaphore_mem>>)
      %dma_wait3A_47 = arith.constant 0 : i32
      %dma_wait3A_48 = tpu.memref_slice %arg6[%mul3A_2, %dma_wait3A_47] : memref<2560x128xf32, #tpu.memory_space<hbm>> -> memref<80x128xf32, #tpu.memory_space<hbm>>
      %dma_wait3A_49 = arith.constant 0 : i32
      %dma_wait3A_50 = tpu.memref_slice %arg6[%mul3A_2, %dma_wait3A_49] : memref<2560x128xf32, #tpu.memory_space<hbm>> -> memref<80x128xf32, #tpu.memory_space<hbm>>
      tpu.wait_dma2 semaphore(%run_scoped3A : memref<!tpu.dma_semaphore, #tpu.memory_space<semaphore_mem>>) src(%arg11 : memref<80x128xf32, #tpu.memory_space<vmem>>) dst(%dma_wait3A_50 : memref<80x128xf32, #tpu.memory_space<hbm>>)
      tpu.yield
    }) : () -> ()
    %barrier3A_38 = arith.constant 0 : index
    tpu.barrier barrier_id(%barrier3A_38)
    %mul3A_39 = arith.constant 640 : i32
    %mul3A_40 = arith.muli %arg1, %mul3A_39 : i32
    %mul3A_41 = arith.constant 640 : i32
    %mul3A_42 = arith.muli %arg1, %mul3A_41 : i32
    "tpu.region"() ({
      %run_scoped3A = tpu.sem_alloc : memref<!tpu.dma_semaphore, #tpu.memory_space<semaphore_mem>>
      %dma_start3A_43 = tpu.memref_slice %arg7[%arg0, %mul3A_42] : memref<2x10240xf32, #tpu.memory_space<hbm>> -> memref<1x640xf32, #tpu.memory_space<hbm>>
      %dma_start3A_44 = tpu.memref_squeeze %dma_start3A_43 : memref<1x640xf32, #tpu.memory_space<hbm>> -> memref<640xf32, #tpu.memory_space<hbm>>
      %dma_start3A_45 = tpu.memref_slice %arg14[%mul3A_40] : memref<10240xf32, #tpu.memory_space<vmem_shared>> -> memref<640xf32, #tpu.memory_space<vmem_shared>>
      tpu.enqueue_dma source(%dma_start3A_45 : memref<640xf32, #tpu.memory_space<vmem_shared>>) target(%dma_start3A_44 : memref<640xf32, #tpu.memory_space<hbm>>) target_semaphore(%run_scoped3A : memref<!tpu.dma_semaphore, #tpu.memory_space<semaphore_mem>>)
      %dma_wait3A_46 = tpu.memref_slice %arg7[%arg0, %mul3A_42] : memref<2x10240xf32, #tpu.memory_space<hbm>> -> memref<1x640xf32, #tpu.memory_space<hbm>>
      %dma_wait3A_47 = tpu.memref_squeeze %dma_wait3A_46 : memref<1x640xf32, #tpu.memory_space<hbm>> -> memref<640xf32, #tpu.memory_space<hbm>>
      %dma_wait3A_48 = tpu.memref_slice %arg14[%mul3A_40] : memref<10240xf32, #tpu.memory_space<vmem_shared>> -> memref<640xf32, #tpu.memory_space<vmem_shared>>
      tpu.wait_dma2 semaphore(%run_scoped3A : memref<!tpu.dma_semaphore, #tpu.memory_space<semaphore_mem>>) src(%dma_wait3A_48 : memref<640xf32, #tpu.memory_space<vmem_shared>>) dst(%dma_wait3A_47 : memref<640xf32, #tpu.memory_space<hbm>>)
      tpu.yield
    }) : () -> ()
    return
  }
}

#map = affine_map<(d0, d1) -> (0)>
#map1 = affine_map<(d0, d1) -> (0, 0)>
module attributes {stable_mosaic.version = 14 : i64} {
  func.func @_sc_edge2(%arg0: i32, %arg1: i32, %arg2: memref<327680xi32, #tpu.memory_space<hbm>>, %arg3: memref<327680xi32, #tpu.memory_space<hbm>>, %arg4: memref<327680xf32, #tpu.memory_space<hbm>>, %arg5: memref<2x10240xf32, #tpu.memory_space<hbm>>, %arg6: memref<16x10000xf32, #tpu.memory_space<hbm>>, %arg7: memref<16x10000xf32, #tpu.memory_space<hbm>>, %arg8: memref<32x16xf32, #tpu.memory_space<hbm>>, %arg9: memref<4x10000xf32, #tpu.memory_space<vmem>>, %arg10: memref<4x10000xf32, #tpu.memory_space<vmem>>, %arg11: memref<10240xf32, #tpu.memory_space<vmem>>, %arg12: memref<10240xf32, #tpu.memory_space<vmem>>, %arg13: memref<1024xi32, #tpu.memory_space<vmem>>, %arg14: memref<1024xi32, #tpu.memory_space<vmem>>, %arg15: memref<1024xi32, #tpu.memory_space<vmem>>, %arg16: memref<1024xi32, #tpu.memory_space<vmem>>, %arg17: memref<1024xf32, #tpu.memory_space<vmem>>, %arg18: memref<1024xf32, #tpu.memory_space<vmem>>, %arg19: memref<16xf32, #tpu.memory_space<vmem>>, %arg20: memref<!tpu.dma_semaphore, #tpu.memory_space<semaphore_mem>>, %arg21: memref<!tpu.dma_semaphore, #tpu.memory_space<semaphore_mem>>, %arg22: memref<!tpu.dma_semaphore, #tpu.memory_space<semaphore_mem>>) attributes {dimension_semantics = [#tpu.dimension_semantics<core_parallel>, #tpu.dimension_semantics<subcore_parallel>], iteration_bounds = array<i64: 2, 16>, scalar_prefetch = 0 : i64, scratch_operands = 14 : i64, tpu.core_type = #tpu.core_type<sc_vector_subcore>, window_params = [{transform_indices = #map}, {transform_indices = #map}, {transform_indices = #map}, {transform_indices = #map1}, {transform_indices = #map1}, {transform_indices = #map1}, {transform_indices = #map1}]} {
    %mul3A = arith.constant 16 : i32
    %mul3A_0 = arith.muli %arg0, %mul3A : i32
    %add3A = arith.addi %mul3A_0, %arg1 : i32
    %jit3A = arith.constant 4 : i32
    %eq3A = arith.constant 0 : i32
    %eq3A_1 = arith.cmpi eq, %jit3A, %eq3A : i32
    %jit3A_2 = arith.constant 1 : i32
    %select_n3A = arith.select %eq3A_1, %jit3A_2, %jit3A : i32
    %rem3A = arith.remsi %arg1, %select_n3A : i32
    %ne3A = arith.constant 0 : i32
    %ne3A_3 = arith.cmpi ne, %rem3A, %ne3A : i32
    %lt3A = arith.constant 0 : i32
    %lt3A_4 = arith.cmpi slt, %rem3A, %lt3A : i32
    %lt3A_5 = arith.constant 0 : i32
    %lt3A_6 = arith.cmpi slt, %select_n3A, %lt3A_5 : i32
    %ne3A_7 = arith.xori %lt3A_4, %lt3A_6 : i1
    %and3A = arith.andi %ne3A_7, %ne3A_3 : i1
    %add3A_8 = arith.addi %rem3A, %select_n3A : i32
    %select_n3A_9 = arith.select %and3A, %add3A_8, %rem3A : i32
    %jit3A_10 = arith.constant 4 : i32
    %div3A = arith.divsi %add3A, %jit3A_10 : i32
    %sign3A = arith.constant 0 : i32
    %sign3A_11 = arith.cmpi sgt, %add3A, %sign3A : i32
    %sign3A_12 = arith.extui %sign3A_11 : i1 to i32
    %sign3A_13 = arith.constant 0 : i32
    %sign3A_14 = arith.cmpi slt, %add3A, %sign3A_13 : i32
    %sign3A_15 = arith.extui %sign3A_14 : i1 to i32
    %sign3A_16 = arith.subi %sign3A_12, %sign3A_15 : i32
    %sign3A_17 = arith.constant 0 : i32
    %sign3A_18 = arith.cmpi sgt, %jit3A_10, %sign3A_17 : i32
    %sign3A_19 = arith.extui %sign3A_18 : i1 to i32
    %sign3A_20 = arith.constant 0 : i32
    %sign3A_21 = arith.cmpi slt, %jit3A_10, %sign3A_20 : i32
    %sign3A_22 = arith.extui %sign3A_21 : i1 to i32
    %sign3A_23 = arith.subi %sign3A_19, %sign3A_22 : i32
    %ne3A_24 = arith.cmpi ne, %sign3A_16, %sign3A_23 : i32
    %rem3A_25 = arith.remsi %add3A, %jit3A_10 : i32
    %ne3A_26 = arith.constant 0 : i32
    %ne3A_27 = arith.cmpi ne, %rem3A_25, %ne3A_26 : i32
    %and3A_28 = arith.andi %ne3A_24, %ne3A_27 : i1
    %sub3A = arith.constant 1 : i32
    %sub3A_29 = arith.subi %div3A, %sub3A : i32
    %select_n3A_30 = arith.select %and3A_28, %sub3A_29, %div3A : i32
    %mul3A_31 = arith.constant 4 : i32
    %mul3A_32 = arith.muli %select_n3A_9, %mul3A_31 : i32
    %dma_start3A = arith.constant 0 : i32
    %dma_start3A_33 = tpu.memref_slice %arg6[%mul3A_32, %dma_start3A] : memref<16x10000xf32, #tpu.memory_space<hbm>> -> memref<4x10000xf32, #tpu.memory_space<hbm>>
    %dma_start3A_34 = arith.constant 0 : i32
    %dma_start3A_35 = tpu.memref_slice %arg6[%mul3A_32, %dma_start3A_34] : memref<16x10000xf32, #tpu.memory_space<hbm>> -> memref<4x10000xf32, #tpu.memory_space<hbm>>
    tpu.enqueue_dma source(%dma_start3A_35 : memref<4x10000xf32, #tpu.memory_space<hbm>>) target(%arg9 : memref<4x10000xf32, #tpu.memory_space<vmem>>) target_semaphore(%arg22 : memref<!tpu.dma_semaphore, #tpu.memory_space<semaphore_mem>>)
    %mul3A_36 = arith.constant 4 : i32
    %mul3A_37 = arith.muli %select_n3A_9, %mul3A_36 : i32
    %dma_start3A_38 = arith.constant 0 : i32
    %dma_start3A_39 = tpu.memref_slice %arg7[%mul3A_37, %dma_start3A_38] : memref<16x10000xf32, #tpu.memory_space<hbm>> -> memref<4x10000xf32, #tpu.memory_space<hbm>>
    %dma_start3A_40 = arith.constant 0 : i32
    %dma_start3A_41 = tpu.memref_slice %arg7[%mul3A_37, %dma_start3A_40] : memref<16x10000xf32, #tpu.memory_space<hbm>> -> memref<4x10000xf32, #tpu.memory_space<hbm>>
    tpu.enqueue_dma source(%dma_start3A_41 : memref<4x10000xf32, #tpu.memory_space<hbm>>) target(%arg10 : memref<4x10000xf32, #tpu.memory_space<vmem>>) target_semaphore(%arg22 : memref<!tpu.dma_semaphore, #tpu.memory_space<semaphore_mem>>)
    %dma_start3A_42 = arith.constant 0 : i32
    %dma_start3A_43 = arith.constant 0 : i32
    %dma_start3A_44 = tpu.memref_slice %arg5[%dma_start3A_42, %dma_start3A_43] : memref<2x10240xf32, #tpu.memory_space<hbm>> -> memref<1x10240xf32, #tpu.memory_space<hbm>>
    %dma_start3A_45 = tpu.memref_squeeze %dma_start3A_44 : memref<1x10240xf32, #tpu.memory_space<hbm>> -> memref<10240xf32, #tpu.memory_space<hbm>>
    %dma_start3A_46 = arith.constant 0 : i32
    %dma_start3A_47 = tpu.memref_slice %arg5[%dma_start3A_42, %dma_start3A_46] : memref<2x10240xf32, #tpu.memory_space<hbm>> -> memref<1x10240xf32, #tpu.memory_space<hbm>>
    %dma_start3A_48 = tpu.memref_squeeze %dma_start3A_47 : memref<1x10240xf32, #tpu.memory_space<hbm>> -> memref<10240xf32, #tpu.memory_space<hbm>>
    tpu.enqueue_dma source(%dma_start3A_48 : memref<10240xf32, #tpu.memory_space<hbm>>) target(%arg11 : memref<10240xf32, #tpu.memory_space<vmem>>) target_semaphore(%arg22 : memref<!tpu.dma_semaphore, #tpu.memory_space<semaphore_mem>>)
    %dma_start3A_49 = arith.constant 1 : i32
    %dma_start3A_50 = arith.constant 0 : i32
    %dma_start3A_51 = tpu.memref_slice %arg5[%dma_start3A_49, %dma_start3A_50] : memref<2x10240xf32, #tpu.memory_space<hbm>> -> memref<1x10240xf32, #tpu.memory_space<hbm>>
    %dma_start3A_52 = tpu.memref_squeeze %dma_start3A_51 : memref<1x10240xf32, #tpu.memory_space<hbm>> -> memref<10240xf32, #tpu.memory_space<hbm>>
    %dma_start3A_53 = arith.constant 0 : i32
    %dma_start3A_54 = tpu.memref_slice %arg5[%dma_start3A_49, %dma_start3A_53] : memref<2x10240xf32, #tpu.memory_space<hbm>> -> memref<1x10240xf32, #tpu.memory_space<hbm>>
    %dma_start3A_55 = tpu.memref_squeeze %dma_start3A_54 : memref<1x10240xf32, #tpu.memory_space<hbm>> -> memref<10240xf32, #tpu.memory_space<hbm>>
    tpu.enqueue_dma source(%dma_start3A_55 : memref<10240xf32, #tpu.memory_space<hbm>>) target(%arg12 : memref<10240xf32, #tpu.memory_space<vmem>>) target_semaphore(%arg22 : memref<!tpu.dma_semaphore, #tpu.memory_space<semaphore_mem>>)
    %dma_wait3A = arith.constant 0 : i32
    %dma_wait3A_56 = tpu.memref_slice %arg6[%mul3A_32, %dma_wait3A] : memref<16x10000xf32, #tpu.memory_space<hbm>> -> memref<4x10000xf32, #tpu.memory_space<hbm>>
    %dma_wait3A_57 = arith.constant 0 : i32
    %dma_wait3A_58 = tpu.memref_slice %arg6[%mul3A_32, %dma_wait3A_57] : memref<16x10000xf32, #tpu.memory_space<hbm>> -> memref<4x10000xf32, #tpu.memory_space<hbm>>
    tpu.wait_dma2 semaphore(%arg22 : memref<!tpu.dma_semaphore, #tpu.memory_space<semaphore_mem>>) src(%dma_wait3A_58 : memref<4x10000xf32, #tpu.memory_space<hbm>>) dst(%arg9 : memref<4x10000xf32, #tpu.memory_space<vmem>>)
    %dma_wait3A_59 = arith.constant 0 : i32
    %dma_wait3A_60 = tpu.memref_slice %arg7[%mul3A_37, %dma_wait3A_59] : memref<16x10000xf32, #tpu.memory_space<hbm>> -> memref<4x10000xf32, #tpu.memory_space<hbm>>
    %dma_wait3A_61 = arith.constant 0 : i32
    %dma_wait3A_62 = tpu.memref_slice %arg7[%mul3A_37, %dma_wait3A_61] : memref<16x10000xf32, #tpu.memory_space<hbm>> -> memref<4x10000xf32, #tpu.memory_space<hbm>>
    tpu.wait_dma2 semaphore(%arg22 : memref<!tpu.dma_semaphore, #tpu.memory_space<semaphore_mem>>) src(%dma_wait3A_62 : memref<4x10000xf32, #tpu.memory_space<hbm>>) dst(%arg10 : memref<4x10000xf32, #tpu.memory_space<vmem>>)
    %dma_wait3A_63 = arith.constant 0 : i32
    %dma_wait3A_64 = arith.constant 0 : i32
    %dma_wait3A_65 = tpu.memref_slice %arg5[%dma_wait3A_63, %dma_wait3A_64] : memref<2x10240xf32, #tpu.memory_space<hbm>> -> memref<1x10240xf32, #tpu.memory_space<hbm>>
    %dma_wait3A_66 = tpu.memref_squeeze %dma_wait3A_65 : memref<1x10240xf32, #tpu.memory_space<hbm>> -> memref<10240xf32, #tpu.memory_space<hbm>>
    %dma_wait3A_67 = arith.constant 0 : i32
    %dma_wait3A_68 = tpu.memref_slice %arg5[%dma_wait3A_63, %dma_wait3A_67] : memref<2x10240xf32, #tpu.memory_space<hbm>> -> memref<1x10240xf32, #tpu.memory_space<hbm>>
    %dma_wait3A_69 = tpu.memref_squeeze %dma_wait3A_68 : memref<1x10240xf32, #tpu.memory_space<hbm>> -> memref<10240xf32, #tpu.memory_space<hbm>>
    tpu.wait_dma2 semaphore(%arg22 : memref<!tpu.dma_semaphore, #tpu.memory_space<semaphore_mem>>) src(%dma_wait3A_69 : memref<10240xf32, #tpu.memory_space<hbm>>) dst(%arg11 : memref<10240xf32, #tpu.memory_space<vmem>>)
    %dma_wait3A_70 = arith.constant 1 : i32
    %dma_wait3A_71 = arith.constant 0 : i32
    %dma_wait3A_72 = tpu.memref_slice %arg5[%dma_wait3A_70, %dma_wait3A_71] : memref<2x10240xf32, #tpu.memory_space<hbm>> -> memref<1x10240xf32, #tpu.memory_space<hbm>>
    %dma_wait3A_73 = tpu.memref_squeeze %dma_wait3A_72 : memref<1x10240xf32, #tpu.memory_space<hbm>> -> memref<10240xf32, #tpu.memory_space<hbm>>
    %dma_wait3A_74 = arith.constant 0 : i32
    %dma_wait3A_75 = tpu.memref_slice %arg5[%dma_wait3A_70, %dma_wait3A_74] : memref<2x10240xf32, #tpu.memory_space<hbm>> -> memref<1x10240xf32, #tpu.memory_space<hbm>>
    %dma_wait3A_76 = tpu.memref_squeeze %dma_wait3A_75 : memref<1x10240xf32, #tpu.memory_space<hbm>> -> memref<10240xf32, #tpu.memory_space<hbm>>
    tpu.wait_dma2 semaphore(%arg22 : memref<!tpu.dma_semaphore, #tpu.memory_space<semaphore_mem>>) src(%dma_wait3A_76 : memref<10240xf32, #tpu.memory_space<hbm>>) dst(%arg12 : memref<10240xf32, #tpu.memory_space<vmem>>)
    %scan3A = arith.constant 0 : i32
    %scan3A_77 = arith.constant 0 : i32
    %scan3A_78 = arith.constant 640 : i32
    %scan3A_79 = arith.addi %scan3A_77, %scan3A_78 : i32
    %scan3A_80 = arith.constant 1 : i32
    scf.for %scan3A_103 = %scan3A_77 to %scan3A_79 step %scan3A_80  : i32 {
      %mul3A_104 = arith.constant 16 : i32
      %mul3A_105 = arith.muli %scan3A_103, %mul3A_104 : i32
      %get3A = arith.index_cast %mul3A_105 : i32 to index
      %get3A_106 = tpu.vector_load %arg11[%get3A] {strides = array<i32>} : memref<10240xf32, #tpu.memory_space<vmem>>, vector<16xf32>,
      %get3A_107 = arith.index_cast %mul3A_105 : i32 to index
      %get3A_108 = tpu.vector_load %arg12[%get3A_107] {strides = array<i32>} : memref<10240xf32, #tpu.memory_space<vmem>>, vector<16xf32>,
      %add3A_109 = arith.addf %get3A_106, %get3A_108 : vector<16xf32>
      %add3A_110 = arith.constant 1.000000e-16 : f32
      %add3A_111 = vector.broadcast %add3A_110 : f32 to vector<16xf32>
      %add3A_112 = arith.addf %add3A_109, %add3A_111 : vector<16xf32>
      %div3A_113 = arith.constant 1.000000e+00 : f32
      %div3A_114 = vector.broadcast %div3A_113 : f32 to vector<16xf32>
      %div3A_115 = arith.divf %div3A_114, %add3A_112 : vector<16xf32>
      %swap3A_116 = arith.index_cast %mul3A_105 : i32 to index
      %swap3A_117 = tpu.vector_load %arg11[%swap3A_116] {strides = array<i32>} : memref<10240xf32, #tpu.memory_space<vmem>>, vector<16xf32>,
      tpu.vector_store %arg11[%swap3A_116], %div3A_115 {strides = array<i32>} : memref<10240xf32, #tpu.memory_space<vmem>>, vector<16xf32>,
    }
    %scan3A_81 = arith.constant 640 : i32
    %mul3A_82 = arith.constant 40960 : i32
    %mul3A_83 = arith.muli %select_n3A_30, %mul3A_82 : i32
    %add3A_84 = arith.constant 0 : i32
    %add3A_85 = arith.addi %mul3A_83, %add3A_84 : i32
    %dma_start3A_86 = tpu.memref_slice %arg2[%add3A_85] : memref<327680xi32, #tpu.memory_space<hbm>> -> memref<1024xi32, #tpu.memory_space<hbm>>
    %dma_start3A_87 = tpu.memref_slice %arg2[%add3A_85] : memref<327680xi32, #tpu.memory_space<hbm>> -> memref<1024xi32, #tpu.memory_space<hbm>>
    tpu.enqueue_dma source(%dma_start3A_87 : memref<1024xi32, #tpu.memory_space<hbm>>) target(%arg13 : memref<1024xi32, #tpu.memory_space<vmem>>) target_semaphore(%arg20 : memref<!tpu.dma_semaphore, #tpu.memory_space<semaphore_mem>>)
    %dma_start3A_88 = tpu.memref_slice %arg3[%add3A_85] : memref<327680xi32, #tpu.memory_space<hbm>> -> memref<1024xi32, #tpu.memory_space<hbm>>
    %dma_start3A_89 = tpu.memref_slice %arg3[%add3A_85] : memref<327680xi32, #tpu.memory_space<hbm>> -> memref<1024xi32, #tpu.memory_space<hbm>>
    tpu.enqueue_dma source(%dma_start3A_89 : memref<1024xi32, #tpu.memory_space<hbm>>) target(%arg15 : memref<1024xi32, #tpu.memory_space<vmem>>) target_semaphore(%arg20 : memref<!tpu.dma_semaphore, #tpu.memory_space<semaphore_mem>>)
    %dma_start3A_90 = tpu.memref_slice %arg4[%add3A_85] : memref<327680xf32, #tpu.memory_space<hbm>> -> memref<1024xf32, #tpu.memory_space<hbm>>
    %dma_start3A_91 = tpu.memref_slice %arg4[%add3A_85] : memref<327680xf32, #tpu.memory_space<hbm>> -> memref<1024xf32, #tpu.memory_space<hbm>>
    tpu.enqueue_dma source(%dma_start3A_91 : memref<1024xf32, #tpu.memory_space<hbm>>) target(%arg17 : memref<1024xf32, #tpu.memory_space<vmem>>) target_semaphore(%arg20 : memref<!tpu.dma_semaphore, #tpu.memory_space<semaphore_mem>>)
    %broadcast_in_dim3A = arith.constant 0.000000e+00 : f32
    %broadcast_in_dim3A_92 = vector.broadcast %broadcast_in_dim3A : f32 to vector<16xf32>
    %scan3A_93 = arith.constant 0 : i32
    %scan3A_94 = arith.constant 20 : i32
    %scan3A_95 = arith.addi %scan3A_93, %scan3A_94 : i32
    %scan3A_96 = arith.constant 1 : i32
    %scan3A_97 = scf.for %scan3A_103 = %scan3A_93 to %scan3A_95 step %scan3A_96 iter_args(%scan3A_104 = %broadcast_in_dim3A_92) -> (vector<16xf32>)  : i32 {
      %mul3A_105 = arith.constant 2 : i32
      %mul3A_106 = arith.muli %mul3A_105, %scan3A_103 : i32
      %add3A_107 = arith.constant 0 : i32
      %add3A_108 = arith.addi %mul3A_106, %add3A_107 : i32
      %add3A_109 = arith.constant 1 : i32
      %add3A_110 = arith.addi %add3A_108, %add3A_109 : i32
      %lt3A_111 = arith.constant 40 : i32
      %lt3A_112 = arith.cmpi slt, %add3A_110, %lt3A_111 : i32
      %convert_element_type3A = arith.extui %lt3A_112 : i1 to i32
      %cond3A = arith.constant 0 : i32
      %cond3A_113 = arith.cmpi ne, %convert_element_type3A, %cond3A : i32
      scf.if %cond3A_113 {
        %add3A_161 = arith.constant 1 : i32
        %add3A_162 = arith.addi %add3A_108, %add3A_161 : i32
        %mul3A_163 = arith.constant 1024 : i32
        %mul3A_164 = arith.muli %add3A_162, %mul3A_163 : i32
        %add3A_165 = arith.addi %mul3A_83, %mul3A_164 : i32
        %dma_start3A_166 = tpu.memref_slice %arg2[%add3A_165] : memref<327680xi32, #tpu.memory_space<hbm>> -> memref<1024xi32, #tpu.memory_space<hbm>>
        %dma_start3A_167 = tpu.memref_slice %arg2[%add3A_165] : memref<327680xi32, #tpu.memory_space<hbm>> -> memref<1024xi32, #tpu.memory_space<hbm>>
        tpu.enqueue_dma source(%dma_start3A_167 : memref<1024xi32, #tpu.memory_space<hbm>>) target(%arg14 : memref<1024xi32, #tpu.memory_space<vmem>>) target_semaphore(%arg21 : memref<!tpu.dma_semaphore, #tpu.memory_space<semaphore_mem>>)
        %dma_start3A_168 = tpu.memref_slice %arg3[%add3A_165] : memref<327680xi32, #tpu.memory_space<hbm>> -> memref<1024xi32, #tpu.memory_space<hbm>>
        %dma_start3A_169 = tpu.memref_slice %arg3[%add3A_165] : memref<327680xi32, #tpu.memory_space<hbm>> -> memref<1024xi32, #tpu.memory_space<hbm>>
        tpu.enqueue_dma source(%dma_start3A_169 : memref<1024xi32, #tpu.memory_space<hbm>>) target(%arg16 : memref<1024xi32, #tpu.memory_space<vmem>>) target_semaphore(%arg21 : memref<!tpu.dma_semaphore, #tpu.memory_space<semaphore_mem>>)
        %dma_start3A_170 = tpu.memref_slice %arg4[%add3A_165] : memref<327680xf32, #tpu.memory_space<hbm>> -> memref<1024xf32, #tpu.memory_space<hbm>>
        %dma_start3A_171 = tpu.memref_slice %arg4[%add3A_165] : memref<327680xf32, #tpu.memory_space<hbm>> -> memref<1024xf32, #tpu.memory_space<hbm>>
        tpu.enqueue_dma source(%dma_start3A_171 : memref<1024xf32, #tpu.memory_space<hbm>>) target(%arg18 : memref<1024xf32, #tpu.memory_space<vmem>>) target_semaphore(%arg21 : memref<!tpu.dma_semaphore, #tpu.memory_space<semaphore_mem>>)
      } else {
      }
      %dma_wait3A_114 = arith.constant 0 : i32
      %dma_wait3A_115 = tpu.memref_slice %arg2[%dma_wait3A_114] : memref<327680xi32, #tpu.memory_space<hbm>> -> memref<1024xi32, #tpu.memory_space<hbm>>
      %dma_wait3A_116 = arith.constant 0 : i32
      %dma_wait3A_117 = tpu.memref_slice %arg2[%dma_wait3A_116] : memref<327680xi32, #tpu.memory_space<hbm>> -> memref<1024xi32, #tpu.memory_space<hbm>>
      tpu.wait_dma2 semaphore(%arg20 : memref<!tpu.dma_semaphore, #tpu.memory_space<semaphore_mem>>) src(%dma_wait3A_117 : memref<1024xi32, #tpu.memory_space<hbm>>) dst(%arg13 : memref<1024xi32, #tpu.memory_space<vmem>>)
      %dma_wait3A_118 = arith.constant 0 : i32
      %dma_wait3A_119 = tpu.memref_slice %arg2[%dma_wait3A_118] : memref<327680xi32, #tpu.memory_space<hbm>> -> memref<1024xi32, #tpu.memory_space<hbm>>
      %dma_wait3A_120 = arith.constant 0 : i32
      %dma_wait3A_121 = tpu.memref_slice %arg2[%dma_wait3A_120] : memref<327680xi32, #tpu.memory_space<hbm>> -> memref<1024xi32, #tpu.memory_space<hbm>>
      tpu.wait_dma2 semaphore(%arg20 : memref<!tpu.dma_semaphore, #tpu.memory_space<semaphore_mem>>) src(%dma_wait3A_121 : memref<1024xi32, #tpu.memory_space<hbm>>) dst(%arg15 : memref<1024xi32, #tpu.memory_space<vmem>>)
      %dma_wait3A_122 = arith.constant 0 : i32
      %dma_wait3A_123 = tpu.memref_slice %arg4[%dma_wait3A_122] : memref<327680xf32, #tpu.memory_space<hbm>> -> memref<1024xf32, #tpu.memory_space<hbm>>
      %dma_wait3A_124 = arith.constant 0 : i32
      %dma_wait3A_125 = tpu.memref_slice %arg4[%dma_wait3A_124] : memref<327680xf32, #tpu.memory_space<hbm>> -> memref<1024xf32, #tpu.memory_space<hbm>>
      tpu.wait_dma2 semaphore(%arg20 : memref<!tpu.dma_semaphore, #tpu.memory_space<semaphore_mem>>) src(%dma_wait3A_125 : memref<1024xf32, #tpu.memory_space<hbm>>) dst(%arg17 : memref<1024xf32, #tpu.memory_space<vmem>>)
      %scan3A_126 = arith.constant 0 : i32
      %scan3A_127 = arith.constant 16 : i32
      %scan3A_128 = arith.addi %scan3A_126, %scan3A_127 : i32
      %scan3A_129 = arith.constant 1 : i32
      %scan3A_130 = scf.for %scan3A_161 = %scan3A_126 to %scan3A_128 step %scan3A_129 iter_args(%scan3A_162 = %scan3A_104) -> (vector<16xf32>)  : i32 {
        %mul3A_163 = arith.constant 4 : i32
        %mul3A_164 = arith.muli %mul3A_163, %scan3A_161 : i32
        %add3A_165 = arith.constant 0 : i32
        %add3A_166 = arith.addi %mul3A_164, %add3A_165 : i32
        %mul3A_167 = arith.constant 16 : i32
        %mul3A_168 = arith.muli %add3A_166, %mul3A_167 : i32
        %get3A = arith.index_cast %mul3A_168 : i32 to index
        %get3A_169 = tpu.vector_load %arg13[%get3A] {strides = array<i32>} : memref<1024xi32, #tpu.memory_space<vmem>>, vector<16xi32>,
        %get3A_170 = arith.index_cast %mul3A_168 : i32 to index
        %get3A_171 = tpu.vector_load %arg15[%get3A_170] {strides = array<i32>} : memref<1024xi32, #tpu.memory_space<vmem>>, vector<16xi32>,
        %get3A_172 = arith.index_cast %mul3A_168 : i32 to index
        %get3A_173 = tpu.vector_load %arg17[%get3A_172] {strides = array<i32>} : memref<1024xf32, #tpu.memory_space<vmem>>, vector<16xf32>,
        %gather3A = tpu.vector_load_idx %arg11[%get3A_171] : memref<10240xf32, #tpu.memory_space<vmem>>[vector<16xi32>], vector<16xf32>,
        %mul3A_174 = arith.mulf %get3A_173, %gather3A : vector<16xf32>
        %broadcast_in_dim3A_175 = arith.constant 0.000000e+00 : f32
        %broadcast_in_dim3A_176 = vector.broadcast %broadcast_in_dim3A_175 : f32 to vector<16xf32>
        %broadcast_in_dim3A_177 = arith.constant 0.000000e+00 : f32
        %broadcast_in_dim3A_178 = vector.broadcast %broadcast_in_dim3A_177 : f32 to vector<16xf32>
        %broadcast_in_dim3A_179 = arith.constant 0 : i32
        %broadcast_in_dim3A_180 = vector.broadcast %broadcast_in_dim3A_179 : i32 to vector<16xi32>
        %gather3A_181 = tpu.vector_load_idx %arg9[%broadcast_in_dim3A_180, %get3A_169] : memref<4x10000xf32, #tpu.memory_space<vmem>>[vector<16xi32>, vector<16xi32>], vector<16xf32>,
        %gather3A_182 = tpu.vector_load_idx %arg10[%broadcast_in_dim3A_180, %get3A_171] : memref<4x10000xf32, #tpu.memory_space<vmem>>[vector<16xi32>, vector<16xi32>], vector<16xf32>,
        %bitcast3A = vector.bitcast %gather3A_181 : vector<16xf32> to vector<32xbf16>
        %unpack3A = tpu.unpack_subelements %bitcast3A, 0 {pack_format = #tpu.pack_format<interleaved>} : vector<32xbf16> -> vector<16xf32>
        %unpack3A_183 = tpu.unpack_subelements %bitcast3A, 1 {pack_format = #tpu.pack_format<interleaved>} : vector<32xbf16> -> vector<16xf32>
        %bitcast3A_184 = vector.bitcast %gather3A_182 : vector<16xf32> to vector<32xbf16>
        %unpack3A_185 = tpu.unpack_subelements %bitcast3A_184, 0 {pack_format = #tpu.pack_format<interleaved>} : vector<32xbf16> -> vector<16xf32>
        %unpack3A_186 = tpu.unpack_subelements %bitcast3A_184, 1 {pack_format = #tpu.pack_format<interleaved>} : vector<32xbf16> -> vector<16xf32>
        %mul3A_187 = arith.mulf %unpack3A, %unpack3A_185 : vector<16xf32>
        %add3A_188 = arith.addf %broadcast_in_dim3A_176, %mul3A_187 : vector<16xf32>
        %mul3A_189 = arith.mulf %unpack3A_183, %unpack3A_186 : vector<16xf32>
        %add3A_190 = arith.addf %broadcast_in_dim3A_178, %mul3A_189 : vector<16xf32>
        %broadcast_in_dim3A_191 = arith.constant 1 : i32
        %broadcast_in_dim3A_192 = vector.broadcast %broadcast_in_dim3A_191 : i32 to vector<16xi32>
        %gather3A_193 = tpu.vector_load_idx %arg9[%broadcast_in_dim3A_192, %get3A_169] : memref<4x10000xf32, #tpu.memory_space<vmem>>[vector<16xi32>, vector<16xi32>], vector<16xf32>,
        %gather3A_194 = tpu.vector_load_idx %arg10[%broadcast_in_dim3A_192, %get3A_171] : memref<4x10000xf32, #tpu.memory_space<vmem>>[vector<16xi32>, vector<16xi32>], vector<16xf32>,
        %bitcast3A_195 = vector.bitcast %gather3A_193 : vector<16xf32> to vector<32xbf16>
        %unpack3A_196 = tpu.unpack_subelements %bitcast3A_195, 0 {pack_format = #tpu.pack_format<interleaved>} : vector<32xbf16> -> vector<16xf32>
        %unpack3A_197 = tpu.unpack_subelements %bitcast3A_195, 1 {pack_format = #tpu.pack_format<interleaved>} : vector<32xbf16> -> vector<16xf32>
        %bitcast3A_198 = vector.bitcast %gather3A_194 : vector<16xf32> to vector<32xbf16>
        %unpack3A_199 = tpu.unpack_subelements %bitcast3A_198, 0 {pack_format = #tpu.pack_format<interleaved>} : vector<32xbf16> -> vector<16xf32>
        %unpack3A_200 = tpu.unpack_subelements %bitcast3A_198, 1 {pack_format = #tpu.pack_format<interleaved>} : vector<32xbf16> -> vector<16xf32>
        %mul3A_201 = arith.mulf %unpack3A_196, %unpack3A_199 : vector<16xf32>
        %add3A_202 = arith.addf %add3A_188, %mul3A_201 : vector<16xf32>
        %mul3A_203 = arith.mulf %unpack3A_197, %unpack3A_200 : vector<16xf32>
        %add3A_204 = arith.addf %add3A_190, %mul3A_203 : vector<16xf32>
        %broadcast_in_dim3A_205 = arith.constant 2 : i32
        %broadcast_in_dim3A_206 = vector.broadcast %broadcast_in_dim3A_205 : i32 to vector<16xi32>
        %gather3A_207 = tpu.vector_load_idx %arg9[%broadcast_in_dim3A_206, %get3A_169] : memref<4x10000xf32, #tpu.memory_space<vmem>>[vector<16xi32>, vector<16xi32>], vector<16xf32>,
        %gather3A_208 = tpu.vector_load_idx %arg10[%broadcast_in_dim3A_206, %get3A_171] : memref<4x10000xf32, #tpu.memory_space<vmem>>[vector<16xi32>, vector<16xi32>], vector<16xf32>,
        %bitcast3A_209 = vector.bitcast %gather3A_207 : vector<16xf32> to vector<32xbf16>
        %unpack3A_210 = tpu.unpack_subelements %bitcast3A_209, 0 {pack_format = #tpu.pack_format<interleaved>} : vector<32xbf16> -> vector<16xf32>
        %unpack3A_211 = tpu.unpack_subelements %bitcast3A_209, 1 {pack_format = #tpu.pack_format<interleaved>} : vector<32xbf16> -> vector<16xf32>
        %bitcast3A_212 = vector.bitcast %gather3A_208 : vector<16xf32> to vector<32xbf16>
        %unpack3A_213 = tpu.unpack_subelements %bitcast3A_212, 0 {pack_format = #tpu.pack_format<interleaved>} : vector<32xbf16> -> vector<16xf32>
        %unpack3A_214 = tpu.unpack_subelements %bitcast3A_212, 1 {pack_format = #tpu.pack_format<interleaved>} : vector<32xbf16> -> vector<16xf32>
        %mul3A_215 = arith.mulf %unpack3A_210, %unpack3A_213 : vector<16xf32>
        %add3A_216 = arith.addf %add3A_202, %mul3A_215 : vector<16xf32>
        %mul3A_217 = arith.mulf %unpack3A_211, %unpack3A_214 : vector<16xf32>
        %add3A_218 = arith.addf %add3A_204, %mul3A_217 : vector<16xf32>
        %broadcast_in_dim3A_219 = arith.constant 3 : i32
        %broadcast_in_dim3A_220 = vector.broadcast %broadcast_in_dim3A_219 : i32 to vector<16xi32>
        %gather3A_221 = tpu.vector_load_idx %arg9[%broadcast_in_dim3A_220, %get3A_169] : memref<4x10000xf32, #tpu.memory_space<vmem>>[vector<16xi32>, vector<16xi32>], vector<16xf32>,
        %gather3A_222 = tpu.vector_load_idx %arg10[%broadcast_in_dim3A_220, %get3A_171] : memref<4x10000xf32, #tpu.memory_space<vmem>>[vector<16xi32>, vector<16xi32>], vector<16xf32>,
        %bitcast3A_223 = vector.bitcast %gather3A_221 : vector<16xf32> to vector<32xbf16>
        %unpack3A_224 = tpu.unpack_subelements %bitcast3A_223, 0 {pack_format = #tpu.pack_format<interleaved>} : vector<32xbf16> -> vector<16xf32>
        %unpack3A_225 = tpu.unpack_subelements %bitcast3A_223, 1 {pack_format = #tpu.pack_format<interleaved>} : vector<32xbf16> -> vector<16xf32>
        %bitcast3A_226 = vector.bitcast %gather3A_222 : vector<16xf32> to vector<32xbf16>
        %unpack3A_227 = tpu.unpack_subelements %bitcast3A_226, 0 {pack_format = #tpu.pack_format<interleaved>} : vector<32xbf16> -> vector<16xf32>
        %unpack3A_228 = tpu.unpack_subelements %bitcast3A_226, 1 {pack_format = #tpu.pack_format<interleaved>} : vector<32xbf16> -> vector<16xf32>
        %mul3A_229 = arith.mulf %unpack3A_224, %unpack3A_227 : vector<16xf32>
        %add3A_230 = arith.addf %add3A_216, %mul3A_229 : vector<16xf32>
        %mul3A_231 = arith.mulf %unpack3A_225, %unpack3A_228 : vector<16xf32>
        %add3A_232 = arith.addf %add3A_218, %mul3A_231 : vector<16xf32>
        %add3A_233 = arith.addf %add3A_230, %add3A_232 : vector<16xf32>
        %mul3A_234 = arith.mulf %mul3A_174, %add3A_233 : vector<16xf32>
        %add3A_235 = arith.addf %scan3A_162, %mul3A_234 : vector<16xf32>
        %mul3A_236 = arith.constant 4 : i32
        %mul3A_237 = arith.muli %mul3A_236, %scan3A_161 : i32
        %add3A_238 = arith.constant 1 : i32
        %add3A_239 = arith.addi %mul3A_237, %add3A_238 : i32
        %mul3A_240 = arith.constant 16 : i32
        %mul3A_241 = arith.muli %add3A_239, %mul3A_240 : i32
        %get3A_242 = arith.index_cast %mul3A_241 : i32 to index
        %get3A_243 = tpu.vector_load %arg13[%get3A_242] {strides = array<i32>} : memref<1024xi32, #tpu.memory_space<vmem>>, vector<16xi32>,
        %get3A_244 = arith.index_cast %mul3A_241 : i32 to index
        %get3A_245 = tpu.vector_load %arg15[%get3A_244] {strides = array<i32>} : memref<1024xi32, #tpu.memory_space<vmem>>, vector<16xi32>,
        %get3A_246 = arith.index_cast %mul3A_241 : i32 to index
        %get3A_247 = tpu.vector_load %arg17[%get3A_246] {strides = array<i32>} : memref<1024xf32, #tpu.memory_space<vmem>>, vector<16xf32>,
        %gather3A_248 = tpu.vector_load_idx %arg11[%get3A_245] : memref<10240xf32, #tpu.memory_space<vmem>>[vector<16xi32>], vector<16xf32>,
        %mul3A_249 = arith.mulf %get3A_247, %gather3A_248 : vector<16xf32>
        %broadcast_in_dim3A_250 = arith.constant 0.000000e+00 : f32
        %broadcast_in_dim3A_251 = vector.broadcast %broadcast_in_dim3A_250 : f32 to vector<16xf32>
        %broadcast_in_dim3A_252 = arith.constant 0.000000e+00 : f32
        %broadcast_in_dim3A_253 = vector.broadcast %broadcast_in_dim3A_252 : f32 to vector<16xf32>
        %broadcast_in_dim3A_254 = arith.constant 0 : i32
        %broadcast_in_dim3A_255 = vector.broadcast %broadcast_in_dim3A_254 : i32 to vector<16xi32>
        %gather3A_256 = tpu.vector_load_idx %arg9[%broadcast_in_dim3A_255, %get3A_243] : memref<4x10000xf32, #tpu.memory_space<vmem>>[vector<16xi32>, vector<16xi32>], vector<16xf32>,
        %gather3A_257 = tpu.vector_load_idx %arg10[%broadcast_in_dim3A_255, %get3A_245] : memref<4x10000xf32, #tpu.memory_space<vmem>>[vector<16xi32>, vector<16xi32>], vector<16xf32>,
        %bitcast3A_258 = vector.bitcast %gather3A_256 : vector<16xf32> to vector<32xbf16>
        %unpack3A_259 = tpu.unpack_subelements %bitcast3A_258, 0 {pack_format = #tpu.pack_format<interleaved>} : vector<32xbf16> -> vector<16xf32>
        %unpack3A_260 = tpu.unpack_subelements %bitcast3A_258, 1 {pack_format = #tpu.pack_format<interleaved>} : vector<32xbf16> -> vector<16xf32>
        %bitcast3A_261 = vector.bitcast %gather3A_257 : vector<16xf32> to vector<32xbf16>
        %unpack3A_262 = tpu.unpack_subelements %bitcast3A_261, 0 {pack_format = #tpu.pack_format<interleaved>} : vector<32xbf16> -> vector<16xf32>
        %unpack3A_263 = tpu.unpack_subelements %bitcast3A_261, 1 {pack_format = #tpu.pack_format<interleaved>} : vector<32xbf16> -> vector<16xf32>
        %mul3A_264 = arith.mulf %unpack3A_259, %unpack3A_262 : vector<16xf32>
        %add3A_265 = arith.addf %broadcast_in_dim3A_251, %mul3A_264 : vector<16xf32>
        %mul3A_266 = arith.mulf %unpack3A_260, %unpack3A_263 : vector<16xf32>
        %add3A_267 = arith.addf %broadcast_in_dim3A_253, %mul3A_266 : vector<16xf32>
        %broadcast_in_dim3A_268 = arith.constant 1 : i32
        %broadcast_in_dim3A_269 = vector.broadcast %broadcast_in_dim3A_268 : i32 to vector<16xi32>
        %gather3A_270 = tpu.vector_load_idx %arg9[%broadcast_in_dim3A_269, %get3A_243] : memref<4x10000xf32, #tpu.memory_space<vmem>>[vector<16xi32>, vector<16xi32>], vector<16xf32>,
        %gather3A_271 = tpu.vector_load_idx %arg10[%broadcast_in_dim3A_269, %get3A_245] : memref<4x10000xf32, #tpu.memory_space<vmem>>[vector<16xi32>, vector<16xi32>], vector<16xf32>,
        %bitcast3A_272 = vector.bitcast %gather3A_270 : vector<16xf32> to vector<32xbf16>
        %unpack3A_273 = tpu.unpack_subelements %bitcast3A_272, 0 {pack_format = #tpu.pack_format<interleaved>} : vector<32xbf16> -> vector<16xf32>
        %unpack3A_274 = tpu.unpack_subelements %bitcast3A_272, 1 {pack_format = #tpu.pack_format<interleaved>} : vector<32xbf16> -> vector<16xf32>
        %bitcast3A_275 = vector.bitcast %gather3A_271 : vector<16xf32> to vector<32xbf16>
        %unpack3A_276 = tpu.unpack_subelements %bitcast3A_275, 0 {pack_format = #tpu.pack_format<interleaved>} : vector<32xbf16> -> vector<16xf32>
        %unpack3A_277 = tpu.unpack_subelements %bitcast3A_275, 1 {pack_format = #tpu.pack_format<interleaved>} : vector<32xbf16> -> vector<16xf32>
        %mul3A_278 = arith.mulf %unpack3A_273, %unpack3A_276 : vector<16xf32>
        %add3A_279 = arith.addf %add3A_265, %mul3A_278 : vector<16xf32>
        %mul3A_280 = arith.mulf %unpack3A_274, %unpack3A_277 : vector<16xf32>
        %add3A_281 = arith.addf %add3A_267, %mul3A_280 : vector<16xf32>
        %broadcast_in_dim3A_282 = arith.constant 2 : i32
        %broadcast_in_dim3A_283 = vector.broadcast %broadcast_in_dim3A_282 : i32 to vector<16xi32>
        %gather3A_284 = tpu.vector_load_idx %arg9[%broadcast_in_dim3A_283, %get3A_243] : memref<4x10000xf32, #tpu.memory_space<vmem>>[vector<16xi32>, vector<16xi32>], vector<16xf32>,
        %gather3A_285 = tpu.vector_load_idx %arg10[%broadcast_in_dim3A_283, %get3A_245] : memref<4x10000xf32, #tpu.memory_space<vmem>>[vector<16xi32>, vector<16xi32>], vector<16xf32>,
        %bitcast3A_286 = vector.bitcast %gather3A_284 : vector<16xf32> to vector<32xbf16>
        %unpack3A_287 = tpu.unpack_subelements %bitcast3A_286, 0 {pack_format = #tpu.pack_format<interleaved>} : vector<32xbf16> -> vector<16xf32>
        %unpack3A_288 = tpu.unpack_subelements %bitcast3A_286, 1 {pack_format = #tpu.pack_format<interleaved>} : vector<32xbf16> -> vector<16xf32>
        %bitcast3A_289 = vector.bitcast %gather3A_285 : vector<16xf32> to vector<32xbf16>
        %unpack3A_290 = tpu.unpack_subelements %bitcast3A_289, 0 {pack_format = #tpu.pack_format<interleaved>} : vector<32xbf16> -> vector<16xf32>
        %unpack3A_291 = tpu.unpack_subelements %bitcast3A_289, 1 {pack_format = #tpu.pack_format<interleaved>} : vector<32xbf16> -> vector<16xf32>
        %mul3A_292 = arith.mulf %unpack3A_287, %unpack3A_290 : vector<16xf32>
        %add3A_293 = arith.addf %add3A_279, %mul3A_292 : vector<16xf32>
        %mul3A_294 = arith.mulf %unpack3A_288, %unpack3A_291 : vector<16xf32>
        %add3A_295 = arith.addf %add3A_281, %mul3A_294 : vector<16xf32>
        %broadcast_in_dim3A_296 = arith.constant 3 : i32
        %broadcast_in_dim3A_297 = vector.broadcast %broadcast_in_dim3A_296 : i32 to vector<16xi32>
        %gather3A_298 = tpu.vector_load_idx %arg9[%broadcast_in_dim3A_297, %get3A_243] : memref<4x10000xf32, #tpu.memory_space<vmem>>[vector<16xi32>, vector<16xi32>], vector<16xf32>,
        %gather3A_299 = tpu.vector_load_idx %arg10[%broadcast_in_dim3A_297, %get3A_245] : memref<4x10000xf32, #tpu.memory_space<vmem>>[vector<16xi32>, vector<16xi32>], vector<16xf32>,
        %bitcast3A_300 = vector.bitcast %gather3A_298 : vector<16xf32> to vector<32xbf16>
        %unpack3A_301 = tpu.unpack_subelements %bitcast3A_300, 0 {pack_format = #tpu.pack_format<interleaved>} : vector<32xbf16> -> vector<16xf32>
        %unpack3A_302 = tpu.unpack_subelements %bitcast3A_300, 1 {pack_format = #tpu.pack_format<interleaved>} : vector<32xbf16> -> vector<16xf32>
        %bitcast3A_303 = vector.bitcast %gather3A_299 : vector<16xf32> to vector<32xbf16>
        %unpack3A_304 = tpu.unpack_subelements %bitcast3A_303, 0 {pack_format = #tpu.pack_format<interleaved>} : vector<32xbf16> -> vector<16xf32>
        %unpack3A_305 = tpu.unpack_subelements %bitcast3A_303, 1 {pack_format = #tpu.pack_format<interleaved>} : vector<32xbf16> -> vector<16xf32>
        %mul3A_306 = arith.mulf %unpack3A_301, %unpack3A_304 : vector<16xf32>
        %add3A_307 = arith.addf %add3A_293, %mul3A_306 : vector<16xf32>
        %mul3A_308 = arith.mulf %unpack3A_302, %unpack3A_305 : vector<16xf32>
        %add3A_309 = arith.addf %add3A_295, %mul3A_308 : vector<16xf32>
        %add3A_310 = arith.addf %add3A_307, %add3A_309 : vector<16xf32>
        %mul3A_311 = arith.mulf %mul3A_249, %add3A_310 : vector<16xf32>
        %add3A_312 = arith.addf %add3A_235, %mul3A_311 : vector<16xf32>
        %mul3A_313 = arith.constant 4 : i32
        %mul3A_314 = arith.muli %mul3A_313, %scan3A_161 : i32
        %add3A_315 = arith.constant 2 : i32
        %add3A_316 = arith.addi %mul3A_314, %add3A_315 : i32
        %mul3A_317 = arith.constant 16 : i32
        %mul3A_318 = arith.muli %add3A_316, %mul3A_317 : i32
        %get3A_319 = arith.index_cast %mul3A_318 : i32 to index
        %get3A_320 = tpu.vector_load %arg13[%get3A_319] {strides = array<i32>} : memref<1024xi32, #tpu.memory_space<vmem>>, vector<16xi32>,
        %get3A_321 = arith.index_cast %mul3A_318 : i32 to index
        %get3A_322 = tpu.vector_load %arg15[%get3A_321] {strides = array<i32>} : memref<1024xi32, #tpu.memory_space<vmem>>, vector<16xi32>,
        %get3A_323 = arith.index_cast %mul3A_318 : i32 to index
        %get3A_324 = tpu.vector_load %arg17[%get3A_323] {strides = array<i32>} : memref<1024xf32, #tpu.memory_space<vmem>>, vector<16xf32>,
        %gather3A_325 = tpu.vector_load_idx %arg11[%get3A_322] : memref<10240xf32, #tpu.memory_space<vmem>>[vector<16xi32>], vector<16xf32>,
        %mul3A_326 = arith.mulf %get3A_324, %gather3A_325 : vector<16xf32>
        %broadcast_in_dim3A_327 = arith.constant 0.000000e+00 : f32
        %broadcast_in_dim3A_328 = vector.broadcast %broadcast_in_dim3A_327 : f32 to vector<16xf32>
        %broadcast_in_dim3A_329 = arith.constant 0.000000e+00 : f32
        %broadcast_in_dim3A_330 = vector.broadcast %broadcast_in_dim3A_329 : f32 to vector<16xf32>
        %broadcast_in_dim3A_331 = arith.constant 0 : i32
        %broadcast_in_dim3A_332 = vector.broadcast %broadcast_in_dim3A_331 : i32 to vector<16xi32>
        %gather3A_333 = tpu.vector_load_idx %arg9[%broadcast_in_dim3A_332, %get3A_320] : memref<4x10000xf32, #tpu.memory_space<vmem>>[vector<16xi32>, vector<16xi32>], vector<16xf32>,
        %gather3A_334 = tpu.vector_load_idx %arg10[%broadcast_in_dim3A_332, %get3A_322] : memref<4x10000xf32, #tpu.memory_space<vmem>>[vector<16xi32>, vector<16xi32>], vector<16xf32>,
        %bitcast3A_335 = vector.bitcast %gather3A_333 : vector<16xf32> to vector<32xbf16>
        %unpack3A_336 = tpu.unpack_subelements %bitcast3A_335, 0 {pack_format = #tpu.pack_format<interleaved>} : vector<32xbf16> -> vector<16xf32>
        %unpack3A_337 = tpu.unpack_subelements %bitcast3A_335, 1 {pack_format = #tpu.pack_format<interleaved>} : vector<32xbf16> -> vector<16xf32>
        %bitcast3A_338 = vector.bitcast %gather3A_334 : vector<16xf32> to vector<32xbf16>
        %unpack3A_339 = tpu.unpack_subelements %bitcast3A_338, 0 {pack_format = #tpu.pack_format<interleaved>} : vector<32xbf16> -> vector<16xf32>
        %unpack3A_340 = tpu.unpack_subelements %bitcast3A_338, 1 {pack_format = #tpu.pack_format<interleaved>} : vector<32xbf16> -> vector<16xf32>
        %mul3A_341 = arith.mulf %unpack3A_336, %unpack3A_339 : vector<16xf32>
        %add3A_342 = arith.addf %broadcast_in_dim3A_328, %mul3A_341 : vector<16xf32>
        %mul3A_343 = arith.mulf %unpack3A_337, %unpack3A_340 : vector<16xf32>
        %add3A_344 = arith.addf %broadcast_in_dim3A_330, %mul3A_343 : vector<16xf32>
        %broadcast_in_dim3A_345 = arith.constant 1 : i32
        %broadcast_in_dim3A_346 = vector.broadcast %broadcast_in_dim3A_345 : i32 to vector<16xi32>
        %gather3A_347 = tpu.vector_load_idx %arg9[%broadcast_in_dim3A_346, %get3A_320] : memref<4x10000xf32, #tpu.memory_space<vmem>>[vector<16xi32>, vector<16xi32>], vector<16xf32>,
        %gather3A_348 = tpu.vector_load_idx %arg10[%broadcast_in_dim3A_346, %get3A_322] : memref<4x10000xf32, #tpu.memory_space<vmem>>[vector<16xi32>, vector<16xi32>], vector<16xf32>,
        %bitcast3A_349 = vector.bitcast %gather3A_347 : vector<16xf32> to vector<32xbf16>
        %unpack3A_350 = tpu.unpack_subelements %bitcast3A_349, 0 {pack_format = #tpu.pack_format<interleaved>} : vector<32xbf16> -> vector<16xf32>
        %unpack3A_351 = tpu.unpack_subelements %bitcast3A_349, 1 {pack_format = #tpu.pack_format<interleaved>} : vector<32xbf16> -> vector<16xf32>
        %bitcast3A_352 = vector.bitcast %gather3A_348 : vector<16xf32> to vector<32xbf16>
        %unpack3A_353 = tpu.unpack_subelements %bitcast3A_352, 0 {pack_format = #tpu.pack_format<interleaved>} : vector<32xbf16> -> vector<16xf32>
        %unpack3A_354 = tpu.unpack_subelements %bitcast3A_352, 1 {pack_format = #tpu.pack_format<interleaved>} : vector<32xbf16> -> vector<16xf32>
        %mul3A_355 = arith.mulf %unpack3A_350, %unpack3A_353 : vector<16xf32>
        %add3A_356 = arith.addf %add3A_342, %mul3A_355 : vector<16xf32>
        %mul3A_357 = arith.mulf %unpack3A_351, %unpack3A_354 : vector<16xf32>
        %add3A_358 = arith.addf %add3A_344, %mul3A_357 : vector<16xf32>
        %broadcast_in_dim3A_359 = arith.constant 2 : i32
        %broadcast_in_dim3A_360 = vector.broadcast %broadcast_in_dim3A_359 : i32 to vector<16xi32>
        %gather3A_361 = tpu.vector_load_idx %arg9[%broadcast_in_dim3A_360, %get3A_320] : memref<4x10000xf32, #tpu.memory_space<vmem>>[vector<16xi32>, vector<16xi32>], vector<16xf32>,
        %gather3A_362 = tpu.vector_load_idx %arg10[%broadcast_in_dim3A_360, %get3A_322] : memref<4x10000xf32, #tpu.memory_space<vmem>>[vector<16xi32>, vector<16xi32>], vector<16xf32>,
        %bitcast3A_363 = vector.bitcast %gather3A_361 : vector<16xf32> to vector<32xbf16>
        %unpack3A_364 = tpu.unpack_subelements %bitcast3A_363, 0 {pack_format = #tpu.pack_format<interleaved>} : vector<32xbf16> -> vector<16xf32>
        %unpack3A_365 = tpu.unpack_subelements %bitcast3A_363, 1 {pack_format = #tpu.pack_format<interleaved>} : vector<32xbf16> -> vector<16xf32>
        %bitcast3A_366 = vector.bitcast %gather3A_362 : vector<16xf32> to vector<32xbf16>
        %unpack3A_367 = tpu.unpack_subelements %bitcast3A_366, 0 {pack_format = #tpu.pack_format<interleaved>} : vector<32xbf16> -> vector<16xf32>
        %unpack3A_368 = tpu.unpack_subelements %bitcast3A_366, 1 {pack_format = #tpu.pack_format<interleaved>} : vector<32xbf16> -> vector<16xf32>
        %mul3A_369 = arith.mulf %unpack3A_364, %unpack3A_367 : vector<16xf32>
        %add3A_370 = arith.addf %add3A_356, %mul3A_369 : vector<16xf32>
        %mul3A_371 = arith.mulf %unpack3A_365, %unpack3A_368 : vector<16xf32>
        %add3A_372 = arith.addf %add3A_358, %mul3A_371 : vector<16xf32>
        %broadcast_in_dim3A_373 = arith.constant 3 : i32
        %broadcast_in_dim3A_374 = vector.broadcast %broadcast_in_dim3A_373 : i32 to vector<16xi32>
        %gather3A_375 = tpu.vector_load_idx %arg9[%broadcast_in_dim3A_374, %get3A_320] : memref<4x10000xf32, #tpu.memory_space<vmem>>[vector<16xi32>, vector<16xi32>], vector<16xf32>,
        %gather3A_376 = tpu.vector_load_idx %arg10[%broadcast_in_dim3A_374, %get3A_322] : memref<4x10000xf32, #tpu.memory_space<vmem>>[vector<16xi32>, vector<16xi32>], vector<16xf32>,
        %bitcast3A_377 = vector.bitcast %gather3A_375 : vector<16xf32> to vector<32xbf16>
        %unpack3A_378 = tpu.unpack_subelements %bitcast3A_377, 0 {pack_format = #tpu.pack_format<interleaved>} : vector<32xbf16> -> vector<16xf32>
        %unpack3A_379 = tpu.unpack_subelements %bitcast3A_377, 1 {pack_format = #tpu.pack_format<interleaved>} : vector<32xbf16> -> vector<16xf32>
        %bitcast3A_380 = vector.bitcast %gather3A_376 : vector<16xf32> to vector<32xbf16>
        %unpack3A_381 = tpu.unpack_subelements %bitcast3A_380, 0 {pack_format = #tpu.pack_format<interleaved>} : vector<32xbf16> -> vector<16xf32>
        %unpack3A_382 = tpu.unpack_subelements %bitcast3A_380, 1 {pack_format = #tpu.pack_format<interleaved>} : vector<32xbf16> -> vector<16xf32>
        %mul3A_383 = arith.mulf %unpack3A_378, %unpack3A_381 : vector<16xf32>
        %add3A_384 = arith.addf %add3A_370, %mul3A_383 : vector<16xf32>
        %mul3A_385 = arith.mulf %unpack3A_379, %unpack3A_382 : vector<16xf32>
        %add3A_386 = arith.addf %add3A_372, %mul3A_385 : vector<16xf32>
        %add3A_387 = arith.addf %add3A_384, %add3A_386 : vector<16xf32>
        %mul3A_388 = arith.mulf %mul3A_326, %add3A_387 : vector<16xf32>
        %add3A_389 = arith.addf %add3A_312, %mul3A_388 : vector<16xf32>
        %mul3A_390 = arith.constant 4 : i32
        %mul3A_391 = arith.muli %mul3A_390, %scan3A_161 : i32
        %add3A_392 = arith.constant 3 : i32
        %add3A_393 = arith.addi %mul3A_391, %add3A_392 : i32
        %mul3A_394 = arith.constant 16 : i32
        %mul3A_395 = arith.muli %add3A_393, %mul3A_394 : i32
        %get3A_396 = arith.index_cast %mul3A_395 : i32 to index
        %get3A_397 = tpu.vector_load %arg13[%get3A_396] {strides = array<i32>} : memref<1024xi32, #tpu.memory_space<vmem>>, vector<16xi32>,
        %get3A_398 = arith.index_cast %mul3A_395 : i32 to index
        %get3A_399 = tpu.vector_load %arg15[%get3A_398] {strides = array<i32>} : memref<1024xi32, #tpu.memory_space<vmem>>, vector<16xi32>,
        %get3A_400 = arith.index_cast %mul3A_395 : i32 to index
        %get3A_401 = tpu.vector_load %arg17[%get3A_400] {strides = array<i32>} : memref<1024xf32, #tpu.memory_space<vmem>>, vector<16xf32>,
        %gather3A_402 = tpu.vector_load_idx %arg11[%get3A_399] : memref<10240xf32, #tpu.memory_space<vmem>>[vector<16xi32>], vector<16xf32>,
        %mul3A_403 = arith.mulf %get3A_401, %gather3A_402 : vector<16xf32>
        %broadcast_in_dim3A_404 = arith.constant 0.000000e+00 : f32
        %broadcast_in_dim3A_405 = vector.broadcast %broadcast_in_dim3A_404 : f32 to vector<16xf32>
        %broadcast_in_dim3A_406 = arith.constant 0.000000e+00 : f32
        %broadcast_in_dim3A_407 = vector.broadcast %broadcast_in_dim3A_406 : f32 to vector<16xf32>
        %broadcast_in_dim3A_408 = arith.constant 0 : i32
        %broadcast_in_dim3A_409 = vector.broadcast %broadcast_in_dim3A_408 : i32 to vector<16xi32>
        %gather3A_410 = tpu.vector_load_idx %arg9[%broadcast_in_dim3A_409, %get3A_397] : memref<4x10000xf32, #tpu.memory_space<vmem>>[vector<16xi32>, vector<16xi32>], vector<16xf32>,
        %gather3A_411 = tpu.vector_load_idx %arg10[%broadcast_in_dim3A_409, %get3A_399] : memref<4x10000xf32, #tpu.memory_space<vmem>>[vector<16xi32>, vector<16xi32>], vector<16xf32>,
        %bitcast3A_412 = vector.bitcast %gather3A_410 : vector<16xf32> to vector<32xbf16>
        %unpack3A_413 = tpu.unpack_subelements %bitcast3A_412, 0 {pack_format = #tpu.pack_format<interleaved>} : vector<32xbf16> -> vector<16xf32>
        %unpack3A_414 = tpu.unpack_subelements %bitcast3A_412, 1 {pack_format = #tpu.pack_format<interleaved>} : vector<32xbf16> -> vector<16xf32>
        %bitcast3A_415 = vector.bitcast %gather3A_411 : vector<16xf32> to vector<32xbf16>
        %unpack3A_416 = tpu.unpack_subelements %bitcast3A_415, 0 {pack_format = #tpu.pack_format<interleaved>} : vector<32xbf16> -> vector<16xf32>
        %unpack3A_417 = tpu.unpack_subelements %bitcast3A_415, 1 {pack_format = #tpu.pack_format<interleaved>} : vector<32xbf16> -> vector<16xf32>
        %mul3A_418 = arith.mulf %unpack3A_413, %unpack3A_416 : vector<16xf32>
        %add3A_419 = arith.addf %broadcast_in_dim3A_405, %mul3A_418 : vector<16xf32>
        %mul3A_420 = arith.mulf %unpack3A_414, %unpack3A_417 : vector<16xf32>
        %add3A_421 = arith.addf %broadcast_in_dim3A_407, %mul3A_420 : vector<16xf32>
        %broadcast_in_dim3A_422 = arith.constant 1 : i32
        %broadcast_in_dim3A_423 = vector.broadcast %broadcast_in_dim3A_422 : i32 to vector<16xi32>
        %gather3A_424 = tpu.vector_load_idx %arg9[%broadcast_in_dim3A_423, %get3A_397] : memref<4x10000xf32, #tpu.memory_space<vmem>>[vector<16xi32>, vector<16xi32>], vector<16xf32>,
        %gather3A_425 = tpu.vector_load_idx %arg10[%broadcast_in_dim3A_423, %get3A_399] : memref<4x10000xf32, #tpu.memory_space<vmem>>[vector<16xi32>, vector<16xi32>], vector<16xf32>,
        %bitcast3A_426 = vector.bitcast %gather3A_424 : vector<16xf32> to vector<32xbf16>
        %unpack3A_427 = tpu.unpack_subelements %bitcast3A_426, 0 {pack_format = #tpu.pack_format<interleaved>} : vector<32xbf16> -> vector<16xf32>
        %unpack3A_428 = tpu.unpack_subelements %bitcast3A_426, 1 {pack_format = #tpu.pack_format<interleaved>} : vector<32xbf16> -> vector<16xf32>
        %bitcast3A_429 = vector.bitcast %gather3A_425 : vector<16xf32> to vector<32xbf16>
        %unpack3A_430 = tpu.unpack_subelements %bitcast3A_429, 0 {pack_format = #tpu.pack_format<interleaved>} : vector<32xbf16> -> vector<16xf32>
        %unpack3A_431 = tpu.unpack_subelements %bitcast3A_429, 1 {pack_format = #tpu.pack_format<interleaved>} : vector<32xbf16> -> vector<16xf32>
        %mul3A_432 = arith.mulf %unpack3A_427, %unpack3A_430 : vector<16xf32>
        %add3A_433 = arith.addf %add3A_419, %mul3A_432 : vector<16xf32>
        %mul3A_434 = arith.mulf %unpack3A_428, %unpack3A_431 : vector<16xf32>
        %add3A_435 = arith.addf %add3A_421, %mul3A_434 : vector<16xf32>
        %broadcast_in_dim3A_436 = arith.constant 2 : i32
        %broadcast_in_dim3A_437 = vector.broadcast %broadcast_in_dim3A_436 : i32 to vector<16xi32>
        %gather3A_438 = tpu.vector_load_idx %arg9[%broadcast_in_dim3A_437, %get3A_397] : memref<4x10000xf32, #tpu.memory_space<vmem>>[vector<16xi32>, vector<16xi32>], vector<16xf32>,
        %gather3A_439 = tpu.vector_load_idx %arg10[%broadcast_in_dim3A_437, %get3A_399] : memref<4x10000xf32, #tpu.memory_space<vmem>>[vector<16xi32>, vector<16xi32>], vector<16xf32>,
        %bitcast3A_440 = vector.bitcast %gather3A_438 : vector<16xf32> to vector<32xbf16>
        %unpack3A_441 = tpu.unpack_subelements %bitcast3A_440, 0 {pack_format = #tpu.pack_format<interleaved>} : vector<32xbf16> -> vector<16xf32>
        %unpack3A_442 = tpu.unpack_subelements %bitcast3A_440, 1 {pack_format = #tpu.pack_format<interleaved>} : vector<32xbf16> -> vector<16xf32>
        %bitcast3A_443 = vector.bitcast %gather3A_439 : vector<16xf32> to vector<32xbf16>
        %unpack3A_444 = tpu.unpack_subelements %bitcast3A_443, 0 {pack_format = #tpu.pack_format<interleaved>} : vector<32xbf16> -> vector<16xf32>
        %unpack3A_445 = tpu.unpack_subelements %bitcast3A_443, 1 {pack_format = #tpu.pack_format<interleaved>} : vector<32xbf16> -> vector<16xf32>
        %mul3A_446 = arith.mulf %unpack3A_441, %unpack3A_444 : vector<16xf32>
        %add3A_447 = arith.addf %add3A_433, %mul3A_446 : vector<16xf32>
        %mul3A_448 = arith.mulf %unpack3A_442, %unpack3A_445 : vector<16xf32>
        %add3A_449 = arith.addf %add3A_435, %mul3A_448 : vector<16xf32>
        %broadcast_in_dim3A_450 = arith.constant 3 : i32
        %broadcast_in_dim3A_451 = vector.broadcast %broadcast_in_dim3A_450 : i32 to vector<16xi32>
        %gather3A_452 = tpu.vector_load_idx %arg9[%broadcast_in_dim3A_451, %get3A_397] : memref<4x10000xf32, #tpu.memory_space<vmem>>[vector<16xi32>, vector<16xi32>], vector<16xf32>,
        %gather3A_453 = tpu.vector_load_idx %arg10[%broadcast_in_dim3A_451, %get3A_399] : memref<4x10000xf32, #tpu.memory_space<vmem>>[vector<16xi32>, vector<16xi32>], vector<16xf32>,
        %bitcast3A_454 = vector.bitcast %gather3A_452 : vector<16xf32> to vector<32xbf16>
        %unpack3A_455 = tpu.unpack_subelements %bitcast3A_454, 0 {pack_format = #tpu.pack_format<interleaved>} : vector<32xbf16> -> vector<16xf32>
        %unpack3A_456 = tpu.unpack_subelements %bitcast3A_454, 1 {pack_format = #tpu.pack_format<interleaved>} : vector<32xbf16> -> vector<16xf32>
        %bitcast3A_457 = vector.bitcast %gather3A_453 : vector<16xf32> to vector<32xbf16>
        %unpack3A_458 = tpu.unpack_subelements %bitcast3A_457, 0 {pack_format = #tpu.pack_format<interleaved>} : vector<32xbf16> -> vector<16xf32>
        %unpack3A_459 = tpu.unpack_subelements %bitcast3A_457, 1 {pack_format = #tpu.pack_format<interleaved>} : vector<32xbf16> -> vector<16xf32>
        %mul3A_460 = arith.mulf %unpack3A_455, %unpack3A_458 : vector<16xf32>
        %add3A_461 = arith.addf %add3A_447, %mul3A_460 : vector<16xf32>
        %mul3A_462 = arith.mulf %unpack3A_456, %unpack3A_459 : vector<16xf32>
        %add3A_463 = arith.addf %add3A_449, %mul3A_462 : vector<16xf32>
        %add3A_464 = arith.addf %add3A_461, %add3A_463 : vector<16xf32>
        %mul3A_465 = arith.mulf %mul3A_403, %add3A_464 : vector<16xf32>
        %add3A_466 = arith.addf %add3A_389, %mul3A_465 : vector<16xf32>
        scf.yield %add3A_466 : vector<16xf32>
      }
      %scan3A_131 = arith.constant 16 : i32
      %mul3A_132 = arith.constant 2 : i32
      %mul3A_133 = arith.muli %mul3A_132, %scan3A_103 : i32
      %add3A_134 = arith.constant 1 : i32
      %add3A_135 = arith.addi %mul3A_133, %add3A_134 : i32
      %add3A_136 = arith.constant 1 : i32
      %add3A_137 = arith.addi %add3A_135, %add3A_136 : i32
      %lt3A_138 = arith.constant 40 : i32
      %lt3A_139 = arith.cmpi slt, %add3A_137, %lt3A_138 : i32
      %convert_element_type3A_140 = arith.extui %lt3A_139 : i1 to i32
      %cond3A_141 = arith.constant 0 : i32
      %cond3A_142 = arith.cmpi ne, %convert_element_type3A_140, %cond3A_141 : i32
      scf.if %cond3A_142 {
        %add3A_161 = arith.constant 1 : i32
        %add3A_162 = arith.addi %add3A_135, %add3A_161 : i32
        %mul3A_163 = arith.constant 1024 : i32
        %mul3A_164 = arith.muli %add3A_162, %mul3A_163 : i32
        %add3A_165 = arith.addi %mul3A_83, %mul3A_164 : i32
        %dma_start3A_166 = tpu.memref_slice %arg2[%add3A_165] : memref<327680xi32, #tpu.memory_space<hbm>> -> memref<1024xi32, #tpu.memory_space<hbm>>
        %dma_start3A_167 = tpu.memref_slice %arg2[%add3A_165] : memref<327680xi32, #tpu.memory_space<hbm>> -> memref<1024xi32, #tpu.memory_space<hbm>>
        tpu.enqueue_dma source(%dma_start3A_167 : memref<1024xi32, #tpu.memory_space<hbm>>) target(%arg13 : memref<1024xi32, #tpu.memory_space<vmem>>) target_semaphore(%arg20 : memref<!tpu.dma_semaphore, #tpu.memory_space<semaphore_mem>>)
        %dma_start3A_168 = tpu.memref_slice %arg3[%add3A_165] : memref<327680xi32, #tpu.memory_space<hbm>> -> memref<1024xi32, #tpu.memory_space<hbm>>
        %dma_start3A_169 = tpu.memref_slice %arg3[%add3A_165] : memref<327680xi32, #tpu.memory_space<hbm>> -> memref<1024xi32, #tpu.memory_space<hbm>>
        tpu.enqueue_dma source(%dma_start3A_169 : memref<1024xi32, #tpu.memory_space<hbm>>) target(%arg15 : memref<1024xi32, #tpu.memory_space<vmem>>) target_semaphore(%arg20 : memref<!tpu.dma_semaphore, #tpu.memory_space<semaphore_mem>>)
        %dma_start3A_170 = tpu.memref_slice %arg4[%add3A_165] : memref<327680xf32, #tpu.memory_space<hbm>> -> memref<1024xf32, #tpu.memory_space<hbm>>
        %dma_start3A_171 = tpu.memref_slice %arg4[%add3A_165] : memref<327680xf32, #tpu.memory_space<hbm>> -> memref<1024xf32, #tpu.memory_space<hbm>>
        tpu.enqueue_dma source(%dma_start3A_171 : memref<1024xf32, #tpu.memory_space<hbm>>) target(%arg17 : memref<1024xf32, #tpu.memory_space<vmem>>) target_semaphore(%arg20 : memref<!tpu.dma_semaphore, #tpu.memory_space<semaphore_mem>>)
      } else {
      }
      %dma_wait3A_143 = arith.constant 0 : i32
      %dma_wait3A_144 = tpu.memref_slice %arg2[%dma_wait3A_143] : memref<327680xi32, #tpu.memory_space<hbm>> -> memref<1024xi32, #tpu.memory_space<hbm>>
      %dma_wait3A_145 = arith.constant 0 : i32
      %dma_wait3A_146 = tpu.memref_slice %arg2[%dma_wait3A_145] : memref<327680xi32, #tpu.memory_space<hbm>> -> memref<1024xi32, #tpu.memory_space<hbm>>
      tpu.wait_dma2 semaphore(%arg21 : memref<!tpu.dma_semaphore, #tpu.memory_space<semaphore_mem>>) src(%dma_wait3A_146 : memref<1024xi32, #tpu.memory_space<hbm>>) dst(%arg14 : memref<1024xi32, #tpu.memory_space<vmem>>)
      %dma_wait3A_147 = arith.constant 0 : i32
      %dma_wait3A_148 = tpu.memref_slice %arg2[%dma_wait3A_147] : memref<327680xi32, #tpu.memory_space<hbm>> -> memref<1024xi32, #tpu.memory_space<hbm>>
      %dma_wait3A_149 = arith.constant 0 : i32
      %dma_wait3A_150 = tpu.memref_slice %arg2[%dma_wait3A_149] : memref<327680xi32, #tpu.memory_space<hbm>> -> memref<1024xi32, #tpu.memory_space<hbm>>
      tpu.wait_dma2 semaphore(%arg21 : memref<!tpu.dma_semaphore, #tpu.memory_space<semaphore_mem>>) src(%dma_wait3A_150 : memref<1024xi32, #tpu.memory_space<hbm>>) dst(%arg16 : memref<1024xi32, #tpu.memory_space<vmem>>)
      %dma_wait3A_151 = arith.constant 0 : i32
      %dma_wait3A_152 = tpu.memref_slice %arg4[%dma_wait3A_151] : memref<327680xf32, #tpu.memory_space<hbm>> -> memref<1024xf32, #tpu.memory_space<hbm>>
      %dma_wait3A_153 = arith.constant 0 : i32
      %dma_wait3A_154 = tpu.memref_slice %arg4[%dma_wait3A_153] : memref<327680xf32, #tpu.memory_space<hbm>> -> memref<1024xf32, #tpu.memory_space<hbm>>
      tpu.wait_dma2 semaphore(%arg21 : memref<!tpu.dma_semaphore, #tpu.memory_space<semaphore_mem>>) src(%dma_wait3A_154 : memref<1024xf32, #tpu.memory_space<hbm>>) dst(%arg18 : memref<1024xf32, #tpu.memory_space<vmem>>)
      %scan3A_155 = arith.constant 0 : i32
      %scan3A_156 = arith.constant 16 : i32
      %scan3A_157 = arith.addi %scan3A_155, %scan3A_156 : i32
      %scan3A_158 = arith.constant 1 : i32
      %scan3A_159 = scf.for %scan3A_161 = %scan3A_155 to %scan3A_157 step %scan3A_158 iter_args(%scan3A_162 = %scan3A_130) -> (vector<16xf32>)  : i32 {
        %mul3A_163 = arith.constant 4 : i32
        %mul3A_164 = arith.muli %mul3A_163, %scan3A_161 : i32
        %add3A_165 = arith.constant 0 : i32
        %add3A_166 = arith.addi %mul3A_164, %add3A_165 : i32
        %mul3A_167 = arith.constant 16 : i32
        %mul3A_168 = arith.muli %add3A_166, %mul3A_167 : i32
        %get3A = arith.index_cast %mul3A_168 : i32 to index
        %get3A_169 = tpu.vector_load %arg14[%get3A] {strides = array<i32>} : memref<1024xi32, #tpu.memory_space<vmem>>, vector<16xi32>,
        %get3A_170 = arith.index_cast %mul3A_168 : i32 to index
        %get3A_171 = tpu.vector_load %arg16[%get3A_170] {strides = array<i32>} : memref<1024xi32, #tpu.memory_space<vmem>>, vector<16xi32>,
        %get3A_172 = arith.index_cast %mul3A_168 : i32 to index
        %get3A_173 = tpu.vector_load %arg18[%get3A_172] {strides = array<i32>} : memref<1024xf32, #tpu.memory_space<vmem>>, vector<16xf32>,
        %gather3A = tpu.vector_load_idx %arg11[%get3A_171] : memref<10240xf32, #tpu.memory_space<vmem>>[vector<16xi32>], vector<16xf32>,
        %mul3A_174 = arith.mulf %get3A_173, %gather3A : vector<16xf32>
        %broadcast_in_dim3A_175 = arith.constant 0.000000e+00 : f32
        %broadcast_in_dim3A_176 = vector.broadcast %broadcast_in_dim3A_175 : f32 to vector<16xf32>
        %broadcast_in_dim3A_177 = arith.constant 0.000000e+00 : f32
        %broadcast_in_dim3A_178 = vector.broadcast %broadcast_in_dim3A_177 : f32 to vector<16xf32>
        %broadcast_in_dim3A_179 = arith.constant 0 : i32
        %broadcast_in_dim3A_180 = vector.broadcast %broadcast_in_dim3A_179 : i32 to vector<16xi32>
        %gather3A_181 = tpu.vector_load_idx %arg9[%broadcast_in_dim3A_180, %get3A_169] : memref<4x10000xf32, #tpu.memory_space<vmem>>[vector<16xi32>, vector<16xi32>], vector<16xf32>,
        %gather3A_182 = tpu.vector_load_idx %arg10[%broadcast_in_dim3A_180, %get3A_171] : memref<4x10000xf32, #tpu.memory_space<vmem>>[vector<16xi32>, vector<16xi32>], vector<16xf32>,
        %bitcast3A = vector.bitcast %gather3A_181 : vector<16xf32> to vector<32xbf16>
        %unpack3A = tpu.unpack_subelements %bitcast3A, 0 {pack_format = #tpu.pack_format<interleaved>} : vector<32xbf16> -> vector<16xf32>
        %unpack3A_183 = tpu.unpack_subelements %bitcast3A, 1 {pack_format = #tpu.pack_format<interleaved>} : vector<32xbf16> -> vector<16xf32>
        %bitcast3A_184 = vector.bitcast %gather3A_182 : vector<16xf32> to vector<32xbf16>
        %unpack3A_185 = tpu.unpack_subelements %bitcast3A_184, 0 {pack_format = #tpu.pack_format<interleaved>} : vector<32xbf16> -> vector<16xf32>
        %unpack3A_186 = tpu.unpack_subelements %bitcast3A_184, 1 {pack_format = #tpu.pack_format<interleaved>} : vector<32xbf16> -> vector<16xf32>
        %mul3A_187 = arith.mulf %unpack3A, %unpack3A_185 : vector<16xf32>
        %add3A_188 = arith.addf %broadcast_in_dim3A_176, %mul3A_187 : vector<16xf32>
        %mul3A_189 = arith.mulf %unpack3A_183, %unpack3A_186 : vector<16xf32>
        %add3A_190 = arith.addf %broadcast_in_dim3A_178, %mul3A_189 : vector<16xf32>
        %broadcast_in_dim3A_191 = arith.constant 1 : i32
        %broadcast_in_dim3A_192 = vector.broadcast %broadcast_in_dim3A_191 : i32 to vector<16xi32>
        %gather3A_193 = tpu.vector_load_idx %arg9[%broadcast_in_dim3A_192, %get3A_169] : memref<4x10000xf32, #tpu.memory_space<vmem>>[vector<16xi32>, vector<16xi32>], vector<16xf32>,
        %gather3A_194 = tpu.vector_load_idx %arg10[%broadcast_in_dim3A_192, %get3A_171] : memref<4x10000xf32, #tpu.memory_space<vmem>>[vector<16xi32>, vector<16xi32>], vector<16xf32>,
        %bitcast3A_195 = vector.bitcast %gather3A_193 : vector<16xf32> to vector<32xbf16>
        %unpack3A_196 = tpu.unpack_subelements %bitcast3A_195, 0 {pack_format = #tpu.pack_format<interleaved>} : vector<32xbf16> -> vector<16xf32>
        %unpack3A_197 = tpu.unpack_subelements %bitcast3A_195, 1 {pack_format = #tpu.pack_format<interleaved>} : vector<32xbf16> -> vector<16xf32>
        %bitcast3A_198 = vector.bitcast %gather3A_194 : vector<16xf32> to vector<32xbf16>
        %unpack3A_199 = tpu.unpack_subelements %bitcast3A_198, 0 {pack_format = #tpu.pack_format<interleaved>} : vector<32xbf16> -> vector<16xf32>
        %unpack3A_200 = tpu.unpack_subelements %bitcast3A_198, 1 {pack_format = #tpu.pack_format<interleaved>} : vector<32xbf16> -> vector<16xf32>
        %mul3A_201 = arith.mulf %unpack3A_196, %unpack3A_199 : vector<16xf32>
        %add3A_202 = arith.addf %add3A_188, %mul3A_201 : vector<16xf32>
        %mul3A_203 = arith.mulf %unpack3A_197, %unpack3A_200 : vector<16xf32>
        %add3A_204 = arith.addf %add3A_190, %mul3A_203 : vector<16xf32>
        %broadcast_in_dim3A_205 = arith.constant 2 : i32
        %broadcast_in_dim3A_206 = vector.broadcast %broadcast_in_dim3A_205 : i32 to vector<16xi32>
        %gather3A_207 = tpu.vector_load_idx %arg9[%broadcast_in_dim3A_206, %get3A_169] : memref<4x10000xf32, #tpu.memory_space<vmem>>[vector<16xi32>, vector<16xi32>], vector<16xf32>,
        %gather3A_208 = tpu.vector_load_idx %arg10[%broadcast_in_dim3A_206, %get3A_171] : memref<4x10000xf32, #tpu.memory_space<vmem>>[vector<16xi32>, vector<16xi32>], vector<16xf32>,
        %bitcast3A_209 = vector.bitcast %gather3A_207 : vector<16xf32> to vector<32xbf16>
        %unpack3A_210 = tpu.unpack_subelements %bitcast3A_209, 0 {pack_format = #tpu.pack_format<interleaved>} : vector<32xbf16> -> vector<16xf32>
        %unpack3A_211 = tpu.unpack_subelements %bitcast3A_209, 1 {pack_format = #tpu.pack_format<interleaved>} : vector<32xbf16> -> vector<16xf32>
        %bitcast3A_212 = vector.bitcast %gather3A_208 : vector<16xf32> to vector<32xbf16>
        %unpack3A_213 = tpu.unpack_subelements %bitcast3A_212, 0 {pack_format = #tpu.pack_format<interleaved>} : vector<32xbf16> -> vector<16xf32>
        %unpack3A_214 = tpu.unpack_subelements %bitcast3A_212, 1 {pack_format = #tpu.pack_format<interleaved>} : vector<32xbf16> -> vector<16xf32>
        %mul3A_215 = arith.mulf %unpack3A_210, %unpack3A_213 : vector<16xf32>
        %add3A_216 = arith.addf %add3A_202, %mul3A_215 : vector<16xf32>
        %mul3A_217 = arith.mulf %unpack3A_211, %unpack3A_214 : vector<16xf32>
        %add3A_218 = arith.addf %add3A_204, %mul3A_217 : vector<16xf32>
        %broadcast_in_dim3A_219 = arith.constant 3 : i32
        %broadcast_in_dim3A_220 = vector.broadcast %broadcast_in_dim3A_219 : i32 to vector<16xi32>
        %gather3A_221 = tpu.vector_load_idx %arg9[%broadcast_in_dim3A_220, %get3A_169] : memref<4x10000xf32, #tpu.memory_space<vmem>>[vector<16xi32>, vector<16xi32>], vector<16xf32>,
        %gather3A_222 = tpu.vector_load_idx %arg10[%broadcast_in_dim3A_220, %get3A_171] : memref<4x10000xf32, #tpu.memory_space<vmem>>[vector<16xi32>, vector<16xi32>], vector<16xf32>,
        %bitcast3A_223 = vector.bitcast %gather3A_221 : vector<16xf32> to vector<32xbf16>
        %unpack3A_224 = tpu.unpack_subelements %bitcast3A_223, 0 {pack_format = #tpu.pack_format<interleaved>} : vector<32xbf16> -> vector<16xf32>
        %unpack3A_225 = tpu.unpack_subelements %bitcast3A_223, 1 {pack_format = #tpu.pack_format<interleaved>} : vector<32xbf16> -> vector<16xf32>
        %bitcast3A_226 = vector.bitcast %gather3A_222 : vector<16xf32> to vector<32xbf16>
        %unpack3A_227 = tpu.unpack_subelements %bitcast3A_226, 0 {pack_format = #tpu.pack_format<interleaved>} : vector<32xbf16> -> vector<16xf32>
        %unpack3A_228 = tpu.unpack_subelements %bitcast3A_226, 1 {pack_format = #tpu.pack_format<interleaved>} : vector<32xbf16> -> vector<16xf32>
        %mul3A_229 = arith.mulf %unpack3A_224, %unpack3A_227 : vector<16xf32>
        %add3A_230 = arith.addf %add3A_216, %mul3A_229 : vector<16xf32>
        %mul3A_231 = arith.mulf %unpack3A_225, %unpack3A_228 : vector<16xf32>
        %add3A_232 = arith.addf %add3A_218, %mul3A_231 : vector<16xf32>
        %add3A_233 = arith.addf %add3A_230, %add3A_232 : vector<16xf32>
        %mul3A_234 = arith.mulf %mul3A_174, %add3A_233 : vector<16xf32>
        %add3A_235 = arith.addf %scan3A_162, %mul3A_234 : vector<16xf32>
        %mul3A_236 = arith.constant 4 : i32
        %mul3A_237 = arith.muli %mul3A_236, %scan3A_161 : i32
        %add3A_238 = arith.constant 1 : i32
        %add3A_239 = arith.addi %mul3A_237, %add3A_238 : i32
        %mul3A_240 = arith.constant 16 : i32
        %mul3A_241 = arith.muli %add3A_239, %mul3A_240 : i32
        %get3A_242 = arith.index_cast %mul3A_241 : i32 to index
        %get3A_243 = tpu.vector_load %arg14[%get3A_242] {strides = array<i32>} : memref<1024xi32, #tpu.memory_space<vmem>>, vector<16xi32>,
        %get3A_244 = arith.index_cast %mul3A_241 : i32 to index
        %get3A_245 = tpu.vector_load %arg16[%get3A_244] {strides = array<i32>} : memref<1024xi32, #tpu.memory_space<vmem>>, vector<16xi32>,
        %get3A_246 = arith.index_cast %mul3A_241 : i32 to index
        %get3A_247 = tpu.vector_load %arg18[%get3A_246] {strides = array<i32>} : memref<1024xf32, #tpu.memory_space<vmem>>, vector<16xf32>,
        %gather3A_248 = tpu.vector_load_idx %arg11[%get3A_245] : memref<10240xf32, #tpu.memory_space<vmem>>[vector<16xi32>], vector<16xf32>,
        %mul3A_249 = arith.mulf %get3A_247, %gather3A_248 : vector<16xf32>
        %broadcast_in_dim3A_250 = arith.constant 0.000000e+00 : f32
        %broadcast_in_dim3A_251 = vector.broadcast %broadcast_in_dim3A_250 : f32 to vector<16xf32>
        %broadcast_in_dim3A_252 = arith.constant 0.000000e+00 : f32
        %broadcast_in_dim3A_253 = vector.broadcast %broadcast_in_dim3A_252 : f32 to vector<16xf32>
        %broadcast_in_dim3A_254 = arith.constant 0 : i32
        %broadcast_in_dim3A_255 = vector.broadcast %broadcast_in_dim3A_254 : i32 to vector<16xi32>
        %gather3A_256 = tpu.vector_load_idx %arg9[%broadcast_in_dim3A_255, %get3A_243] : memref<4x10000xf32, #tpu.memory_space<vmem>>[vector<16xi32>, vector<16xi32>], vector<16xf32>,
        %gather3A_257 = tpu.vector_load_idx %arg10[%broadcast_in_dim3A_255, %get3A_245] : memref<4x10000xf32, #tpu.memory_space<vmem>>[vector<16xi32>, vector<16xi32>], vector<16xf32>,
        %bitcast3A_258 = vector.bitcast %gather3A_256 : vector<16xf32> to vector<32xbf16>
        %unpack3A_259 = tpu.unpack_subelements %bitcast3A_258, 0 {pack_format = #tpu.pack_format<interleaved>} : vector<32xbf16> -> vector<16xf32>
        %unpack3A_260 = tpu.unpack_subelements %bitcast3A_258, 1 {pack_format = #tpu.pack_format<interleaved>} : vector<32xbf16> -> vector<16xf32>
        %bitcast3A_261 = vector.bitcast %gather3A_257 : vector<16xf32> to vector<32xbf16>
        %unpack3A_262 = tpu.unpack_subelements %bitcast3A_261, 0 {pack_format = #tpu.pack_format<interleaved>} : vector<32xbf16> -> vector<16xf32>
        %unpack3A_263 = tpu.unpack_subelements %bitcast3A_261, 1 {pack_format = #tpu.pack_format<interleaved>} : vector<32xbf16> -> vector<16xf32>
        %mul3A_264 = arith.mulf %unpack3A_259, %unpack3A_262 : vector<16xf32>
        %add3A_265 = arith.addf %broadcast_in_dim3A_251, %mul3A_264 : vector<16xf32>
        %mul3A_266 = arith.mulf %unpack3A_260, %unpack3A_263 : vector<16xf32>
        %add3A_267 = arith.addf %broadcast_in_dim3A_253, %mul3A_266 : vector<16xf32>
        %broadcast_in_dim3A_268 = arith.constant 1 : i32
        %broadcast_in_dim3A_269 = vector.broadcast %broadcast_in_dim3A_268 : i32 to vector<16xi32>
        %gather3A_270 = tpu.vector_load_idx %arg9[%broadcast_in_dim3A_269, %get3A_243] : memref<4x10000xf32, #tpu.memory_space<vmem>>[vector<16xi32>, vector<16xi32>], vector<16xf32>,
        %gather3A_271 = tpu.vector_load_idx %arg10[%broadcast_in_dim3A_269, %get3A_245] : memref<4x10000xf32, #tpu.memory_space<vmem>>[vector<16xi32>, vector<16xi32>], vector<16xf32>,
        %bitcast3A_272 = vector.bitcast %gather3A_270 : vector<16xf32> to vector<32xbf16>
        %unpack3A_273 = tpu.unpack_subelements %bitcast3A_272, 0 {pack_format = #tpu.pack_format<interleaved>} : vector<32xbf16> -> vector<16xf32>
        %unpack3A_274 = tpu.unpack_subelements %bitcast3A_272, 1 {pack_format = #tpu.pack_format<interleaved>} : vector<32xbf16> -> vector<16xf32>
        %bitcast3A_275 = vector.bitcast %gather3A_271 : vector<16xf32> to vector<32xbf16>
        %unpack3A_276 = tpu.unpack_subelements %bitcast3A_275, 0 {pack_format = #tpu.pack_format<interleaved>} : vector<32xbf16> -> vector<16xf32>
        %unpack3A_277 = tpu.unpack_subelements %bitcast3A_275, 1 {pack_format = #tpu.pack_format<interleaved>} : vector<32xbf16> -> vector<16xf32>
        %mul3A_278 = arith.mulf %unpack3A_273, %unpack3A_276 : vector<16xf32>
        %add3A_279 = arith.addf %add3A_265, %mul3A_278 : vector<16xf32>
        %mul3A_280 = arith.mulf %unpack3A_274, %unpack3A_277 : vector<16xf32>
        %add3A_281 = arith.addf %add3A_267, %mul3A_280 : vector<16xf32>
        %broadcast_in_dim3A_282 = arith.constant 2 : i32
        %broadcast_in_dim3A_283 = vector.broadcast %broadcast_in_dim3A_282 : i32 to vector<16xi32>
        %gather3A_284 = tpu.vector_load_idx %arg9[%broadcast_in_dim3A_283, %get3A_243] : memref<4x10000xf32, #tpu.memory_space<vmem>>[vector<16xi32>, vector<16xi32>], vector<16xf32>,
        %gather3A_285 = tpu.vector_load_idx %arg10[%broadcast_in_dim3A_283, %get3A_245] : memref<4x10000xf32, #tpu.memory_space<vmem>>[vector<16xi32>, vector<16xi32>], vector<16xf32>,
        %bitcast3A_286 = vector.bitcast %gather3A_284 : vector<16xf32> to vector<32xbf16>
        %unpack3A_287 = tpu.unpack_subelements %bitcast3A_286, 0 {pack_format = #tpu.pack_format<interleaved>} : vector<32xbf16> -> vector<16xf32>
        %unpack3A_288 = tpu.unpack_subelements %bitcast3A_286, 1 {pack_format = #tpu.pack_format<interleaved>} : vector<32xbf16> -> vector<16xf32>
        %bitcast3A_289 = vector.bitcast %gather3A_285 : vector<16xf32> to vector<32xbf16>
        %unpack3A_290 = tpu.unpack_subelements %bitcast3A_289, 0 {pack_format = #tpu.pack_format<interleaved>} : vector<32xbf16> -> vector<16xf32>
        %unpack3A_291 = tpu.unpack_subelements %bitcast3A_289, 1 {pack_format = #tpu.pack_format<interleaved>} : vector<32xbf16> -> vector<16xf32>
        %mul3A_292 = arith.mulf %unpack3A_287, %unpack3A_290 : vector<16xf32>
        %add3A_293 = arith.addf %add3A_279, %mul3A_292 : vector<16xf32>
        %mul3A_294 = arith.mulf %unpack3A_288, %unpack3A_291 : vector<16xf32>
        %add3A_295 = arith.addf %add3A_281, %mul3A_294 : vector<16xf32>
        %broadcast_in_dim3A_296 = arith.constant 3 : i32
        %broadcast_in_dim3A_297 = vector.broadcast %broadcast_in_dim3A_296 : i32 to vector<16xi32>
        %gather3A_298 = tpu.vector_load_idx %arg9[%broadcast_in_dim3A_297, %get3A_243] : memref<4x10000xf32, #tpu.memory_space<vmem>>[vector<16xi32>, vector<16xi32>], vector<16xf32>,
        %gather3A_299 = tpu.vector_load_idx %arg10[%broadcast_in_dim3A_297, %get3A_245] : memref<4x10000xf32, #tpu.memory_space<vmem>>[vector<16xi32>, vector<16xi32>], vector<16xf32>,
        %bitcast3A_300 = vector.bitcast %gather3A_298 : vector<16xf32> to vector<32xbf16>
        %unpack3A_301 = tpu.unpack_subelements %bitcast3A_300, 0 {pack_format = #tpu.pack_format<interleaved>} : vector<32xbf16> -> vector<16xf32>
        %unpack3A_302 = tpu.unpack_subelements %bitcast3A_300, 1 {pack_format = #tpu.pack_format<interleaved>} : vector<32xbf16> -> vector<16xf32>
        %bitcast3A_303 = vector.bitcast %gather3A_299 : vector<16xf32> to vector<32xbf16>
        %unpack3A_304 = tpu.unpack_subelements %bitcast3A_303, 0 {pack_format = #tpu.pack_format<interleaved>} : vector<32xbf16> -> vector<16xf32>
        %unpack3A_305 = tpu.unpack_subelements %bitcast3A_303, 1 {pack_format = #tpu.pack_format<interleaved>} : vector<32xbf16> -> vector<16xf32>
        %mul3A_306 = arith.mulf %unpack3A_301, %unpack3A_304 : vector<16xf32>
        %add3A_307 = arith.addf %add3A_293, %mul3A_306 : vector<16xf32>
        %mul3A_308 = arith.mulf %unpack3A_302, %unpack3A_305 : vector<16xf32>
        %add3A_309 = arith.addf %add3A_295, %mul3A_308 : vector<16xf32>
        %add3A_310 = arith.addf %add3A_307, %add3A_309 : vector<16xf32>
        %mul3A_311 = arith.mulf %mul3A_249, %add3A_310 : vector<16xf32>
        %add3A_312 = arith.addf %add3A_235, %mul3A_311 : vector<16xf32>
        %mul3A_313 = arith.constant 4 : i32
        %mul3A_314 = arith.muli %mul3A_313, %scan3A_161 : i32
        %add3A_315 = arith.constant 2 : i32
        %add3A_316 = arith.addi %mul3A_314, %add3A_315 : i32
        %mul3A_317 = arith.constant 16 : i32
        %mul3A_318 = arith.muli %add3A_316, %mul3A_317 : i32
        %get3A_319 = arith.index_cast %mul3A_318 : i32 to index
        %get3A_320 = tpu.vector_load %arg14[%get3A_319] {strides = array<i32>} : memref<1024xi32, #tpu.memory_space<vmem>>, vector<16xi32>,
        %get3A_321 = arith.index_cast %mul3A_318 : i32 to index
        %get3A_322 = tpu.vector_load %arg16[%get3A_321] {strides = array<i32>} : memref<1024xi32, #tpu.memory_space<vmem>>, vector<16xi32>,
        %get3A_323 = arith.index_cast %mul3A_318 : i32 to index
        %get3A_324 = tpu.vector_load %arg18[%get3A_323] {strides = array<i32>} : memref<1024xf32, #tpu.memory_space<vmem>>, vector<16xf32>,
        %gather3A_325 = tpu.vector_load_idx %arg11[%get3A_322] : memref<10240xf32, #tpu.memory_space<vmem>>[vector<16xi32>], vector<16xf32>,
        %mul3A_326 = arith.mulf %get3A_324, %gather3A_325 : vector<16xf32>
        %broadcast_in_dim3A_327 = arith.constant 0.000000e+00 : f32
        %broadcast_in_dim3A_328 = vector.broadcast %broadcast_in_dim3A_327 : f32 to vector<16xf32>
        %broadcast_in_dim3A_329 = arith.constant 0.000000e+00 : f32
        %broadcast_in_dim3A_330 = vector.broadcast %broadcast_in_dim3A_329 : f32 to vector<16xf32>
        %broadcast_in_dim3A_331 = arith.constant 0 : i32
        %broadcast_in_dim3A_332 = vector.broadcast %broadcast_in_dim3A_331 : i32 to vector<16xi32>
        %gather3A_333 = tpu.vector_load_idx %arg9[%broadcast_in_dim3A_332, %get3A_320] : memref<4x10000xf32, #tpu.memory_space<vmem>>[vector<16xi32>, vector<16xi32>], vector<16xf32>,
        %gather3A_334 = tpu.vector_load_idx %arg10[%broadcast_in_dim3A_332, %get3A_322] : memref<4x10000xf32, #tpu.memory_space<vmem>>[vector<16xi32>, vector<16xi32>], vector<16xf32>,
        %bitcast3A_335 = vector.bitcast %gather3A_333 : vector<16xf32> to vector<32xbf16>
        %unpack3A_336 = tpu.unpack_subelements %bitcast3A_335, 0 {pack_format = #tpu.pack_format<interleaved>} : vector<32xbf16> -> vector<16xf32>
        %unpack3A_337 = tpu.unpack_subelements %bitcast3A_335, 1 {pack_format = #tpu.pack_format<interleaved>} : vector<32xbf16> -> vector<16xf32>
        %bitcast3A_338 = vector.bitcast %gather3A_334 : vector<16xf32> to vector<32xbf16>
        %unpack3A_339 = tpu.unpack_subelements %bitcast3A_338, 0 {pack_format = #tpu.pack_format<interleaved>} : vector<32xbf16> -> vector<16xf32>
        %unpack3A_340 = tpu.unpack_subelements %bitcast3A_338, 1 {pack_format = #tpu.pack_format<interleaved>} : vector<32xbf16> -> vector<16xf32>
        %mul3A_341 = arith.mulf %unpack3A_336, %unpack3A_339 : vector<16xf32>
        %add3A_342 = arith.addf %broadcast_in_dim3A_328, %mul3A_341 : vector<16xf32>
        %mul3A_343 = arith.mulf %unpack3A_337, %unpack3A_340 : vector<16xf32>
        %add3A_344 = arith.addf %broadcast_in_dim3A_330, %mul3A_343 : vector<16xf32>
        %broadcast_in_dim3A_345 = arith.constant 1 : i32
        %broadcast_in_dim3A_346 = vector.broadcast %broadcast_in_dim3A_345 : i32 to vector<16xi32>
        %gather3A_347 = tpu.vector_load_idx %arg9[%broadcast_in_dim3A_346, %get3A_320] : memref<4x10000xf32, #tpu.memory_space<vmem>>[vector<16xi32>, vector<16xi32>], vector<16xf32>,
        %gather3A_348 = tpu.vector_load_idx %arg10[%broadcast_in_dim3A_346, %get3A_322] : memref<4x10000xf32, #tpu.memory_space<vmem>>[vector<16xi32>, vector<16xi32>], vector<16xf32>,
        %bitcast3A_349 = vector.bitcast %gather3A_347 : vector<16xf32> to vector<32xbf16>
        %unpack3A_350 = tpu.unpack_subelements %bitcast3A_349, 0 {pack_format = #tpu.pack_format<interleaved>} : vector<32xbf16> -> vector<16xf32>
        %unpack3A_351 = tpu.unpack_subelements %bitcast3A_349, 1 {pack_format = #tpu.pack_format<interleaved>} : vector<32xbf16> -> vector<16xf32>
        %bitcast3A_352 = vector.bitcast %gather3A_348 : vector<16xf32> to vector<32xbf16>
        %unpack3A_353 = tpu.unpack_subelements %bitcast3A_352, 0 {pack_format = #tpu.pack_format<interleaved>} : vector<32xbf16> -> vector<16xf32>
        %unpack3A_354 = tpu.unpack_subelements %bitcast3A_352, 1 {pack_format = #tpu.pack_format<interleaved>} : vector<32xbf16> -> vector<16xf32>
        %mul3A_355 = arith.mulf %unpack3A_350, %unpack3A_353 : vector<16xf32>
        %add3A_356 = arith.addf %add3A_342, %mul3A_355 : vector<16xf32>
        %mul3A_357 = arith.mulf %unpack3A_351, %unpack3A_354 : vector<16xf32>
        %add3A_358 = arith.addf %add3A_344, %mul3A_357 : vector<16xf32>
        %broadcast_in_dim3A_359 = arith.constant 2 : i32
        %broadcast_in_dim3A_360 = vector.broadcast %broadcast_in_dim3A_359 : i32 to vector<16xi32>
        %gather3A_361 = tpu.vector_load_idx %arg9[%broadcast_in_dim3A_360, %get3A_320] : memref<4x10000xf32, #tpu.memory_space<vmem>>[vector<16xi32>, vector<16xi32>], vector<16xf32>,
        %gather3A_362 = tpu.vector_load_idx %arg10[%broadcast_in_dim3A_360, %get3A_322] : memref<4x10000xf32, #tpu.memory_space<vmem>>[vector<16xi32>, vector<16xi32>], vector<16xf32>,
        %bitcast3A_363 = vector.bitcast %gather3A_361 : vector<16xf32> to vector<32xbf16>
        %unpack3A_364 = tpu.unpack_subelements %bitcast3A_363, 0 {pack_format = #tpu.pack_format<interleaved>} : vector<32xbf16> -> vector<16xf32>
        %unpack3A_365 = tpu.unpack_subelements %bitcast3A_363, 1 {pack_format = #tpu.pack_format<interleaved>} : vector<32xbf16> -> vector<16xf32>
        %bitcast3A_366 = vector.bitcast %gather3A_362 : vector<16xf32> to vector<32xbf16>
        %unpack3A_367 = tpu.unpack_subelements %bitcast3A_366, 0 {pack_format = #tpu.pack_format<interleaved>} : vector<32xbf16> -> vector<16xf32>
        %unpack3A_368 = tpu.unpack_subelements %bitcast3A_366, 1 {pack_format = #tpu.pack_format<interleaved>} : vector<32xbf16> -> vector<16xf32>
        %mul3A_369 = arith.mulf %unpack3A_364, %unpack3A_367 : vector<16xf32>
        %add3A_370 = arith.addf %add3A_356, %mul3A_369 : vector<16xf32>
        %mul3A_371 = arith.mulf %unpack3A_365, %unpack3A_368 : vector<16xf32>
        %add3A_372 = arith.addf %add3A_358, %mul3A_371 : vector<16xf32>
        %broadcast_in_dim3A_373 = arith.constant 3 : i32
        %broadcast_in_dim3A_374 = vector.broadcast %broadcast_in_dim3A_373 : i32 to vector<16xi32>
        %gather3A_375 = tpu.vector_load_idx %arg9[%broadcast_in_dim3A_374, %get3A_320] : memref<4x10000xf32, #tpu.memory_space<vmem>>[vector<16xi32>, vector<16xi32>], vector<16xf32>,
        %gather3A_376 = tpu.vector_load_idx %arg10[%broadcast_in_dim3A_374, %get3A_322] : memref<4x10000xf32, #tpu.memory_space<vmem>>[vector<16xi32>, vector<16xi32>], vector<16xf32>,
        %bitcast3A_377 = vector.bitcast %gather3A_375 : vector<16xf32> to vector<32xbf16>
        %unpack3A_378 = tpu.unpack_subelements %bitcast3A_377, 0 {pack_format = #tpu.pack_format<interleaved>} : vector<32xbf16> -> vector<16xf32>
        %unpack3A_379 = tpu.unpack_subelements %bitcast3A_377, 1 {pack_format = #tpu.pack_format<interleaved>} : vector<32xbf16> -> vector<16xf32>
        %bitcast3A_380 = vector.bitcast %gather3A_376 : vector<16xf32> to vector<32xbf16>
        %unpack3A_381 = tpu.unpack_subelements %bitcast3A_380, 0 {pack_format = #tpu.pack_format<interleaved>} : vector<32xbf16> -> vector<16xf32>
        %unpack3A_382 = tpu.unpack_subelements %bitcast3A_380, 1 {pack_format = #tpu.pack_format<interleaved>} : vector<32xbf16> -> vector<16xf32>
        %mul3A_383 = arith.mulf %unpack3A_378, %unpack3A_381 : vector<16xf32>
        %add3A_384 = arith.addf %add3A_370, %mul3A_383 : vector<16xf32>
        %mul3A_385 = arith.mulf %unpack3A_379, %unpack3A_382 : vector<16xf32>
        %add3A_386 = arith.addf %add3A_372, %mul3A_385 : vector<16xf32>
        %add3A_387 = arith.addf %add3A_384, %add3A_386 : vector<16xf32>
        %mul3A_388 = arith.mulf %mul3A_326, %add3A_387 : vector<16xf32>
        %add3A_389 = arith.addf %add3A_312, %mul3A_388 : vector<16xf32>
        %mul3A_390 = arith.constant 4 : i32
        %mul3A_391 = arith.muli %mul3A_390, %scan3A_161 : i32
        %add3A_392 = arith.constant 3 : i32
        %add3A_393 = arith.addi %mul3A_391, %add3A_392 : i32
        %mul3A_394 = arith.constant 16 : i32
        %mul3A_395 = arith.muli %add3A_393, %mul3A_394 : i32
        %get3A_396 = arith.index_cast %mul3A_395 : i32 to index
        %get3A_397 = tpu.vector_load %arg14[%get3A_396] {strides = array<i32>} : memref<1024xi32, #tpu.memory_space<vmem>>, vector<16xi32>,
        %get3A_398 = arith.index_cast %mul3A_395 : i32 to index
        %get3A_399 = tpu.vector_load %arg16[%get3A_398] {strides = array<i32>} : memref<1024xi32, #tpu.memory_space<vmem>>, vector<16xi32>,
        %get3A_400 = arith.index_cast %mul3A_395 : i32 to index
        %get3A_401 = tpu.vector_load %arg18[%get3A_400] {strides = array<i32>} : memref<1024xf32, #tpu.memory_space<vmem>>, vector<16xf32>,
        %gather3A_402 = tpu.vector_load_idx %arg11[%get3A_399] : memref<10240xf32, #tpu.memory_space<vmem>>[vector<16xi32>], vector<16xf32>,
        %mul3A_403 = arith.mulf %get3A_401, %gather3A_402 : vector<16xf32>
        %broadcast_in_dim3A_404 = arith.constant 0.000000e+00 : f32
        %broadcast_in_dim3A_405 = vector.broadcast %broadcast_in_dim3A_404 : f32 to vector<16xf32>
        %broadcast_in_dim3A_406 = arith.constant 0.000000e+00 : f32
        %broadcast_in_dim3A_407 = vector.broadcast %broadcast_in_dim3A_406 : f32 to vector<16xf32>
        %broadcast_in_dim3A_408 = arith.constant 0 : i32
        %broadcast_in_dim3A_409 = vector.broadcast %broadcast_in_dim3A_408 : i32 to vector<16xi32>
        %gather3A_410 = tpu.vector_load_idx %arg9[%broadcast_in_dim3A_409, %get3A_397] : memref<4x10000xf32, #tpu.memory_space<vmem>>[vector<16xi32>, vector<16xi32>], vector<16xf32>,
        %gather3A_411 = tpu.vector_load_idx %arg10[%broadcast_in_dim3A_409, %get3A_399] : memref<4x10000xf32, #tpu.memory_space<vmem>>[vector<16xi32>, vector<16xi32>], vector<16xf32>,
        %bitcast3A_412 = vector.bitcast %gather3A_410 : vector<16xf32> to vector<32xbf16>
        %unpack3A_413 = tpu.unpack_subelements %bitcast3A_412, 0 {pack_format = #tpu.pack_format<interleaved>} : vector<32xbf16> -> vector<16xf32>
        %unpack3A_414 = tpu.unpack_subelements %bitcast3A_412, 1 {pack_format = #tpu.pack_format<interleaved>} : vector<32xbf16> -> vector<16xf32>
        %bitcast3A_415 = vector.bitcast %gather3A_411 : vector<16xf32> to vector<32xbf16>
        %unpack3A_416 = tpu.unpack_subelements %bitcast3A_415, 0 {pack_format = #tpu.pack_format<interleaved>} : vector<32xbf16> -> vector<16xf32>
        %unpack3A_417 = tpu.unpack_subelements %bitcast3A_415, 1 {pack_format = #tpu.pack_format<interleaved>} : vector<32xbf16> -> vector<16xf32>
        %mul3A_418 = arith.mulf %unpack3A_413, %unpack3A_416 : vector<16xf32>
        %add3A_419 = arith.addf %broadcast_in_dim3A_405, %mul3A_418 : vector<16xf32>
        %mul3A_420 = arith.mulf %unpack3A_414, %unpack3A_417 : vector<16xf32>
        %add3A_421 = arith.addf %broadcast_in_dim3A_407, %mul3A_420 : vector<16xf32>
        %broadcast_in_dim3A_422 = arith.constant 1 : i32
        %broadcast_in_dim3A_423 = vector.broadcast %broadcast_in_dim3A_422 : i32 to vector<16xi32>
        %gather3A_424 = tpu.vector_load_idx %arg9[%broadcast_in_dim3A_423, %get3A_397] : memref<4x10000xf32, #tpu.memory_space<vmem>>[vector<16xi32>, vector<16xi32>], vector<16xf32>,
        %gather3A_425 = tpu.vector_load_idx %arg10[%broadcast_in_dim3A_423, %get3A_399] : memref<4x10000xf32, #tpu.memory_space<vmem>>[vector<16xi32>, vector<16xi32>], vector<16xf32>,
        %bitcast3A_426 = vector.bitcast %gather3A_424 : vector<16xf32> to vector<32xbf16>
        %unpack3A_427 = tpu.unpack_subelements %bitcast3A_426, 0 {pack_format = #tpu.pack_format<interleaved>} : vector<32xbf16> -> vector<16xf32>
        %unpack3A_428 = tpu.unpack_subelements %bitcast3A_426, 1 {pack_format = #tpu.pack_format<interleaved>} : vector<32xbf16> -> vector<16xf32>
        %bitcast3A_429 = vector.bitcast %gather3A_425 : vector<16xf32> to vector<32xbf16>
        %unpack3A_430 = tpu.unpack_subelements %bitcast3A_429, 0 {pack_format = #tpu.pack_format<interleaved>} : vector<32xbf16> -> vector<16xf32>
        %unpack3A_431 = tpu.unpack_subelements %bitcast3A_429, 1 {pack_format = #tpu.pack_format<interleaved>} : vector<32xbf16> -> vector<16xf32>
        %mul3A_432 = arith.mulf %unpack3A_427, %unpack3A_430 : vector<16xf32>
        %add3A_433 = arith.addf %add3A_419, %mul3A_432 : vector<16xf32>
        %mul3A_434 = arith.mulf %unpack3A_428, %unpack3A_431 : vector<16xf32>
        %add3A_435 = arith.addf %add3A_421, %mul3A_434 : vector<16xf32>
        %broadcast_in_dim3A_436 = arith.constant 2 : i32
        %broadcast_in_dim3A_437 = vector.broadcast %broadcast_in_dim3A_436 : i32 to vector<16xi32>
        %gather3A_438 = tpu.vector_load_idx %arg9[%broadcast_in_dim3A_437, %get3A_397] : memref<4x10000xf32, #tpu.memory_space<vmem>>[vector<16xi32>, vector<16xi32>], vector<16xf32>,
        %gather3A_439 = tpu.vector_load_idx %arg10[%broadcast_in_dim3A_437, %get3A_399] : memref<4x10000xf32, #tpu.memory_space<vmem>>[vector<16xi32>, vector<16xi32>], vector<16xf32>,
        %bitcast3A_440 = vector.bitcast %gather3A_438 : vector<16xf32> to vector<32xbf16>
        %unpack3A_441 = tpu.unpack_subelements %bitcast3A_440, 0 {pack_format = #tpu.pack_format<interleaved>} : vector<32xbf16> -> vector<16xf32>
        %unpack3A_442 = tpu.unpack_subelements %bitcast3A_440, 1 {pack_format = #tpu.pack_format<interleaved>} : vector<32xbf16> -> vector<16xf32>
        %bitcast3A_443 = vector.bitcast %gather3A_439 : vector<16xf32> to vector<32xbf16>
        %unpack3A_444 = tpu.unpack_subelements %bitcast3A_443, 0 {pack_format = #tpu.pack_format<interleaved>} : vector<32xbf16> -> vector<16xf32>
        %unpack3A_445 = tpu.unpack_subelements %bitcast3A_443, 1 {pack_format = #tpu.pack_format<interleaved>} : vector<32xbf16> -> vector<16xf32>
        %mul3A_446 = arith.mulf %unpack3A_441, %unpack3A_444 : vector<16xf32>
        %add3A_447 = arith.addf %add3A_433, %mul3A_446 : vector<16xf32>
        %mul3A_448 = arith.mulf %unpack3A_442, %unpack3A_445 : vector<16xf32>
        %add3A_449 = arith.addf %add3A_435, %mul3A_448 : vector<16xf32>
        %broadcast_in_dim3A_450 = arith.constant 3 : i32
        %broadcast_in_dim3A_451 = vector.broadcast %broadcast_in_dim3A_450 : i32 to vector<16xi32>
        %gather3A_452 = tpu.vector_load_idx %arg9[%broadcast_in_dim3A_451, %get3A_397] : memref<4x10000xf32, #tpu.memory_space<vmem>>[vector<16xi32>, vector<16xi32>], vector<16xf32>,
        %gather3A_453 = tpu.vector_load_idx %arg10[%broadcast_in_dim3A_451, %get3A_399] : memref<4x10000xf32, #tpu.memory_space<vmem>>[vector<16xi32>, vector<16xi32>], vector<16xf32>,
        %bitcast3A_454 = vector.bitcast %gather3A_452 : vector<16xf32> to vector<32xbf16>
        %unpack3A_455 = tpu.unpack_subelements %bitcast3A_454, 0 {pack_format = #tpu.pack_format<interleaved>} : vector<32xbf16> -> vector<16xf32>
        %unpack3A_456 = tpu.unpack_subelements %bitcast3A_454, 1 {pack_format = #tpu.pack_format<interleaved>} : vector<32xbf16> -> vector<16xf32>
        %bitcast3A_457 = vector.bitcast %gather3A_453 : vector<16xf32> to vector<32xbf16>
        %unpack3A_458 = tpu.unpack_subelements %bitcast3A_457, 0 {pack_format = #tpu.pack_format<interleaved>} : vector<32xbf16> -> vector<16xf32>
        %unpack3A_459 = tpu.unpack_subelements %bitcast3A_457, 1 {pack_format = #tpu.pack_format<interleaved>} : vector<32xbf16> -> vector<16xf32>
        %mul3A_460 = arith.mulf %unpack3A_455, %unpack3A_458 : vector<16xf32>
        %add3A_461 = arith.addf %add3A_447, %mul3A_460 : vector<16xf32>
        %mul3A_462 = arith.mulf %unpack3A_456, %unpack3A_459 : vector<16xf32>
        %add3A_463 = arith.addf %add3A_449, %mul3A_462 : vector<16xf32>
        %add3A_464 = arith.addf %add3A_461, %add3A_463 : vector<16xf32>
        %mul3A_465 = arith.mulf %mul3A_403, %add3A_464 : vector<16xf32>
        %add3A_466 = arith.addf %add3A_389, %mul3A_465 : vector<16xf32>
        scf.yield %add3A_466 : vector<16xf32>
      }
      %scan3A_160 = arith.constant 16 : i32
      scf.yield %scan3A_159 : vector<16xf32>
    }
    %scan3A_98 = arith.constant 20 : i32
    %mul3A_99 = arith.constant -9.99999974E-5 : f32
    %mul3A_100 = vector.broadcast %mul3A_99 : f32 to vector<16xf32>
    %mul3A_101 = arith.mulf %scan3A_97, %mul3A_100 : vector<16xf32>
    %swap3A = arith.constant 0 : index
    %swap3A_102 = tpu.vector_load %arg19[%swap3A] {strides = array<i32>} : memref<16xf32, #tpu.memory_space<vmem>>, vector<16xf32>,
    tpu.vector_store %arg19[%swap3A], %mul3A_101 {strides = array<i32>} : memref<16xf32, #tpu.memory_space<vmem>>, vector<16xf32>,
    "tpu.region"() ({
      %run_scoped3A = tpu.sem_alloc : memref<!tpu.dma_semaphore, #tpu.memory_space<semaphore_mem>>
      %dma_start3A_103 = arith.constant 0 : i32
      %dma_start3A_104 = tpu.memref_slice %arg8[%add3A, %dma_start3A_103] : memref<32x16xf32, #tpu.memory_space<hbm>> -> memref<1x16xf32, #tpu.memory_space<hbm>>
      %dma_start3A_105 = tpu.memref_squeeze %dma_start3A_104 : memref<1x16xf32, #tpu.memory_space<hbm>> -> memref<16xf32, #tpu.memory_space<hbm>>
      %dma_start3A_106 = arith.constant 0 : i32
      %dma_start3A_107 = tpu.memref_slice %arg8[%add3A, %dma_start3A_106] : memref<32x16xf32, #tpu.memory_space<hbm>> -> memref<1x16xf32, #tpu.memory_space<hbm>>
      %dma_start3A_108 = tpu.memref_squeeze %dma_start3A_107 : memref<1x16xf32, #tpu.memory_space<hbm>> -> memref<16xf32, #tpu.memory_space<hbm>>
      tpu.enqueue_dma source(%arg19 : memref<16xf32, #tpu.memory_space<vmem>>) target(%dma_start3A_108 : memref<16xf32, #tpu.memory_space<hbm>>) target_semaphore(%run_scoped3A : memref<!tpu.dma_semaphore, #tpu.memory_space<semaphore_mem>>)
      %dma_wait3A_109 = arith.constant 0 : i32
      %dma_wait3A_110 = tpu.memref_slice %arg8[%add3A, %dma_wait3A_109] : memref<32x16xf32, #tpu.memory_space<hbm>> -> memref<1x16xf32, #tpu.memory_space<hbm>>
      %dma_wait3A_111 = tpu.memref_squeeze %dma_wait3A_110 : memref<1x16xf32, #tpu.memory_space<hbm>> -> memref<16xf32, #tpu.memory_space<hbm>>
      %dma_wait3A_112 = arith.constant 0 : i32
      %dma_wait3A_113 = tpu.memref_slice %arg8[%add3A, %dma_wait3A_112] : memref<32x16xf32, #tpu.memory_space<hbm>> -> memref<1x16xf32, #tpu.memory_space<hbm>>
      %dma_wait3A_114 = tpu.memref_squeeze %dma_wait3A_113 : memref<1x16xf32, #tpu.memory_space<hbm>> -> memref<16xf32, #tpu.memory_space<hbm>>
      tpu.wait_dma2 semaphore(%run_scoped3A : memref<!tpu.dma_semaphore, #tpu.memory_space<semaphore_mem>>) src(%arg19 : memref<16xf32, #tpu.memory_space<vmem>>) dst(%dma_wait3A_114 : memref<16xf32, #tpu.memory_space<hbm>>)
      tpu.yield
    }) : () -> ()
    return
  }
}

module attributes {stable_mosaic.version = 14 : i64} {
  func.func @_tc_proj_body(%arg0: memref<10000x128xf32, #tpu.memory_space<vmem>>, %arg1: memref<8x128xf32, #tpu.memory_space<vmem>>, %arg2: memref<1x8xf32, #tpu.memory_space<vmem>>, %arg3: memref<8x128xf32, #tpu.memory_space<vmem>>, %arg4: memref<1x8xf32, #tpu.memory_space<vmem>>, %arg5: memref<10000x8xf32, #tpu.memory_space<vmem>>, %arg6: memref<10000x8xf32, #tpu.memory_space<vmem>>) attributes {dimension_semantics = [], scalar_prefetch = 0 : i64, scratch_operands = 0 : i64, tpu.core_type = #tpu.core_type<tc>} {
    %get3A = arith.constant 0 : index
    %get3A_0 = arith.constant 0 : index
    %get3A_1 = vector.load %arg0[%get3A, %get3A_0] : memref<10000x128xf32, #tpu.memory_space<vmem>>, vector<10000x128xf32>
    %get3A_2 = arith.constant 0 : index
    %get3A_3 = arith.constant 0 : index
    %get3A_4 = vector.load %arg1[%get3A_2, %get3A_3] : memref<8x128xf32, #tpu.memory_space<vmem>>, vector<8x128xf32>
    %dot_general3A = arith.constant dense<0.000000e+00> : vector<10000x8xf32>
    %dot_general3A_5 = tpu.matmul %get3A_1, %get3A_4, %dot_general3A {dimension_numbers = #tpu.dot_dimension_numbers<[1], [1], [0], [0], [0, 0, 1, 0], [], []>, transpose_lhs_hint = false} : vector<10000x128xf32>, vector<8x128xf32>, vector<10000x8xf32> -> vector<10000x8xf32>
    %get3A_6 = arith.constant 0 : index
    %get3A_7 = arith.constant 0 : index
    %get3A_8 = vector.load %arg2[%get3A_6, %get3A_7] : memref<1x8xf32, #tpu.memory_space<vmem>>, vector<1x8xf32>
    %add3A = vector.broadcast %get3A_8 : vector<1x8xf32> to vector<10000x8xf32>
    %add3A_9 = arith.addf %dot_general3A_5, %add3A : vector<10000x8xf32>
    %swap3A = arith.constant 0 : index
    %swap3A_10 = arith.constant 0 : index
    %swap3A_11 = vector.load %arg5[%swap3A, %swap3A_10] : memref<10000x8xf32, #tpu.memory_space<vmem>>, vector<10000x8xf32>
    tpu.vector_store %arg5[%swap3A, %swap3A_10], %add3A_9 {strides = array<i32>} : memref<10000x8xf32, #tpu.memory_space<vmem>>, vector<10000x8xf32>,
    %get3A_12 = arith.constant 0 : index
    %get3A_13 = arith.constant 0 : index
    %get3A_14 = vector.load %arg3[%get3A_12, %get3A_13] : memref<8x128xf32, #tpu.memory_space<vmem>>, vector<8x128xf32>
    %dot_general3A_15 = arith.constant dense<0.000000e+00> : vector<10000x8xf32>
    %dot_general3A_16 = tpu.matmul %get3A_1, %get3A_14, %dot_general3A_15 {dimension_numbers = #tpu.dot_dimension_numbers<[1], [1], [0], [0], [0, 0, 1, 0], [], []>, transpose_lhs_hint = false} : vector<10000x128xf32>, vector<8x128xf32>, vector<10000x8xf32> -> vector<10000x8xf32>
    %get3A_17 = arith.constant 0 : index
    %get3A_18 = arith.constant 0 : index
    %get3A_19 = vector.load %arg4[%get3A_17, %get3A_18] : memref<1x8xf32, #tpu.memory_space<vmem>>, vector<1x8xf32>
    %add3A_20 = vector.broadcast %get3A_19 : vector<1x8xf32> to vector<10000x8xf32>
    %add3A_21 = arith.addf %dot_general3A_16, %add3A_20 : vector<10000x8xf32>
    %swap3A_22 = arith.constant 0 : index
    %swap3A_23 = arith.constant 0 : index
    %swap3A_24 = vector.load %arg6[%swap3A_22, %swap3A_23] : memref<10000x8xf32, #tpu.memory_space<vmem>>, vector<10000x8xf32>
    tpu.vector_store %arg6[%swap3A_22, %swap3A_23], %add3A_21 {strides = array<i32>} : memref<10000x8xf32, #tpu.memory_space<vmem>>, vector<10000x8xf32>,
    return
  }
}

module attributes {stable_mosaic.version = 14 : i64} {
  func.func @_tc_dense_body(%arg0: memref<10000x32xf32, #tpu.memory_space<vmem>>, %arg1: memref<32x10000xf32, #tpu.memory_space<vmem>>, %arg2: memref<10000x128xf32, #tpu.memory_space<vmem>>, %arg3: memref<32x128xf32, #tpu.memory_space<vmem>>, %arg4: memref<1x128xf32, #tpu.memory_space<vmem>>, %arg5: memref<10000x1xf32, #tpu.memory_space<vmem>>, %arg6: memref<10000x32xf32, #tpu.memory_space<vmem>>, %arg7: memref<32x10000xf32, #tpu.memory_space<vmem>>, %arg8: memref<32x10000xf32, #tpu.memory_space<vmem>>, %arg9: memref<1x1xf32, #tpu.memory_space<vmem>>) attributes {dimension_semantics = [], scalar_prefetch = 0 : i64, scratch_operands = 0 : i64, tpu.core_type = #tpu.core_type<tc>} {
    %get3A = arith.constant 0 : index
    %get3A_0 = arith.constant 0 : index
    %get3A_1 = vector.load %arg0[%get3A, %get3A_0] : memref<10000x32xf32, #tpu.memory_space<vmem>>, vector<10000x32xf32>
    %reduce_max3A = arith.constant dense<0xFF800000> : vector<10000xf32>
    %reduce_max3A_2 = vector.multi_reduction <maximumf>, %get3A_1, %reduce_max3A [1] : vector<10000x32xf32> to vector<10000xf32>
    %broadcast_in_dim3A = vector.shape_cast %reduce_max3A_2 : vector<10000xf32> to vector<10000x1xf32>
    %sub3A = vector.broadcast %broadcast_in_dim3A : vector<10000x1xf32> to vector<10000x32xf32>
    %sub3A_3 = arith.subf %get3A_1, %sub3A : vector<10000x32xf32>
    %exp3A = math.exp %sub3A_3 : vector<10000x32xf32>
    %reduce_sum3A = arith.constant dense<0.000000e+00> : vector<10000xf32>
    %reduce_sum3A_4 = vector.multi_reduction <add>, %exp3A, %reduce_sum3A [1] : vector<10000x32xf32> to vector<10000xf32>
    %broadcast_in_dim3A_5 = vector.shape_cast %reduce_sum3A_4 : vector<10000xf32> to vector<10000x1xf32>
    %div3A = vector.broadcast %broadcast_in_dim3A_5 : vector<10000x1xf32> to vector<10000x32xf32>
    %div3A_6 = arith.divf %exp3A, %div3A : vector<10000x32xf32>
    %swap3A = arith.constant 0 : index
    %swap3A_7 = arith.constant 0 : index
    %swap3A_8 = vector.load %arg6[%swap3A, %swap3A_7] : memref<10000x32xf32, #tpu.memory_space<vmem>>, vector<10000x32xf32>
    tpu.vector_store %arg6[%swap3A, %swap3A_7], %div3A_6 {strides = array<i32>} : memref<10000x32xf32, #tpu.memory_space<vmem>>, vector<10000x32xf32>,
    %get3A_9 = arith.constant 0 : index
    %get3A_10 = arith.constant 0 : index
    %get3A_11 = vector.load %arg1[%get3A_9, %get3A_10] : memref<32x10000xf32, #tpu.memory_space<vmem>>, vector<32x10000xf32>
    %reduce_max3A_12 = arith.constant dense<0xFF800000> : vector<10000xf32>
    %reduce_max3A_13 = vector.multi_reduction <maximumf>, %get3A_11, %reduce_max3A_12 [0] : vector<32x10000xf32> to vector<10000xf32>
    %broadcast_in_dim3A_14 = vector.shape_cast %reduce_max3A_13 : vector<10000xf32> to vector<1x10000xf32>
    %sub3A_15 = vector.broadcast %broadcast_in_dim3A_14 : vector<1x10000xf32> to vector<32x10000xf32>
    %sub3A_16 = arith.subf %get3A_11, %sub3A_15 : vector<32x10000xf32>
    %exp3A_17 = math.exp %sub3A_16 : vector<32x10000xf32>
    %reduce_sum3A_18 = arith.constant dense<0.000000e+00> : vector<10000xf32>
    %reduce_sum3A_19 = vector.multi_reduction <add>, %exp3A_17, %reduce_sum3A_18 [0] : vector<32x10000xf32> to vector<10000xf32>
    %broadcast_in_dim3A_20 = vector.shape_cast %reduce_sum3A_19 : vector<10000xf32> to vector<1x10000xf32>
    %div3A_21 = vector.broadcast %broadcast_in_dim3A_20 : vector<1x10000xf32> to vector<32x10000xf32>
    %div3A_22 = arith.divf %exp3A_17, %div3A_21 : vector<32x10000xf32>
    %swap3A_23 = arith.constant 0 : index
    %swap3A_24 = arith.constant 0 : index
    %swap3A_25 = vector.load %arg7[%swap3A_23, %swap3A_24] : memref<32x10000xf32, #tpu.memory_space<vmem>>, vector<32x10000xf32>
    tpu.vector_store %arg7[%swap3A_23, %swap3A_24], %div3A_22 {strides = array<i32>} : memref<32x10000xf32, #tpu.memory_space<vmem>>, vector<32x10000xf32>,
    %add3A = arith.constant 9.99999993E-9 : f32
    %add3A_26 = vector.broadcast %add3A : f32 to vector<32x10000xf32>
    %add3A_27 = arith.addf %div3A_22, %add3A_26 : vector<32x10000xf32>
    %log3A = math.log %add3A_27 : vector<32x10000xf32>
    %swap3A_28 = arith.constant 0 : index
    %swap3A_29 = arith.constant 0 : index
    %swap3A_30 = vector.load %arg8[%swap3A_28, %swap3A_29] : memref<32x10000xf32, #tpu.memory_space<vmem>>, vector<32x10000xf32>
    tpu.vector_store %arg8[%swap3A_28, %swap3A_29], %log3A {strides = array<i32>} : memref<32x10000xf32, #tpu.memory_space<vmem>>, vector<32x10000xf32>,
    %get3A_31 = arith.constant 0 : index
    %get3A_32 = arith.constant 0 : index
    %get3A_33 = vector.load %arg4[%get3A_31, %get3A_32] : memref<1x128xf32, #tpu.memory_space<vmem>>, vector<1x128xf32>
    %div3A_34 = arith.constant 1.000000e+00 : f32
    %div3A_35 = vector.broadcast %div3A_34 : f32 to vector<1x128xf32>
    %div3A_36 = arith.divf %div3A_35, %get3A_33 : vector<1x128xf32>
    %get3A_37 = arith.constant 0 : index
    %get3A_38 = arith.constant 0 : index
    %get3A_39 = vector.load %arg2[%get3A_37, %get3A_38] : memref<10000x128xf32, #tpu.memory_space<vmem>>, vector<10000x128xf32>
    %mul3A = vector.broadcast %div3A_36 : vector<1x128xf32> to vector<10000x128xf32>
    %mul3A_40 = arith.mulf %get3A_39, %mul3A : vector<10000x128xf32>
    %get3A_41 = arith.constant 0 : index
    %get3A_42 = arith.constant 0 : index
    %get3A_43 = vector.load %arg3[%get3A_41, %get3A_42] : memref<32x128xf32, #tpu.memory_space<vmem>>, vector<32x128xf32>
    %dot_general3A = arith.constant dense<0.000000e+00> : vector<10000x32xf32>
    %dot_general3A_44 = tpu.matmul %mul3A_40, %get3A_43, %dot_general3A {dimension_numbers = #tpu.dot_dimension_numbers<[1], [1], [0], [0], [0, 0, 1, 0], [], []>, transpose_lhs_hint = false} : vector<10000x128xf32>, vector<32x128xf32>, vector<10000x32xf32> -> vector<10000x32xf32>
    %mul3A_45 = arith.mulf %get3A_39, %mul3A_40 : vector<10000x128xf32>
    %reduce_sum3A_46 = arith.constant dense<0.000000e+00> : vector<10000xf32>
    %reduce_sum3A_47 = vector.multi_reduction <add>, %mul3A_45, %reduce_sum3A_46 [1] : vector<10000x128xf32> to vector<10000xf32>
    %broadcast_in_dim3A_48 = vector.shape_cast %reduce_sum3A_47 : vector<10000xf32> to vector<10000x1xf32>
    %get3A_49 = arith.constant 0 : index
    %get3A_50 = arith.constant 0 : index
    %get3A_51 = vector.load %arg3[%get3A_49, %get3A_50] : memref<32x128xf32, #tpu.memory_space<vmem>>, vector<32x128xf32>
    %get3A_52 = arith.constant 0 : index
    %get3A_53 = arith.constant 0 : index
    %get3A_54 = vector.load %arg3[%get3A_52, %get3A_53] : memref<32x128xf32, #tpu.memory_space<vmem>>, vector<32x128xf32>
    %mul3A_55 = arith.mulf %get3A_51, %get3A_54 : vector<32x128xf32>
    %dot_general3A_56 = arith.constant dense<0.000000e+00> : vector<1x32xf32>
    %dot_general3A_57 = tpu.matmul %div3A_36, %mul3A_55, %dot_general3A_56 {dimension_numbers = #tpu.dot_dimension_numbers<[1], [1], [0], [0], [0, 0, 1, 0], [], []>, transpose_lhs_hint = false} : vector<1x128xf32>, vector<32x128xf32>, vector<1x32xf32> -> vector<1x32xf32>
    %get3A_58 = arith.constant 0 : index
    %get3A_59 = arith.constant 0 : index
    %get3A_60 = vector.load %arg5[%get3A_58, %get3A_59] : memref<10000x1xf32, #tpu.memory_space<vmem>>, vector<10000x1xf32>
    %mul3A_61 = arith.constant 2.000000e+00 : f32
    %mul3A_62 = vector.broadcast %mul3A_61 : f32 to vector<10000x1xf32>
    %mul3A_63 = arith.mulf %mul3A_62, %get3A_60 : vector<10000x1xf32>
    %mul3A_64 = vector.broadcast %mul3A_63 : vector<10000x1xf32> to vector<10000x32xf32>
    %mul3A_65 = arith.mulf %mul3A_64, %dot_general3A_44 : vector<10000x32xf32>
    %sub3A_66 = vector.broadcast %broadcast_in_dim3A_48 : vector<10000x1xf32> to vector<10000x32xf32>
    %sub3A_67 = arith.subf %sub3A_66, %mul3A_65 : vector<10000x32xf32>
    %mul3A_68 = arith.mulf %get3A_60, %get3A_60 : vector<10000x1xf32>
    %mul3A_69 = vector.broadcast %mul3A_68 : vector<10000x1xf32> to vector<10000x32xf32>
    %mul3A_70 = vector.broadcast %dot_general3A_57 : vector<1x32xf32> to vector<10000x32xf32>
    %mul3A_71 = arith.mulf %mul3A_69, %mul3A_70 : vector<10000x32xf32>
    %add3A_72 = arith.addf %sub3A_67, %mul3A_71 : vector<10000x32xf32>
    %mul3A_73 = arith.constant -5.000000e-01 : f32
    %mul3A_74 = vector.broadcast %mul3A_73 : f32 to vector<10000x32xf32>
    %mul3A_75 = arith.mulf %mul3A_74, %add3A_72 : vector<10000x32xf32>
    %mul3A_76 = arith.mulf %div3A_6, %mul3A_75 : vector<10000x32xf32>
    %reduce_sum3A_77 = vector.shape_cast %mul3A_76 : vector<10000x32xf32> to vector<1x10000x32xf32>
    %reduce_sum3A_78 = arith.constant dense<0.000000e+00> : vector<1xf32>
    %reduce_sum3A_79 = vector.multi_reduction <add>, %reduce_sum3A_77, %reduce_sum3A_78 [1, 2] : vector<1x10000x32xf32> to vector<1xf32>
    %reduce_sum3A_80 = vector.shape_cast %reduce_sum3A_79 : vector<1xf32> to vector<1x1x1xf32>
    %reduce_sum3A_81 = vector.extract %reduce_sum3A_80[0, 0, 0] : f32 from vector<1x1x1xf32>
    %mul3A_82 = arith.constant 9.99999974E-5 : f32
    %mul3A_83 = arith.mulf %reduce_sum3A_81, %mul3A_82 : f32
    %reshape3A = vector.broadcast %mul3A_83 : f32 to vector<1x1xf32>
    %swap3A_84 = arith.constant 0 : index
    %swap3A_85 = arith.constant 0 : index
    %swap3A_86 = vector.load %arg9[%swap3A_84, %swap3A_85] : memref<1x1xf32, #tpu.memory_space<vmem>>, vector<1x1xf32>
    tpu.vector_store %arg9[%swap3A_84, %swap3A_85], %reshape3A {strides = array<i32>} : memref<1x1xf32, #tpu.memory_space<vmem>>, vector<1x1xf32>,
    return
  }
}

</mosaic_0001>

<sc_bundles>
// kernel: kernel.6.cloned.1.call-start
scs
__scs_entry_jumppad:
0x0: {  	(pc) =	sbr.rel $0x88, $3  }
0x1: {  	(tag) =	ssettag $0x0;
	lr =	simm.s32 $0x1  }
0x2: {  	[smem:$0x3F96] =	sst lr;
	_ =	strace $0xD0000000  }
0x3: {  	_ = 	snop  }
0x4: {  	_ = 	snop  }
0x5: {  	_ = 	snop  }
0x6: {  	_ = 	snop  }
0x7: {  	_ = 	snop  }
__scs_overlays_trampoline_lowered:
0x8: {  	[smem:$0x3FA5] =	sst s0  }
0x9: {  	[smem:$0x3FA6] =	sst s1  }
0xa: {  	[smem:$0x3FA7] =	sst s2  }
0xb: {  	[smem:$0x3FA8] =	sst s3  }
0xc: {  	[smem:$0x3FA9] =	sst s4  }
0xd: {  	[smem:$0x3FAA] =	sst s5  }
0xe: {  	[smem:$0x3FAB] =	sst s6  }
0xf: {  	[smem:$0x3FAC] =	sst s7  }
0x10: {  	[smem:$0x3FAD] =	sst s8  }
0x11: {  	[smem:$0x3FAE] =	sst s9;
	s0 =	simm.s32 @!p0 $0x0  }
0x12: {  	s1 =	sld [smem:$0x3F94];
	s0 =	simm.s32 @p0 $0x1  }
0x13: {  	[smem:$0x3FAF] =	sst s0;
	s0 =	simm.s32 @!p1 $0x0  }
0x14: {  	s2 =	sld [smem:$0x3F93];
	s0 =	simm.s32 @p1 $0x1  }
0x15: {  	[smem:$0x3FB0] =	sst s0;
	s0 =	simm.s32 @!p2 $0x0  }
0x16: {  	s3 =	sld [smem:$0x3FDB];
	s0 =	simm.s32 @p2 $0x1  }
0x17: {  	s4 =	simm.s32 $0x1BF5;
	[smem:$0x3FB2] =	sst s0  }
0x18: {  	s0 =	sld [smem:$0x3F95];
	_ =	swait.ge [sflag:s4], $0x0  }
0x19: {  	s7 =	sld [smem:$0x3F96]  }
0x1a: {  	s8 =	sadd.s32 $0xFFFFE003, lr  }
0x1b: {  	s9 =	sadd.s32 $0xFFFFFEF7, lr;
	s5 =	simm.s32 $0xFFFFFFFF;
	p2 =	slt.u32 s8, $0xFFFFF086  }
0x1c: {  	p1 =	slt.u32 s9, $0xF7A;
	s5 =	simm.s32 @!p2 $0x0  }
0x1d: {  	s5 =	simm.s32 @p1 $0x1;
	p0 =	seq.s32 s7, s2  }
0x1e: {  	s7 =	smul.u32 @!p0 $0xF7A, s2;
	p2 =	seq.s32 @!p0 s5, $0x0  }
0x1f: {  	s9 =	smul.u32 $0xF7A, s1;
	s8 =	simm.s32 @!p0 $0x1BF5;
	p2 =	por !p2, p0  }
0x20: {  	[sflag:s8] =	ssyncset.s32 @!p0 $0xFFFFF086;
	s6 =	sadd.s32 @!p0 s3, s7;
	s7 =	simm.s32 @!p0 $0x108  }
0x21: {  	s3 =	sadd.s32 s3, s9;
	s6 =	sadd.s32 @!p0 $0x88, s6;
	s7 =	simm.s32 @p2 $0x1082  }
0x22: {  	[simem:s7], [sflag:s8] =	dma.local @!p0 [hbm:s6], $0xF7A  }
0x23: {  	s9 =	sor.u32 $0xD0000000, s2;
	s6 =	simm.s32 $0x108;
	_ =	swait.ge @!p0 [sflag:s8], $0x0  }
0x24: {  	s3 =	sadd.s32 $0x88, s3;
	s6 =	simm.s32 @!p1 $0x1082;
	[sflag:s4] =	ssyncset.s32 $0xFFFFF086  }
0x25: {  	[simem:s6], [sflag:s4] =	dma.local [hbm:s3], $0xF7A  }
0x26: {  	[smem:$0x3F96] =	sst s1;
	(tag) =	ssettag s2;
	_ =	strace s9  }
0x27: {  	s1 =	sld [smem:$0x3FA6]  }
0x28: {  	s2 =	sld [smem:$0x3FA7]  }
0x29: {  	s4 =	sld [smem:$0x3FA9]  }
0x2a: {  	p0 =	seq.s32 s5, $0x0;
	s5 =	sld [smem:$0x3FAA]  }
0x2b: {  	s6 =	sld [smem:$0x3FAB]  }
0x2c: {  	s7 =	sld [smem:$0x3FAC]  }
0x2d: {  	s3 =	simm.s32 $0x108;
	s8 =	sld [smem:$0x3FAD]  }
0x2e: {  	s3 =	simm.s32 @!p0 $0x1082;
	s9 =	sld [smem:$0x3FAE]  }
0x2f: {  	lr =	sadd.s32 s0, s3;
	s0 =	sld [smem:$0x3FA5]  }
0x30: {  	s3 =	sld [smem:$0x3FA8]  }
0x31: {  	[smem:$0x3FB1] =	sst s10  }
0x32: {  	s10 =	sld [smem:$0x3FAF];
	_ =	sdelay $0x3  }
0x33: {  	p0 =	seq.s32 s10, $0x1;
	s10 =	sld [smem:$0x3FB1];
	_ =	sdelay $0x3  }
0x34: {  	[smem:$0x3FB1] =	sst s10  }
0x35: {  	s10 =	sld [smem:$0x3FB0];
	_ =	sdelay $0x3  }
0x36: {  	p1 =	seq.s32 s10, $0x1;
	s10 =	sld [smem:$0x3FB1];
	_ =	sdelay $0x3  }
0x37: {  	[smem:$0x3FB1] =	sst s10  }
0x38: {  	s10 =	sld [smem:$0x3FB2]  }
0x39: {  	_ = 	snop;
	(pc) =	sbr.ind lr, $3  }
0x3a: {  	_ = 	snop  }
0x3b: {  	_ = 	snop  }
0x3c: {  	p2 =	seq.s32 s10, $0x1;
	s10 =	sld [smem:$0x3FB1]  }
0x3d: {  	_ =	shalt  }
0x3e: {  	_ =	shalt  }
0x3f: {  	_ =	shalt  }
0x40: {  	_ =	shalt  }
0x41: {  	_ =	shalt  }
0x42: {  	_ =	shalt  }
0x43: {  	_ =	shalt  }
0x44: {  	_ =	shalt  }
0x45: {  	_ =	shalt  }
0x46: {  	_ =	shalt  }
0x47: {  	_ =	shalt  }
0x48: {  	_ =	shalt  }
0x49: {  	_ =	shalt  }
0x4a: {  	_ =	shalt  }
0x4b: {  	_ =	shalt  }
0x4c: {  	_ =	shalt  }
0x4d: {  	_ =	shalt  }
0x4e: {  	_ =	shalt  }
0x4f: {  	_ =	shalt  }
0x50: {  	_ =	shalt  }
0x51: {  	_ =	shalt  }
0x52: {  	_ =	shalt  }
0x53: {  	_ =	shalt  }
0x54: {  	_ =	shalt  }
0x55: {  	_ =	shalt  }
0x56: {  	_ =	shalt  }
0x57: {  	_ =	shalt  }
0x58: {  	_ =	shalt  }
0x59: {  	_ =	shalt  }
0x5a: {  	_ =	shalt  }
0x5b: {  	_ =	shalt  }
0x5c: {  	_ =	shalt  }
0x5d: {  	_ =	shalt  }
0x5e: {  	_ =	shalt  }
0x5f: {  	_ =	shalt  }
0x60: {  	_ =	shalt  }
0x61: {  	_ =	shalt  }
0x62: {  	_ =	shalt  }
0x63: {  	_ =	shalt  }
0x64: {  	_ =	shalt  }
0x65: {  	_ =	shalt  }
0x66: {  	_ =	shalt  }
0x67: {  	_ =	shalt  }
0x68: {  	_ =	shalt  }
0x69: {  	_ =	shalt  }
0x6a: {  	_ =	shalt  }
0x6b: {  	_ =	shalt  }
0x6c: {  	_ =	shalt  }
0x6d: {  	_ =	shalt  }
0x6e: {  	_ =	shalt  }
0x6f: {  	_ =	shalt  }
0x70: {  	_ =	shalt  }
0x71: {  	_ =	shalt  }
0x72: {  	_ =	shalt  }
0x73: {  	_ =	shalt  }
0x74: {  	_ =	shalt  }
0x75: {  	_ =	shalt  }
0x76: {  	_ =	shalt  }
0x77: {  	_ =	shalt  }
0x78: {  	_ =	shalt  }
0x79: {  	_ =	shalt  }
0x7a: {  	_ =	shalt  }
0x7b: {  	_ =	shalt  }
0x7c: {  	_ =	shalt  }
0x7d: {  	_ =	shalt  }
0x7e: {  	_ =	shalt  }
0x7f: {  	_ =	shalt  }
0x80: {  	_ =	shalt  }
0x81: {  	_ =	shalt  }
0x82: {  	_ =	shalt  }
0x83: {  	_ =	shalt  }
0x84: {  	_ =	shalt  }
0x85: {  	_ =	shalt  }
0x86: {  	_ =	shalt  }
0x87: {  	_ =	shalt  }
.Lfunc_end0:
.L_simem_size_0:
called_computation_lowered:
.L_overlay_start_0:
0x88: {  	s2 =	sld [smem:$0x3FD9]  }
0x89: {  	s3 =	sld [smem:$0x3FFE];
	_ =	sdelay $0x1  }
0x8a: {  	s1 =	srdreg.scid  }
0x8b: {  	s0 =	sand.u32 $0x1, s1  }
0x8c: {  	s14 =	sshll.u32 s0, $0xA;
	s2 =	sadd.s32 s3, s2  }
0x8d: {  	s2 =	sadd.s32 s2, s14  }
0x8e: {  	[smem:$0x3FBD] =	sst s2  }
0x8f: {  	_ = 	snop  }
0x90: {  	s2 =	sld [smem:$0x3FD0];
	_ =	sdelay $0x2  }
0x91: {  	s15 =	simm.s32 $0xA;
	s4 =	simm.s32 $0x10  }
0x92: {  	[smem:s4], [sflag:s15] =	dma.local [hbm:s2], $0x1  }
0x93: {  	_ =	swait.eq [sflag:s15], $0x1  }
0x94: {  	[sflag:s15] =	ssyncset.done $0x0  }
0x95: {  	s16 =	sld [smem:$0x11];
	[sflag:s15] =	ssyncadd.s32 $0xFFFFFFFF  }
0x96: {  	s17 =	sld [smem:$0x12];
	(tm) =	ssettm $0x1  }
0x97: {  	s18 =	sld [smem:$0x3FFB];
	_ =	sdelay $0x3  }
0x98: {  	_ =	strace s18  }
0x99: {  	s4 =	sld [smem:$0x3FFC];
	_ =	sdelay $0x3  }
0x9a: {  	_ =	strace s4  }
0x9b: {  	s4 =	sld [smem:$0x3FFD];
	_ =	sdelay $0x3  }
0x9c: {  	_ =	strace s4  }
0x9d: {  	_ =	strace $0x8FFFFFFF  }
0x9e: {  	s19 =	sld [smem:$0x3FDB];
	_ =	sdelay $0x1  }
0x9f: {  	s5 =	simm.s32 $_scs_section_size  }
0xa0: {  	s6 =	simm.s32 $_size__tile_overlayer_lowered;
	s7 =	simm.s32 $_tile_overlayer_lowered  }
0xa1: {  	s22 =	simm.s32 $0x1BFF;
	s21 =	sshll.u32 s7, $0x1;
	s4 =	sadd.s32 s5, s19  }
0xa2: {  	s8 =	simm.s32 $0x0;
	s20 =	sshll.u32 s6, $0x1;
	s6 =	sadd.s32 s21, s4  }
0xa3: {  	[timem:s8], [sflag:s22] =	dma.local [hbm:s6], s20  }
0xa4: {  	_ =	swait.ge [sflag:s22], s20  }
0xa5: {  	s5 =	ssub.s32 $0x0, s20;
	[sflag:s22] =	ssyncset.done $0x0  }
0xa6: {  	[sflag:s22] =	ssyncadd.s32 s5;
	_ =	sdelay $0x1  }
0xa7: {  	s23 =	simm.s32 $0x1B8B  }
0xa8: {  	_ =	swait.ge [sflag:s23], $0x1  }
0xa9: {  	[sflag:s23] =	ssyncset.done $0x0  }
0xaa: {  	s25 =	simm.s32 $0x1B8E;
	s24 =	sld [smem:$0x3FFE];
	[sflag:s23] =	ssyncadd.s32 $0xFFFFFFFF  }
0xab: {  	s26 =	simm.s32 $execute0_lowered;
	[smem:$0x3FD2] =	sst s25  }
0xac: {  	s6 =	sshll.u32 s26, $0x1;
	_ =	strace $0x80000046;
	[dreg:$0x1] =	wrdreg $0xFFFFFFFF  }
0xad: {  	s28 =	simm.s32 $_size_execute0_lowered;
	s4 =	sadd.s32 s4, s6;
	[dreg:$0x0] =	wrdreg $0x0  }
0xae: {  	s6 =	sshll.u32 s28, $0x1;
	[dreg:$0x2] =	wrdreg s4  }
0xaf: {  	[dreg:$0x3] =	wrdreg s6  }
0xb0: {  	[dreg:$0x4] =	wrdreg $0xC0  }
0xb1: {  	_ =	task [dreg:s8], $0x5FFFF  }
0xb2: {  	[dreg:$0x1] =	wrdreg $0xFFFFFFFF  }
0xb3: {  	[dreg:$0x0] =	wrdreg $0x60  }
0xb4: {  	[dreg:$0x2] =	wrdreg s24  }
0xb5: {  	[dreg:$0x3] =	wrdreg s17  }
0xb6: {  	[dreg:$0x4] =	wrdreg s16  }
0xb7: {  	[dreg:$0x5] =	wrdreg $0x1B3100  }
0xb8: {  	[dreg:$0x6] =	wrdreg $0x9  }
0xb9: {  	_ =	task.clear_ibuf [dreg:s8], $0x7FFFF;
	_ =	strace $0x90000046  }
0xba: {  	s29 =	simm.s32 $0x9;
	_ =	strace $0x80000048  }
0xbb: {  	_ =	swait.ge [sflag:s29], $0x1  }
0xbc: {  	[sflag:s29] =	ssyncadd.s32 $0xFFFFFFFF  }
0xbd: {  	_ =	strace $0x90000048  }
0xbe: {  	_ =	sfence  }
0xbf: {  	s30 =	sld [smem:$0x0];
	_ =	sdelay $0x2  }
0xc0: {  	s31 =	sshll.u32 s1, $0xD;
	s1 =	sshrl.u32 s1, $0x2  }
0xc1: {  	s3 =	sand.u32 $0x4000, s31;
	s1 =	sadd.s32 s1, s30  }
0xc2: {  	s0 =	sor.u32 s3, s0;
	s1 =	sshll.u32 s1, $0x11  }
0xc3: {  	s0 =	sor.u32 s1, s0  }
0xc4: {  	s0 =	sadd.s32 $0x8F2B, s0  }
0xc5: {  	[sflag:s0] =	ssyncadd.remote.s32 $0x1  }
0xc6: {  	_ =	sfence.sel $0xFFFF  }
0xc7: {  	[dreg:$0x0] =	wrdreg $0xFFFFFFFF;
	(pc) =	sbr.abs _section_cstart, $3  }
0xc8: {  	[dreg:$0x1] =	wrdreg $0xFFFFFFFF  }
0xc9: {  	_ =	task.clear_ibuf [dreg:s8], $0x2FFFF;
	_ =	strace $0x9FFFFFFF  }
0xca: {  	(tm) =	ssettm $0x7FFFFFFF  }
0xcb: {  	_ =	shalt  }
tec
execute0_lowered:
.L_overlay_start_1:
0x0: {  	(tag) =	ssettag $0x1  }
0x1: {  	s6 =	rddreg [dreg:$0x0]  }
0x2: {  	s1 =	rddreg [dreg:$0x1]  }
0x3: {  	s2 =	srdreg.scid;
	s3 =	rddreg [dreg:$0x2]  }
0x4: {  	s0 =	stileid.u32;
	s4 =	rddreg [dreg:$0x3];
	s5 =	simm.s32 $0x0  }
0x5: {  	s14 =	simm.s32 $0x2;
	s15 =	simm.s32 $0x1B090;
	s16 =	simm.s32 $0x3  }
0x6: {  	s17 =	simm.s32 $0x80;
	s18 =	simm.s32 $0x1;
	s19 =	simm.s32 $0x18880  }
0x7: {  	s7 =	sand.u32 $0x1, s2;
	s8 =	smul.u32 $0x280, s0;
	s2 =	rddreg [dreg:$0x4]  }
0x8: {  	s20 =	simm.s32 $0x0;
	[smem:$0x7FF] =	sst s5;
	s13 =	smul.u32 $0x2800, s0  }
0x9: {  	s9 =	sshll.u32 s7, $0x4;
	s10 =	smul.u32 $0x2800, s7;
	_ =	strace $0x80000047  }
0xa: {  	s11 =	ssub.s32 $0x2, s7;
	s12 =	smul.u32 $0x28000, s7;
	s9 =	sor.u32 s0, s9  }
0xb: {  	s31 =	sshrl.u32 s11, $0x1;
	s9 =	smul.u32 $0x500, s9;
	s10 =	sadd.s32 s8, s10  }
0xc: {  	s11 =	ssub.s32 s11, s31;
	s8 =	sadd.s32 s8, s4;
	s12 =	sadd.s32 s13, s12  }
0xd: {  	s13 =	simm.s32 $0x1B080;
	s10 =	sshrl.u32 s10, $0x3;
	s9 =	sadd.s32 s9, s6  }
0xe: {  	s11 =	smax.u32 s11, $0x1;
	s10 =	sadd.s32 s10, s6;
	s6 =	sadd.s32 $0xB200, s9  }
0xf: {  	v0 =	vimm.f32 $0.0e+00;
	s7 =	sadd.s32 $0x1200, s9;
	s9 =	sadd.s32 $0x15200, s9;
	s10 =	sadd.s32 $0x1F200, s10  }
.LBB2_1:
0x10: {  	[tilespmem:s5], [sflag:$0x2] =	stream.linear.gather [hbm4b:s1+s5], $0x13880, $0x38;
	[tilespmem:$0x1B590] =	vst v63  }
0x11: {  	s21 =	simm.s32 $0x13880  }
0x12: {  	[tilespmem:s21], [sflag:$0x2] =	stream.linear.gather [hbm4b:s6+s5], $0x2800, $0x38;
	[tilespmem:$0x1B590] =	vst v63  }
0x13: {  	s22 =	simm.s32 $0x16080  }
0x14: {  	[tilespmem:s22], [sflag:$0x2] =	stream.linear.gather [hbm4b:s7+s5], $0x2800, $0x38;
	[tilespmem:$0x1B590] =	vst v63  }
0x15: {  	_ = 	snop  }
0x16: {  	[tilespmem:s13], [sflag:$0x2] =	stream.linear.gather [hbm4b:s3+s5], $0x10, $0x38;
	[tilespmem:$0x1B590] =	vst v63  }
0x17: {  	_ =	swait.ge [sflag:s14], $0x13880  }
0x18: {  	[sflag:s14] =	ssyncset.done $0x0  }
0x19: {  	[sflag:s14] =	ssyncadd.s32 $0xFFFEC780  }
0x1a: {  	_ =	swait.ge [sflag:s14], $0x2800  }
0x1b: {  	[sflag:s14] =	ssyncset.done $0x0  }
0x1c: {  	[sflag:s14] =	ssyncadd.s32 $0xFFFFD800  }
0x1d: {  	_ =	swait.ge [sflag:s14], $0x2800  }
0x1e: {  	[sflag:s14] =	ssyncset.done $0x0  }
0x1f: {  	[sflag:s14] =	ssyncadd.s32 $0xFFFFD800  }
0x20: {  	_ =	swait.ge [sflag:s14], $0x10  }
0x21: {  	[sflag:s14] =	ssyncset.done $0x0  }
0x22: {  	[sflag:s14] =	ssyncadd.s32 $0xFFFFFFF0  }
0x23: {  	[tilespmem:$0x1B090] =	vst v0  }
0x24: {  	[tilespmem:$0x1B0A0] =	vst v0  }
0x25: {  	[tilespmem:$0x1B0B0] =	vst v0  }
0x26: {  	[tilespmem:$0x1B0C0] =	vst v0  }
0x27: {  	[tilespmem:$0x1B0D0] =	vst v0  }
0x28: {  	[tilespmem:$0x1B0E0] =	vst v0  }
0x29: {  	[tilespmem:$0x1B0F0] =	vst v0  }
0x2a: {  	[tilespmem:$0x1B100] =	vst v0  }
0x2b: {  	[tilespmem:$0x1B110] =	vst v0  }
0x2c: {  	[tilespmem:$0x1B120] =	vst v0  }
0x2d: {  	[tilespmem:$0x1B130] =	vst v0  }
0x2e: {  	[tilespmem:$0x1B140] =	vst v0  }
0x2f: {  	[tilespmem:$0x1B150] =	vst v0  }
0x30: {  	[tilespmem:$0x1B160] =	vst v0  }
0x31: {  	[tilespmem:$0x1B170] =	vst v0  }
0x32: {  	[tilespmem:$0x1B180] =	vst v0  }
0x33: {  	[tilespmem:$0x1B190] =	vst v0  }
0x34: {  	[tilespmem:$0x1B1A0] =	vst v0  }
0x35: {  	[tilespmem:$0x1B1B0] =	vst v0  }
0x36: {  	[tilespmem:$0x1B1C0] =	vst v0  }
0x37: {  	[tilespmem:$0x1B1D0] =	vst v0  }
0x38: {  	[tilespmem:$0x1B1E0] =	vst v0  }
0x39: {  	[tilespmem:$0x1B1F0] =	vst v0  }
0x3a: {  	[tilespmem:$0x1B200] =	vst v0  }
0x3b: {  	[tilespmem:$0x1B210] =	vst v0  }
0x3c: {  	[tilespmem:$0x1B220] =	vst v0  }
0x3d: {  	[tilespmem:$0x1B230] =	vst v0  }
0x3e: {  	[tilespmem:$0x1B240] =	vst v0  }
0x3f: {  	[tilespmem:$0x1B250] =	vst v0  }
0x40: {  	[tilespmem:$0x1B260] =	vst v0  }
0x41: {  	[tilespmem:$0x1B270] =	vst v0  }
0x42: {  	[tilespmem:$0x1B280] =	vst v0  }
0x43: {  	[tilespmem:$0x1B290] =	vst v0  }
0x44: {  	[tilespmem:$0x1B2A0] =	vst v0  }
0x45: {  	[tilespmem:$0x1B2B0] =	vst v0  }
0x46: {  	[tilespmem:$0x1B2C0] =	vst v0  }
0x47: {  	[tilespmem:$0x1B2D0] =	vst v0  }
0x48: {  	[tilespmem:$0x1B2E0] =	vst v0  }
0x49: {  	[tilespmem:$0x1B2F0] =	vst v0  }
0x4a: {  	[tilespmem:$0x1B300] =	vst v0  }
0x4b: {  	[spmem:s8] =	stream.linear.scatter [tilespmem:s15], [sflag:$0x3], $0x280, $0x38;
	[tilespmem:$0x1B590] =	vst v63  }
0x4c: {  	_ =	swait.ge [sflag:s16], $0x280  }
0x4d: {  	[sflag:s16] =	ssyncset.done $0x0  }
0x4e: {  	[sflag:s16] =	ssyncadd.s32 $0xFFFFFD80  }
0x4f: {  	[bflag:$0x0] =	sbarrier.arrive $0xFFFF  }
0x50: {  	v8 =	vld [tilespmem:$0x1B080];
	_ =	sdelay $0x4  }
0x51: {  	v1 =	vbroadcast v8, $0x0;
	v2 =	vbroadcast v8, $0x1  }
0x52: {  	v3 =	vbroadcast v8, $0x2;
	v4 =	vbroadcast v8, $0x3  }
0x53: {  	v5 =	vbroadcast v8, $0x4;
	v6 =	vbroadcast v8, $0x5  }
0x54: {  	s23 =	simm.s32 $0x18880;
	s24 =	smov.u32 s12;
	s25 =	simm.s32 $0x0;
	v7 =	vbroadcast v8, $0x6;
	v8 =	vbroadcast v8, $0x7  }
.LBB2_2:
0x55: {  	v11 =	vmov s21;
	_ =	sdelay $0x2  }
0x56: {  	v10 =	vmov s22  }
0x57: {  	s26 =	simm.s32 $0x0  }
0x58: {  	v9 =	vld.idx.msk [tilespmem:v11+s26+$0x0 ss:$0x1], $0xffff;
	_ =	sdelay $0x2  }
0x59: {  	v12 =	vld.idx.msk [tilespmem:v10+s26+$0x0 ss:$0x1], $0xffff;
	_ =	sdelay $0x1  }
0x5a: {  	v9 =	vshll.u32 v9, $0x3  }
0x5b: {  	v13 =	vor.u32 $0x3, v9  }
0x5c: {  	v14 =	vor.u32 $0x2, v9  }
0x5d: {  	v12 =	vshll.u32 v12, $0x3;
	v15 =	vor.u32 $0x1, v9  }
0x5e: {  	v16 =	vor.u32 $0x4, v12  }
0x5f: {  	v17 =	vor.u32 $0x7, v12;
	v9 =	vld.idx.msk [tilespmem:v9+s5+$0x0], $0xffff  }
0x60: {  	v18 =	vor.u32 $0x6, v12;
	v13 =	vld.idx.msk [tilespmem:v13+s5+$0x0], $0xffff  }
0x61: {  	v12 =	vor.u32 $0x5, v12;
	v14 =	vld.idx.msk [tilespmem:v14+s5+$0x0], $0xffff  }
0x62: {  	v15 =	vld.idx.msk [tilespmem:v15+s5+$0x0], $0xffff  }
0x63: {  	v16 =	vld.idx.msk [tilespmem:v16+s5+$0x0], $0xffff  }
0x64: {  	v17 =	vld.idx.msk [tilespmem:v17+s5+$0x0], $0xffff  }
0x65: {  	v18 =	vld.idx.msk [tilespmem:v18+s5+$0x0], $0xffff  }
0x66: {  	v12 =	vld.idx.msk [tilespmem:v12+s5+$0x0], $0xffff;
	v19 =	vunpack.i.u.bf16.f32 v9;
	v9 =	vunpack.i.l.bf16.f32 v9;
	v20 =	vunpack.i.u.bf16.f32 v13  }
0x67: {  	v21 =	vunpack.i.u.bf16.f32 v14;
	v14 =	vunpack.i.l.bf16.f32 v14;
	v13 =	vunpack.i.l.bf16.f32 v13  }
0x68: {  	v22 =	vunpack.i.l.bf16.f32 v16;
	v23 =	vunpack.i.u.bf16.f32 v15;
	v15 =	vunpack.i.l.bf16.f32 v15  }
0x69: {  	v55 =	vunpack.i.u.bf16.f32 v17;
	v17 =	vunpack.i.l.bf16.f32 v17;
	v9 =	vadd.f32 v22, v9  }
0x6a: {  	v16 =	vunpack.i.u.bf16.f32 v16;
	v24 =	vunpack.i.u.bf16.f32 v18;
	v18 =	vunpack.i.l.bf16.f32 v18  }
0x6b: {  	v25 =	vunpack.i.u.bf16.f32 v12;
	v16 =	vadd.f32 v16, v19;
	v56 =	vand.u32 $0x7FFFFFFF, v9  }
0x6c: {  	v12 =	vunpack.i.l.bf16.f32 v12;
	v9 =	vmul.f32 v9, v1;
	v19 =	vmul.f32 v56, v1  }
0x6d: {  	v12 =	vadd.f32 v12, v15;
	v26 =	vmul.f32 v16, v2;
	v16 =	vand.u32 $0x7FFFFFFF, v16  }
0x6e: {  	v16 =	vmul.f32 v16, v2;
	v9 =	vadd.f32 $0.0e+00, v9;
	v15 =	vadd.f32 $0.0e+00, v19  }
0x6f: {  	v57 =	vadd.f32 v25, v23;
	v58 =	vmul.f32 v12, v3;
	v12 =	vand.u32 $0x7FFFFFFF, v12  }
0x70: {  	v12 =	vmul.f32 v12, v3;
	v9 =	vadd.f32 v9, v26;
	v15 =	vadd.f32 v15, v16  }
0x71: {  	v14 =	vadd.f32 v18, v14;
	v59 =	vmul.f32 v57, v4;
	v19 =	vand.u32 $0x7FFFFFFF, v57  }
0x72: {  	v9 =	vadd.f32 v58, v9;
	v12 =	vadd.f32 v12, v15;
	v15 =	vmul.f32 v19, v4  }
0x73: {  	v60 =	vadd.f32 v24, v21;
	v61 =	vmul.f32 v14, v5;
	v14 =	vand.u32 $0x7FFFFFFF, v14  }
0x74: {  	v14 =	vmul.f32 v14, v5;
	v9 =	vadd.f32 v9, v59;
	v12 =	vadd.f32 v12, v15  }
0x75: {  	v13 =	vadd.f32 v17, v13;
	v62 =	vand.u32 $0x7FFFFFFF, v60;
	v15 =	vmul.f32 v60, v6  }
0x76: {  	v9 =	vadd.f32 v61, v9;
	v12 =	vadd.f32 v14, v12;
	v14 =	vmul.f32 v62, v6  }
0x77: {  	v63 =	vadd.f32 v55, v20;
	v17 =	vmul.f32 v13, v7;
	v13 =	vand.u32 $0x7FFFFFFF, v13  }
0x78: {  	v13 =	vmul.f32 v13, v7;
	v9 =	vadd.f32 v9, v15;
	v12 =	vadd.f32 v12, v14  }
0x79: {  	v15 =	vand.u32 $0x7FFFFFFF, v63;
	v14 =	vmul.f32 v63, v8  }
0x7a: {  	v9 =	vadd.f32 v17, v9;
	v12 =	vadd.f32 v13, v12;
	v13 =	vmul.f32 v15, v8;
	_ =	sdelay $0x1  }
0x7b: {  	v9 =	vadd.f32 v9, v14;
	v12 =	vadd.f32 v12, v13;
	_ =	sdelay $0x1  }
0x7c: {  	v9 =	vmul.f32 $6.000000240e-01, v9;
	v12 =	vmul.f32 $4.000000060e-01, v12;
	_ =	sdelay $0x1  }
0x7d: {  	v9 =	vadd.f32 v12, v9;
	_ =	sdelay $0x1  }
0x7e: {  	v9 =	vmul.f32 $1.442695020e+00, v9;
	_ =	sdelay $0x1  }
0x7f: {  	(erf) = vpow2.f32 v9;
	_ =	sdelay $0x5  }
0x80: {  	v9 =	vmov s23;
	_ =	sdelay $0x2  }
0x81: {  	p0 =	slt.u32 s24, $0x4E200;
	v12 =	vpop (erf)  }
0x82: {  	v12 =	vpsel !p0, $0x0, v12  }
0x83: {  	s28 =	simm.s32 $0x10;
	[tilespmem:v9+s26+$0x0 ss:$0x1] =	vst.idx.msk $0xffff, v12  }
0x84: {  	v12 =	vld.idx.msk [tilespmem:v11+s28+$0x0 ss:$0x1], $0xffff  }
0x85: {  	s30 =	simm.s32 $0x80;
	s29 =	smov.u32 s24;
	s26 =	sshll.u32 s25, $0x7  }
.LBB2_3:
0x86: {  	p0 =	sne.s32 s30, $0x1C0;
	v13 =	vld.idx.msk [tilespmem:v10+s28+$0x0 ss:$0x1], $0xffff;
	_ =	sdelay $0x2  }
0x87: {  	v12 =	vshll.u32 v12, $0x3  }
0x88: {  	v14 =	vor.u32 $0x3, v12  }
0x89: {  	v15 =	vor.u32 $0x2, v12  }
0x8a: {  	v16 =	vor.u32 $0x1, v12;
	v13 =	vshll.u32 v13, $0x3  }
0x8b: {  	v17 =	vor.u32 $0x4, v13  }
0x8c: {  	v18 =	vor.u32 $0x7, v13;
	v12 =	vld.idx.msk [tilespmem:v12+s5+$0x0], $0xffff  }
0x8d: {  	v19 =	vor.u32 $0x6, v13;
	v14 =	vld.idx.msk [tilespmem:v14+s5+$0x0], $0xffff  }
0x8e: {  	v13 =	vor.u32 $0x5, v13;
	v15 =	vld.idx.msk [tilespmem:v15+s5+$0x0], $0xffff  }
0x8f: {  	v16 =	vld.idx.msk [tilespmem:v16+s5+$0x0], $0xffff  }
0x90: {  	v17 =	vld.idx.msk [tilespmem:v17+s5+$0x0], $0xffff  }
0x91: {  	v18 =	vld.idx.msk [tilespmem:v18+s5+$0x0], $0xffff  }
0x92: {  	v19 =	vld.idx.msk [tilespmem:v19+s5+$0x0], $0xffff  }
0x93: {  	v13 =	vld.idx.msk [tilespmem:v13+s5+$0x0], $0xffff  }
0x94: {  	v20 =	vunpack.i.u.bf16.f32 v12;
	v12 =	vunpack.i.l.bf16.f32 v12;
	v21 =	vunpack.i.u.bf16.f32 v14  }
0x95: {  	v14 =	vunpack.i.l.bf16.f32 v14;
	v22 =	vunpack.i.u.bf16.f32 v15;
	v15 =	vunpack.i.l.bf16.f32 v15  }
0x96: {  	v24 =	vunpack.i.u.bf16.f32 v16;
	v16 =	vunpack.i.l.bf16.f32 v16;
	v23 =	vunpack.i.l.bf16.f32 v17  }
0x97: {  	v12 =	vadd.f32 v23, v12;
	v23 =	vunpack.i.u.bf16.f32 v18;
	v18 =	vunpack.i.l.bf16.f32 v18  }
0x98: {  	v17 =	vunpack.i.u.bf16.f32 v17;
	v25 =	vunpack.i.u.bf16.f32 v19;
	v19 =	vunpack.i.l.bf16.f32 v19  }
0x99: {  	v17 =	vadd.f32 v17, v20;
	v20 =	vand.u32 $0x7FFFFFFF, v12;
	v26 =	vunpack.i.u.bf16.f32 v13  }
0x9a: {  	v12 =	vmul.f32 v12, v1;
	v13 =	vunpack.i.l.bf16.f32 v13;
	v20 =	vmul.f32 v20, v1  }
0x9b: {  	v27 =	vmul.f32 v17, v2;
	v17 =	vand.u32 $0x7FFFFFFF, v17;
	v13 =	vadd.f32 v13, v16  }
0x9c: {  	v17 =	vmul.f32 v17, v2;
	v12 =	vadd.f32 $0.0e+00, v12;
	v16 =	vadd.f32 $0.0e+00, v20  }
0x9d: {  	v20 =	vadd.f32 v26, v24;
	v24 =	vmul.f32 v13, v3;
	v13 =	vand.u32 $0x7FFFFFFF, v13  }
0x9e: {  	v12 =	vadd.f32 v12, v27;
	v13 =	vmul.f32 v13, v3;
	v16 =	vadd.f32 v16, v17  }
0x9f: {  	v15 =	vadd.f32 v19, v15;
	v17 =	vmul.f32 v20, v4;
	v20 =	vand.u32 $0x7FFFFFFF, v20  }
0xa0: {  	v12 =	vadd.f32 v24, v12;
	v13 =	vadd.f32 v13, v16;
	v16 =	vmul.f32 v20, v4  }
0xa1: {  	v19 =	vadd.f32 v25, v22;
	v20 =	vmul.f32 v15, v5;
	v15 =	vand.u32 $0x7FFFFFFF, v15  }
0xa2: {  	v12 =	vadd.f32 v12, v17;
	v15 =	vmul.f32 v15, v5;
	v13 =	vadd.f32 v13, v16  }
0xa3: {  	v14 =	vadd.f32 v18, v14;
	v17 =	vand.u32 $0x7FFFFFFF, v19;
	v16 =	vmul.f32 v19, v6  }
0xa4: {  	v12 =	vadd.f32 v20, v12;
	v13 =	vadd.f32 v15, v13;
	v15 =	vmul.f32 v17, v6  }
0xa5: {  	v18 =	vmul.f32 v14, v7;
	v14 =	vand.u32 $0x7FFFFFFF, v14;
	v17 =	vadd.f32 v23, v21  }
0xa6: {  	v14 =	vmul.f32 v14, v7;
	v12 =	vadd.f32 v12, v16;
	v13 =	vadd.f32 v13, v15  }
0xa7: {  	v15 =	vmul.f32 v17, v8;
	v16 =	vand.u32 $0x7FFFFFFF, v17  }
0xa8: {  	v12 =	vadd.f32 v18, v12;
	v13 =	vadd.f32 v14, v13;
	v14 =	vmul.f32 v16, v8;
	_ =	sdelay $0x1  }
0xa9: {  	v12 =	vadd.f32 v12, v15;
	v13 =	vadd.f32 v13, v14;
	_ =	sdelay $0x1  }
0xaa: {  	v12 =	vmul.f32 $6.000000240e-01, v12;
	v13 =	vmul.f32 $4.000000060e-01, v13;
	_ =	sdelay $0x1  }
0xab: {  	v12 =	vadd.f32 v13, v12;
	_ =	sdelay $0x1  }
0xac: {  	v12 =	vmul.f32 $1.442695020e+00, v12;
	_ =	sdelay $0x1  }
0xad: {  	(erf) = vpow2.f32 v12;
	_ =	sdelay $0x7  }
0xae: {  	s29 =	sadd.s32 $0x10, s29  }
0xaf: {  	p1 =	slt.u32 s29, $0x4E200;
	v12 =	vpop (erf)  }
.Ltmp0:
0xb0: {  	v12 =	vpsel !p1, $0x0, v12;
	(pc) =	sbr.rel @p0 .LBB2_3-.Ltmp0, $3  }
0xb1: {  	[tilespmem:v9+s28+$0x0 ss:$0x1] =	vst.idx.msk $0xffff, v12;
	s28 =	sshra.s32 s30, $0x2  }
0xb2: {  	v12 =	vld.idx.msk [tilespmem:v11+s28+$0x0 ss:$0x1], $0xffff;
	_ =	sdelay $0x1  }
0xb3: {  	s30 =	sadd.s32 $0x40, s30  }
0xb4: {  	_ =	sdelay $0x3  }
0xb5: {  	v10 =	vld.idx.msk [tilespmem:v10+s28+$0x0 ss:$0x1], $0xffff;
	_ =	sdelay $0x1  }
0xb6: {  	v11 =	vshll.u32 v12, $0x3  }
0xb7: {  	v12 =	vor.u32 $0x3, v11  }
0xb8: {  	v13 =	vor.u32 $0x2, v11  }
0xb9: {  	v14 =	vor.u32 $0x1, v11;
	v10 =	vshll.u32 v10, $0x3  }
0xba: {  	v15 =	vor.u32 $0x4, v10  }
0xbb: {  	v16 =	vor.u32 $0x7, v10;
	v11 =	vld.idx.msk [tilespmem:v11+s5+$0x0], $0xffff  }
0xbc: {  	v17 =	vor.u32 $0x6, v10;
	v12 =	vld.idx.msk [tilespmem:v12+s5+$0x0], $0xffff  }
0xbd: {  	v10 =	vor.u32 $0x5, v10;
	v13 =	vld.idx.msk [tilespmem:v13+s5+$0x0], $0xffff  }
0xbe: {  	v14 =	vld.idx.msk [tilespmem:v14+s5+$0x0], $0xffff  }
0xbf: {  	v15 =	vld.idx.msk [tilespmem:v15+s5+$0x0], $0xffff  }
0xc0: {  	v16 =	vld.idx.msk [tilespmem:v16+s5+$0x0], $0xffff  }
0xc1: {  	v17 =	vld.idx.msk [tilespmem:v17+s5+$0x0], $0xffff  }
0xc2: {  	v10 =	vld.idx.msk [tilespmem:v10+s5+$0x0], $0xffff;
	v18 =	vunpack.i.u.bf16.f32 v11;
	v11 =	vunpack.i.l.bf16.f32 v11;
	v19 =	vunpack.i.u.bf16.f32 v12  }
0xc3: {  	v20 =	vunpack.i.u.bf16.f32 v13;
	v13 =	vunpack.i.l.bf16.f32 v13;
	v12 =	vunpack.i.l.bf16.f32 v12  }
0xc4: {  	v22 =	vunpack.i.u.bf16.f32 v14;
	v14 =	vunpack.i.l.bf16.f32 v14;
	v21 =	vunpack.i.l.bf16.f32 v15  }
0xc5: {  	v48 =	vunpack.i.u.bf16.f32 v16;
	v16 =	vunpack.i.l.bf16.f32 v16;
	v11 =	vadd.f32 v21, v11  }
0xc6: {  	v15 =	vunpack.i.u.bf16.f32 v15;
	v23 =	vunpack.i.u.bf16.f32 v17;
	v17 =	vunpack.i.l.bf16.f32 v17  }
0xc7: {  	v24 =	vunpack.i.u.bf16.f32 v10;
	v15 =	vadd.f32 v15, v18;
	v49 =	vand.u32 $0x7FFFFFFF, v11  }
0xc8: {  	v10 =	vunpack.i.l.bf16.f32 v10;
	v11 =	vmul.f32 v11, v1;
	v18 =	vmul.f32 v49, v1  }
0xc9: {  	v10 =	vadd.f32 v10, v14;
	v25 =	vmul.f32 v15, v2;
	v15 =	vand.u32 $0x7FFFFFFF, v15  }
0xca: {  	v15 =	vmul.f32 v15, v2;
	v11 =	vadd.f32 $0.0e+00, v11;
	v50 =	vadd.f32 $0.0e+00, v18  }
0xcb: {  	v51 =	vadd.f32 v24, v22;
	v52 =	vmul.f32 v10, v3;
	v10 =	vand.u32 $0x7FFFFFFF, v10  }
0xcc: {  	v10 =	vmul.f32 v10, v3;
	v11 =	vadd.f32 v11, v25;
	v14 =	vadd.f32 v50, v15  }
0xcd: {  	v13 =	vadd.f32 v17, v13;
	v53 =	vmul.f32 v51, v4;
	v18 =	vand.u32 $0x7FFFFFFF, v51  }
0xce: {  	v54 =	vmul.f32 v18, v4;
	v11 =	vadd.f32 v52, v11;
	v10 =	vadd.f32 v10, v14  }
0xcf: {  	v55 =	vadd.f32 v23, v20;
	v56 =	vmul.f32 v13, v5;
	v13 =	vand.u32 $0x7FFFFFFF, v13  }
0xd0: {  	v13 =	vmul.f32 v13, v5;
	v11 =	vadd.f32 v11, v53;
	v10 =	vadd.f32 v10, v54  }
0xd1: {  	v12 =	vadd.f32 v16, v12;
	v57 =	vmul.f32 v55, v6;
	v58 =	vand.u32 $0x7FFFFFFF, v55  }
0xd2: {  	v59 =	vmul.f32 v58, v6;
	v11 =	vadd.f32 v56, v11;
	v10 =	vadd.f32 v13, v10  }
0xd3: {  	v60 =	vadd.f32 v48, v19;
	v16 =	vmul.f32 v12, v7;
	v12 =	vand.u32 $0x7FFFFFFF, v12  }
0xd4: {  	v12 =	vmul.f32 v12, v7;
	v11 =	vadd.f32 v11, v57;
	v10 =	vadd.f32 v10, v59  }
0xd5: {  	v61 =	vmul.f32 v60, v8;
	v62 =	vand.u32 $0x7FFFFFFF, v60  }
0xd6: {  	v63 =	vmul.f32 v62, v8;
	v11 =	vadd.f32 v16, v11;
	v10 =	vadd.f32 v12, v10;
	_ =	sdelay $0x1  }
0xd7: {  	v11 =	vadd.f32 v11, v61;
	v10 =	vadd.f32 v10, v63;
	_ =	sdelay $0x1  }
0xd8: {  	v11 =	vmul.f32 $6.000000240e-01, v11;
	v10 =	vmul.f32 $4.000000060e-01, v10;
	_ =	sdelay $0x1  }
0xd9: {  	v10 =	vadd.f32 v10, v11;
	_ =	sdelay $0x1  }
0xda: {  	v10 =	vmul.f32 $1.442695020e+00, v10;
	_ =	sdelay $0x1  }
0xdb: {  	(erf) = vpow2.f32 v10;
	_ =	sdelay $0x7  }
0xdc: {  	s29 =	sadd.s32 $0x10, s29  }
0xdd: {  	s25 =	sadd.s32 $0x1, s25;
	p0 =	slt.u32 s29, $0x4E200;
	v10 =	vpop (erf)  }
0xde: {  	v10 =	vpsel !p0, $0x0, v10;
	p0 =	sne.s32 s25, $0x50  }
.Ltmp1:
0xdf: {  	_ = 	snop;
	(pc) =	sbr.rel @p0 .LBB2_2-.Ltmp1, $4  }
0xe0: {  	_ = 	snop  }
0xe1: {  	s30 =	sadd.s32 $0x18880, s26;
	s31 =	sadd.s32 $0x16080, s26;
	s24 =	sadd.s32 $0x80, s24  }
0xe2: {  	s21 =	sadd.s32 $0x80, s21;
	s22 =	sadd.s32 $0x80, s22;
	s23 =	sadd.s32 $0x80, s23;
	[tilespmem:v9+s28+$0x0 ss:$0x1] =	vst.idx.msk $0xffff, v10  }
0xe3: {  	[spmem:s4] =	stream.indirect.scatter.add.f32 [tilespmem:s30], [sflag:$0x1], $0x1, s31, s17, $0xb8;
	[tilespmem:$0x1B590] =	vst v63  }
0xe4: {  	_ =	swait.ge [sflag:s18], $0x80  }
0xe5: {  	s21 =	simm.s32 $0x4F;
	[sflag:s18] =	ssyncset.done $0x0  }
.LBB2_6:
0xe6: {  	p0 =	sne.s32 s21, $0x1;
	s21 =	sadd.s32 $0xFFFFFFFF, s21;
	[sflag:s18] =	ssyncadd.s32 $0xFFFFFF80  }
.Ltmp2:
0xe7: {  	(pc) =	sbr.rel @p0 .LBB2_6-.Ltmp2, $3  }
0xe8: {  	_ =	sdelay $0x1  }
0xe9: {  	_ =	swait.ge [sflag:s18], $0x80  }
0xea: {  	[sflag:s18] =	ssyncset.done $0x0  }
0xeb: {  	[sflag:s18] =	ssyncadd.s32 $0xFFFFFF80  }
0xec: {  	[hbm4b:s9+s5] =	stream.linear.scatter [tilespmem:s19], [sflag:$0x3], $0x2800, $0x38;
	[tilespmem:$0x1B590] =	vst v63  }
0xed: {  	_ =	swait.ge [sflag:s16], $0x2800  }
0xee: {  	s21 =	sshll.u32 s0, $0x6;
	s20 =	sadd.s32 $0x1, s20;
	[sflag:s16] =	ssyncset.done $0x0  }
0xef: {  	s22 =	sshrl.u32 s8, $0x3;
	p0 =	sne.s32 s20, s11;
	[sflag:s16] =	ssyncadd.s32 $0xFFFFD800  }
.Ltmp3:
0xf0: {  	s21 =	sor.u32 $0x1C03, s21;
	[bflag:$0x0] =	sbarrier.arrive $0xFFFF;
	(pc) =	sbr.rel @p0 .LBB2_1-.Ltmp3, $4  }
0xf1: {  	[hbm:s10], [sflag:s21] =	dma.local [spmem:s22], $0x50  }
0xf2: {  	_ =	swait.ge [sflag:s16], $0x50  }
0xf3: {  	[sflag:s16] =	ssyncset.done $0x0  }
0xf4: {  	[sflag:s16] =	ssyncadd.s32 $0xFFFFFFB0  }
0xf5: {  	_ =	sfence.sel $0x180000  }
0xf6: {  	[bflag:$0x0] =	sbarrier.arrive $0xFFFF  }
0xf7: {  	p0 =	sne.s32 s0, $0x0;
	_ =	strace $0x90000047  }
0xf8: {  	s0 =	sadd.s32 @!p0 $0x100000, s2;
	[bflag:$0x2] =	sbarrier.arrive $0xFFFF  }
0xf9: {  	[sflag:s0] =	ssyncadd.tile.s32 @!p0 $0x1;
	_ =	shalt  }
.Lfunc_end2:
_tile_overlayer_lowered:
.L_overlay_start_2:
0xfa: {  	(tag) =	ssettag $0x2  }
0xfb: {  	s0 =	rddreg [dreg:$0x0];
	s2 =	stileid.u32  }
0xfc: {  	s1 =	rddreg [dreg:$0x1];
	p0 =	sne.s32 s2, $0x0  }
0xfd: {  	s3 =	rddreg [dreg:$0x2];
	[bflag:$0x3] =	sbarrier.arrive $0xFFFF;
	s2 =	simm.s32 @!p0 $0x1C03  }
0xfe: {  	[timem:s3], [sflag:s2] =	dma.local @!p0 [hbm:s0], s1  }
0xff: {  	s0 =	simm.s32 @!p0 $0x3  }
0x100: {  	_ =	swait.ge @!p0 [sflag:s0], s1  }
0x101: {  	s1 =	ssub.s32 @!p0 $0x0, s1;
	[sflag:s0] =	ssyncset.done @!p0 $0x0  }
0x102: {  	[sflag:s0] =	ssyncadd.s32 @!p0 s1  }
0x103: {  	[bflag:$0x3] =	sbarrier.arrive $0xFFFF  }
0x104: {  	_ =	shalt  }

// kernel: kernel.9.cloned.1.call-start
scs
__scs_entry_jumppad:
0x0: {  	(pc) =	sbr.rel $0x88, $3  }
0x1: {  	(tag) =	ssettag $0x0;
	lr =	simm.s32 $0x1  }
0x2: {  	[smem:$0x3F96] =	sst lr;
	_ =	strace $0xD0000000  }
0x3: {  	_ = 	snop  }
0x4: {  	_ = 	snop  }
0x5: {  	_ = 	snop  }
0x6: {  	_ = 	snop  }
0x7: {  	_ = 	snop  }
__scs_overlays_trampoline_lowered:
0x8: {  	[smem:$0x3FA5] =	sst s0  }
0x9: {  	[smem:$0x3FA6] =	sst s1  }
0xa: {  	[smem:$0x3FA7] =	sst s2  }
0xb: {  	[smem:$0x3FA8] =	sst s3  }
0xc: {  	[smem:$0x3FA9] =	sst s4  }
0xd: {  	[smem:$0x3FAA] =	sst s5  }
0xe: {  	[smem:$0x3FAB] =	sst s6  }
0xf: {  	[smem:$0x3FAC] =	sst s7  }
0x10: {  	[smem:$0x3FAD] =	sst s8  }
0x11: {  	[smem:$0x3FAE] =	sst s9;
	s0 =	simm.s32 @!p0 $0x0  }
0x12: {  	s1 =	sld [smem:$0x3F94];
	s0 =	simm.s32 @p0 $0x1  }
0x13: {  	[smem:$0x3FAF] =	sst s0;
	s0 =	simm.s32 @!p1 $0x0  }
0x14: {  	s2 =	sld [smem:$0x3F93];
	s0 =	simm.s32 @p1 $0x1  }
0x15: {  	[smem:$0x3FB0] =	sst s0;
	s0 =	simm.s32 @!p2 $0x0  }
0x16: {  	s3 =	sld [smem:$0x3FDB];
	s0 =	simm.s32 @p2 $0x1  }
0x17: {  	s4 =	simm.s32 $0x1BF5;
	[smem:$0x3FB2] =	sst s0  }
0x18: {  	s0 =	sld [smem:$0x3F95];
	_ =	swait.ge [sflag:s4], $0x0  }
0x19: {  	s7 =	sld [smem:$0x3F96]  }
0x1a: {  	s8 =	sadd.s32 $0xFFFFE003, lr  }
0x1b: {  	s9 =	sadd.s32 $0xFFFFFEF7, lr;
	s5 =	simm.s32 $0xFFFFFFFF;
	p2 =	slt.u32 s8, $0xFFFFF086  }
0x1c: {  	p1 =	slt.u32 s9, $0xF7A;
	s5 =	simm.s32 @!p2 $0x0  }
0x1d: {  	s5 =	simm.s32 @p1 $0x1;
	p0 =	seq.s32 s7, s2  }
0x1e: {  	s7 =	smul.u32 @!p0 $0xF7A, s2;
	p2 =	seq.s32 @!p0 s5, $0x0  }
0x1f: {  	s9 =	smul.u32 $0xF7A, s1;
	s8 =	simm.s32 @!p0 $0x1BF5;
	p2 =	por !p2, p0  }
0x20: {  	[sflag:s8] =	ssyncset.s32 @!p0 $0xFFFFF086;
	s6 =	sadd.s32 @!p0 s3, s7;
	s7 =	simm.s32 @!p0 $0x108  }
0x21: {  	s3 =	sadd.s32 s3, s9;
	s6 =	sadd.s32 @!p0 $0x88, s6;
	s7 =	simm.s32 @p2 $0x1082  }
0x22: {  	[simem:s7], [sflag:s8] =	dma.local @!p0 [hbm:s6], $0xF7A  }
0x23: {  	s9 =	sor.u32 $0xD0000000, s2;
	s6 =	simm.s32 $0x108;
	_ =	swait.ge @!p0 [sflag:s8], $0x0  }
0x24: {  	s3 =	sadd.s32 $0x88, s3;
	s6 =	simm.s32 @!p1 $0x1082;
	[sflag:s4] =	ssyncset.s32 $0xFFFFF086  }
0x25: {  	[simem:s6], [sflag:s4] =	dma.local [hbm:s3], $0xF7A  }
0x26: {  	[smem:$0x3F96] =	sst s1;
	(tag) =	ssettag s2;
	_ =	strace s9  }
0x27: {  	s1 =	sld [smem:$0x3FA6]  }
0x28: {  	s2 =	sld [smem:$0x3FA7]  }
0x29: {  	s4 =	sld [smem:$0x3FA9]  }
0x2a: {  	p0 =	seq.s32 s5, $0x0;
	s5 =	sld [smem:$0x3FAA]  }
0x2b: {  	s6 =	sld [smem:$0x3FAB]  }
0x2c: {  	s7 =	sld [smem:$0x3FAC]  }
0x2d: {  	s3 =	simm.s32 $0x108;
	s8 =	sld [smem:$0x3FAD]  }
0x2e: {  	s3 =	simm.s32 @!p0 $0x1082;
	s9 =	sld [smem:$0x3FAE]  }
0x2f: {  	lr =	sadd.s32 s0, s3;
	s0 =	sld [smem:$0x3FA5]  }
0x30: {  	s3 =	sld [smem:$0x3FA8]  }
0x31: {  	[smem:$0x3FB1] =	sst s10  }
0x32: {  	s10 =	sld [smem:$0x3FAF];
	_ =	sdelay $0x3  }
0x33: {  	p0 =	seq.s32 s10, $0x1;
	s10 =	sld [smem:$0x3FB1];
	_ =	sdelay $0x3  }
0x34: {  	[smem:$0x3FB1] =	sst s10  }
0x35: {  	s10 =	sld [smem:$0x3FB0];
	_ =	sdelay $0x3  }
0x36: {  	p1 =	seq.s32 s10, $0x1;
	s10 =	sld [smem:$0x3FB1];
	_ =	sdelay $0x3  }
0x37: {  	[smem:$0x3FB1] =	sst s10  }
0x38: {  	s10 =	sld [smem:$0x3FB2]  }
0x39: {  	_ = 	snop;
	(pc) =	sbr.ind lr, $3  }
0x3a: {  	_ = 	snop  }
0x3b: {  	_ = 	snop  }
0x3c: {  	p2 =	seq.s32 s10, $0x1;
	s10 =	sld [smem:$0x3FB1]  }
0x3d: {  	_ =	shalt  }
0x3e: {  	_ =	shalt  }
0x3f: {  	_ =	shalt  }
0x40: {  	_ =	shalt  }
0x41: {  	_ =	shalt  }
0x42: {  	_ =	shalt  }
0x43: {  	_ =	shalt  }
0x44: {  	_ =	shalt  }
0x45: {  	_ =	shalt  }
0x46: {  	_ =	shalt  }
0x47: {  	_ =	shalt  }
0x48: {  	_ =	shalt  }
0x49: {  	_ =	shalt  }
0x4a: {  	_ =	shalt  }
0x4b: {  	_ =	shalt  }
0x4c: {  	_ =	shalt  }
0x4d: {  	_ =	shalt  }
0x4e: {  	_ =	shalt  }
0x4f: {  	_ =	shalt  }
0x50: {  	_ =	shalt  }
0x51: {  	_ =	shalt  }
0x52: {  	_ =	shalt  }
0x53: {  	_ =	shalt  }
0x54: {  	_ =	shalt  }
0x55: {  	_ =	shalt  }
0x56: {  	_ =	shalt  }
0x57: {  	_ =	shalt  }
0x58: {  	_ =	shalt  }
0x59: {  	_ =	shalt  }
0x5a: {  	_ =	shalt  }
0x5b: {  	_ =	shalt  }
0x5c: {  	_ =	shalt  }
0x5d: {  	_ =	shalt  }
0x5e: {  	_ =	shalt  }
0x5f: {  	_ =	shalt  }
0x60: {  	_ =	shalt  }
0x61: {  	_ =	shalt  }
0x62: {  	_ =	shalt  }
0x63: {  	_ =	shalt  }
0x64: {  	_ =	shalt  }
0x65: {  	_ =	shalt  }
0x66: {  	_ =	shalt  }
0x67: {  	_ =	shalt  }
0x68: {  	_ =	shalt  }
0x69: {  	_ =	shalt  }
0x6a: {  	_ =	shalt  }
0x6b: {  	_ =	shalt  }
0x6c: {  	_ =	shalt  }
0x6d: {  	_ =	shalt  }
0x6e: {  	_ =	shalt  }
0x6f: {  	_ =	shalt  }
0x70: {  	_ =	shalt  }
0x71: {  	_ =	shalt  }
0x72: {  	_ =	shalt  }
0x73: {  	_ =	shalt  }
0x74: {  	_ =	shalt  }
0x75: {  	_ =	shalt  }
0x76: {  	_ =	shalt  }
0x77: {  	_ =	shalt  }
0x78: {  	_ =	shalt  }
0x79: {  	_ =	shalt  }
0x7a: {  	_ =	shalt  }
0x7b: {  	_ =	shalt  }
0x7c: {  	_ =	shalt  }
0x7d: {  	_ =	shalt  }
0x7e: {  	_ =	shalt  }
0x7f: {  	_ =	shalt  }
0x80: {  	_ =	shalt  }
0x81: {  	_ =	shalt  }
0x82: {  	_ =	shalt  }
0x83: {  	_ =	shalt  }
0x84: {  	_ =	shalt  }
0x85: {  	_ =	shalt  }
0x86: {  	_ =	shalt  }
0x87: {  	_ =	shalt  }
.Lfunc_end0:
.L_simem_size_0:
called_computation.1_lowered:
.L_overlay_start_0:
0x88: {  	s2 =	sld [smem:$0x3FD9]  }
0x89: {  	s3 =	sld [smem:$0x3FFE];
	_ =	sdelay $0x1  }
0x8a: {  	s1 =	srdreg.scid  }
0x8b: {  	s0 =	sand.u32 $0x1, s1  }
0x8c: {  	s16 =	sshll.u32 s0, $0xA;
	s2 =	sadd.s32 s3, s2  }
0x8d: {  	s2 =	sadd.s32 s2, s16  }
0x8e: {  	[smem:$0x3FBD] =	sst s2  }
0x8f: {  	_ = 	snop  }
0x90: {  	(tm) =	ssettm $0x1  }
0x91: {  	s17 =	sld [smem:$0x3FFB];
	_ =	sdelay $0x3  }
0x92: {  	_ =	strace s17  }
0x93: {  	s2 =	sld [smem:$0x3FFC];
	_ =	sdelay $0x3  }
0x94: {  	_ =	strace s2  }
0x95: {  	s2 =	sld [smem:$0x3FFD];
	_ =	sdelay $0x3  }
0x96: {  	_ =	strace s2  }
0x97: {  	_ =	strace $0x8FFFFFFF  }
0x98: {  	s18 =	sld [smem:$0x3FDB];
	_ =	sdelay $0x1  }
0x99: {  	s19 =	simm.s32 $_scs_section_size  }
0x9a: {  	s4 =	simm.s32 $_size__tile_overlayer_lowered;
	s5 =	simm.s32 $_tile_overlayer_lowered  }
0x9b: {  	s22 =	simm.s32 $0x1BFF;
	s21 =	sshll.u32 s5, $0x1;
	s2 =	sadd.s32 s19, s18  }
0x9c: {  	s6 =	simm.s32 $0x0;
	s20 =	sshll.u32 s4, $0x1;
	s4 =	sadd.s32 s21, s2  }
0x9d: {  	[timem:s6], [sflag:s22] =	dma.local [hbm:s4], s20  }
0x9e: {  	_ =	swait.ge [sflag:s22], s20  }
0x9f: {  	s3 =	ssub.s32 $0x0, s20;
	[sflag:s22] =	ssyncset.done $0x0  }
0xa0: {  	[sflag:s22] =	ssyncadd.s32 s3;
	_ =	sdelay $0x1  }
0xa1: {  	s23 =	simm.s32 $0x1B8B  }
0xa2: {  	_ =	swait.ge [sflag:s23], $0x1  }
0xa3: {  	[sflag:s23] =	ssyncset.done $0x0  }
0xa4: {  	s25 =	simm.s32 $0x1B8E;
	s24 =	sld [smem:$0x3FFE];
	[sflag:s23] =	ssyncadd.s32 $0xFFFFFFFF  }
0xa5: {  	s26 =	simm.s32 $execute0_lowered;
	[smem:$0x3FD2] =	sst s25  }
0xa6: {  	s4 =	sshll.u32 s26, $0x1;
	_ =	strace $0x80000049;
	[dreg:$0x1] =	wrdreg $0xFFFFFFFF  }
0xa7: {  	s28 =	simm.s32 $_size_execute0_lowered;
	s2 =	sadd.s32 s2, s4;
	[dreg:$0x0] =	wrdreg $0x0  }
0xa8: {  	s4 =	sshll.u32 s28, $0x1;
	[dreg:$0x2] =	wrdreg s2  }
0xa9: {  	[dreg:$0x3] =	wrdreg s4  }
0xaa: {  	[dreg:$0x4] =	wrdreg $0xC0  }
0xab: {  	_ =	task [dreg:s6], $0x5FFFF  }
0xac: {  	[dreg:$0x1] =	wrdreg $0xFFFFFFFF  }
0xad: {  	[dreg:$0x0] =	wrdreg $0x60  }
0xae: {  	[dreg:$0x2] =	wrdreg s24  }
0xaf: {  	[dreg:$0x3] =	wrdreg $0x9  }
0xb0: {  	_ =	task.clear_ibuf [dreg:s6], $0x4FFFF;
	_ =	strace $0x90000049  }
0xb1: {  	s29 =	simm.s32 $0x9;
	_ =	strace $0x8000004B  }
0xb2: {  	_ =	swait.ge [sflag:s29], $0x1  }
0xb3: {  	[sflag:s29] =	ssyncadd.s32 $0xFFFFFFFF  }
0xb4: {  	_ =	strace $0x9000004B  }
0xb5: {  	_ =	sfence  }
0xb6: {  	s30 =	sld [smem:$0x0];
	_ =	sdelay $0x2  }
0xb7: {  	s31 =	sshll.u32 s1, $0xD;
	s1 =	sshrl.u32 s1, $0x2  }
0xb8: {  	s3 =	sand.u32 $0x4000, s31;
	s1 =	sadd.s32 s1, s30  }
0xb9: {  	s0 =	sor.u32 s3, s0;
	s1 =	sshll.u32 s1, $0x11  }
0xba: {  	s0 =	sor.u32 s1, s0  }
0xbb: {  	s0 =	sadd.s32 $0x8F2B, s0  }
0xbc: {  	[sflag:s0] =	ssyncadd.remote.s32 $0x1  }
0xbd: {  	_ =	sfence.sel $0xFFFF  }
0xbe: {  	[dreg:$0x0] =	wrdreg $0xFFFFFFFF;
	(pc) =	sbr.abs _section_cstart, $3  }
0xbf: {  	[dreg:$0x1] =	wrdreg $0xFFFFFFFF  }
0xc0: {  	_ =	task.clear_ibuf [dreg:s6], $0x2FFFF;
	_ =	strace $0x9FFFFFFF  }
0xc1: {  	(tm) =	ssettm $0x7FFFFFFF  }
tec
execute0_lowered:
.L_overlay_start_1:
0x0: {  	(tag) =	ssettag $0x1  }
0x1: {  	s0 =	rddreg [dreg:$0x0];
	s1 =	simm.s32 $0x0  }
0x2: {  	s2 =	srdreg.scid;
	s8 =	stileid.u32;
	s9 =	simm.s32 $0x1  }
0x3: {  	s18 =	simm.s32 $0x9C40;
	s19 =	simm.s32 $0x13880;
	s21 =	simm.s32 $0x3  }
0x4: {  	s28 =	simm.s32 $0x19C80;
	s29 =	simm.s32 $0x2;
	s31 =	simm.s32 $0x4  }
0x5: {  	[smem:$0x7FF] =	sst s1;
	s3 =	sadd.s32 $0xB200, s0;
	s2 =	sand.u32 $0x1, s2  }
0x6: {  	s4 =	sadd.s32 $0x1200, s0;
	s6 =	sshll.u32 s8, $0x2;
	s23 =	sand.u32 $0x3, s8  }
0x7: {  	_ =	strace $0x8000004A;
	s5 =	sshll.u32 s2, $0x4;
	s6 =	sand.u32 $0xC, s6  }
0x8: {  	p1 =	sne.s32 s23, $0x0;
	s2 =	ssub.s32 $0x2, s2;
	s7 =	sor.u32 s8, s5  }
0x9: {  	s5 =	sadd.s32 $0x15200, s0;
	s24 =	smul.u32 $0x4E2, s6;
	s6 =	sadd.s32 $0x1F200, s0  }
0xa: {  	s26 =	sshrl.u32 s2, $0x1;
	p0 =	seq.s32 s7, $0x0;
	s25 =	sshrl.u32 s7, $0x2  }
0xb: {  	s7 =	sshll.u32 s7, $0x1;
	s2 =	ssub.s32 s2, s26;
	p0 =	por !p1, !p0  }
0xc: {  	s26 =	simm.s32 $0x19480;
	s10 =	sadd.s32 s24, s0;
	p0 =	por !p0, !p0  }
0xd: {  	s16 =	sadd.s32 s7, s0;
	s7 =	simm.s32 $0x1;
	s9 =	simm.s32 @!p0 $0x0  }
0xe: {  	s17 =	smax.u32 s2, $0x1;
	s16 =	sadd.s32 $0x29C00, s16;
	s8 =	ssub.s32 s25, s9  }
0xf: {  	s9 =	sadd.s32 $0x1FC00, s10;
	s25 =	simm.s32 $0x18C80;
	s15 =	smul.u32 $0xA000, s8  }
0x10: {  	s8 =	sadd.s32 $0x24C00, s10;
	s10 =	sadd.s32 $0x1F700, s0;
	s0 =	simm.s32 $0x0  }
0x11: {  	s30 =	sshrl.u32 s15, $0x3;
	s14 =	sor.u32 $0x400, s15;
	s15 =	sor.u32 $0x800, s15  }
0x12: {  	s11 =	sadd.s32 s3, s30;
	s12 =	sadd.s32 s4, s30;
	s13 =	sadd.s32 s5, s30  }
.LBB2_1:
0x13: {  	[tilespmem:s1], [sflag:$0x3] =	stream.linear.gather [hbm4b:s8+s1], $0x9C40, $0x38;
	[tilespmem:$0x1A090] =	vst v63  }
0x14: {  	_ = 	snop  }
0x15: {  	[tilespmem:s18], [sflag:$0x3] =	stream.linear.gather [hbm4b:s9+s1], $0x9C40, $0x38;
	[tilespmem:$0x1A090] =	vst v63  }
0x16: {  	_ = 	snop  }
0x17: {  	[tilespmem:s19], [sflag:$0x3] =	stream.linear.gather [hbm4b:s6+s1], $0x2800, $0x38;
	[tilespmem:$0x1A090] =	vst v63  }
0x18: {  	s2 =	simm.s32 $0x16080  }
0x19: {  	[tilespmem:s2], [sflag:$0x3] =	stream.linear.gather [hbm4b:s10+s1], $0x2800, $0x38;
	[tilespmem:$0x1A090] =	vst v63  }
0x1a: {  	_ =	swait.ge [sflag:s21], $0x9C40  }
0x1b: {  	[sflag:s21] =	ssyncset.done $0x0  }
0x1c: {  	[sflag:s21] =	ssyncadd.s32 $0xFFFF63C0  }
0x1d: {  	_ =	swait.ge [sflag:s21], $0x9C40  }
0x1e: {  	[sflag:s21] =	ssyncset.done $0x0  }
0x1f: {  	[sflag:s21] =	ssyncadd.s32 $0xFFFF63C0  }
0x20: {  	_ =	swait.ge [sflag:s21], $0x2800  }
0x21: {  	[sflag:s21] =	ssyncset.done $0x0  }
0x22: {  	[sflag:s21] =	ssyncadd.s32 $0xFFFFD800  }
0x23: {  	_ =	swait.ge [sflag:s21], $0x2800  }
0x24: {  	[sflag:s21] =	ssyncset.done $0x0  }
0x25: {  	s2 =	simm.s32 $0x0;
	[sflag:s21] =	ssyncadd.s32 $0xFFFFD800  }
0x26: {  	s20 =	simm.s32 $0x40;
	v0 =	vld [tilespmem:s2+$0x16080]  }
.LBB2_2:
0x27: {  	p0 =	sne.s32 s20, $0x9FC0;
	v1 =	vld [tilespmem:s2+$0x13880];
	_ =	sdelay $0x4  }
0x28: {  	v0 =	vadd.f32 v0, v1;
	_ =	sdelay $0x1  }
0x29: {  	v0 =	vadd.f32 $1.000000020e-16, v0;
	_ =	sdelay $0x1  }
0x2a: {  	(erf) = vrcp.f32 v0;
	_ =	sdelay $0x5  }
.Ltmp0:
0x2b: {  	(pc) =	sbr.rel @p0 .LBB2_2-.Ltmp0, $3  }
0x2c: {  	_ =	sdelay $0x1  }
0x2d: {  	s22 =	sshra.s32 s20, $0x2;
	v1 =	vpop (erf)  }
0x2e: {  	s20 =	sadd.s32 $0x40, s20;
	v0 =	vld [tilespmem:s22+$0x16080];
	[tilespmem:s2+$0x13880] =	vst v1;
	s2 =	smov.u32 s22  }
0x2f: {  	v1 =	vld [tilespmem:s2+$0x13880];
	_ =	sdelay $0x4  }
0x30: {  	v0 =	vadd.f32 v0, v1;
	_ =	sdelay $0x1  }
0x31: {  	v0 =	vadd.f32 $1.000000020e-16, v0;
	_ =	sdelay $0x1  }
0x32: {  	(erf) = vrcp.f32 v0;
	_ =	sdelay $0x8  }
0x33: {  	v0 =	vpop (erf)  }
0x34: {  	s20 =	simm.s32 $0x18880;
	[tilespmem:s2+$0x13880] =	vst v0;
	s2 =	simm.s32 $0x0  }
0x35: {  	[tilespmem:s20], [sflag:$0x1] =	stream.linear.gather [hbm4b:s11+s2], $0x400, $0x38;
	[tilespmem:$0x1A090] =	vst v63  }
0x36: {  	s24 =	simm.s32 $0x19080  }
0x37: {  	[tilespmem:s24], [sflag:$0x1] =	stream.linear.gather [hbm4b:s12+s2], $0x400, $0x38;
	[tilespmem:$0x1A090] =	vst v63  }
0x38: {  	s30 =	simm.s32 $0x19880;
	s20 =	simm.s32 $0x0  }
0x39: {  	v0 =	vimm.f32 $0.0e+00;
	[tilespmem:s30], [sflag:$0x1] =	stream.linear.gather [hbm4b:s13+s2], $0x400, $0x38;
	[tilespmem:$0x1A090] =	vst v63  }
.LBB2_4:
0x3a: {  	s22 =	sshll.u32 s20, $0xB  }
0x3b: {  	s23 =	sadd.s32 s22, s14  }
0x3c: {  	s23 =	sshrl.u32 s23, $0x3  }
0x3d: {  	s24 =	sadd.s32 s3, s23  }
0x3e: {  	[tilespmem:s25], [sflag:$0x2] =	stream.linear.gather [hbm4b:s24+s2], $0x400, $0x38;
	[tilespmem:$0x1A090] =	vst v63  }
0x3f: {  	s30 =	sadd.s32 s4, s23  }
0x40: {  	[tilespmem:s26], [sflag:$0x2] =	stream.linear.gather [hbm4b:s30+s2], $0x400, $0x38;
	[tilespmem:$0x1A090] =	vst v63  }
0x41: {  	s23 =	sadd.s32 s5, s23  }
0x42: {  	[tilespmem:s28], [sflag:$0x2] =	stream.linear.gather [hbm4b:s23+s2], $0x400, $0x38;
	[tilespmem:$0x1A090] =	vst v63  }
0x43: {  	_ =	swait.ge [sflag:s7], $0x400  }
0x44: {  	[sflag:s7] =	ssyncset.done $0x0  }
0x45: {  	[sflag:s7] =	ssyncadd.s32 $0xFFFFFC00  }
0x46: {  	_ =	swait.ge [sflag:s7], $0x400  }
0x47: {  	[sflag:s7] =	ssyncset.done $0x0  }
0x48: {  	[sflag:s7] =	ssyncadd.s32 $0xFFFFFC00  }
0x49: {  	_ =	swait.ge [sflag:s7], $0x400  }
0x4a: {  	[sflag:s7] =	ssyncset.done $0x0  }
0x4b: {  	s23 =	simm.s32 $0x0;
	[sflag:s7] =	ssyncadd.s32 $0xFFFFFC00  }
0x4c: {  	v3 =	vld [tilespmem:s23+$0x19890]  }
0x4d: {  	v4 =	vld [tilespmem:s23+$0x19880]  }
0x4e: {  	v5 =	vld [tilespmem:s23+$0x19090]  }
0x4f: {  	v6 =	vld [tilespmem:s23+$0x19080]  }
0x50: {  	v7 =	vld [tilespmem:s23+$0x188B0]  }
0x51: {  	v1 =	vld [tilespmem:s23+$0x190B0]  }
0x52: {  	v8 =	vld [tilespmem:s23+$0x188A0]  }
0x53: {  	v2 =	vld [tilespmem:s23+$0x190A0]  }
0x54: {  	v9 =	vld [tilespmem:s23+$0x18890]  }
0x55: {  	v10 =	vld [tilespmem:s23+$0x18880]  }
0x56: {  	v11 =	vld.idx.msk [tilespmem:v5+s19+$0x0], $0xffff  }
0x57: {  	v12 =	vld.idx.msk [tilespmem:v6+s19+$0x0], $0xffff  }
0x58: {  	v13 =	vld.idx.msk [tilespmem:v7+s1+$0x0], $0xffff  }
0x59: {  	v14 =	vld.idx.msk [tilespmem:v1+s18+$0x0], $0xffff  }
0x5a: {  	v15 =	vld.idx.msk [tilespmem:v8+s1+$0x0], $0xffff  }
0x5b: {  	v17 =	vadd.s32 $0x7530, v7;
	v16 =	vld.idx.msk [tilespmem:v2+s18+$0x0], $0xffff  }
0x5c: {  	v18 =	vadd.s32 $0x7530, v1;
	v20 =	vld.idx.msk [tilespmem:v9+s1+$0x0], $0xffff  }
0x5d: {  	v19 =	vadd.s32 $0x7530, v8;
	v22 =	vld.idx.msk [tilespmem:v5+s18+$0x0], $0xffff  }
0x5e: {  	v21 =	vadd.s32 $0x7530, v2;
	v23 =	vadd.s32 $0x4E20, v7;
	v24 =	vld.idx.msk [tilespmem:v10+s1+$0x0], $0xffff  }
0x5f: {  	v25 =	vadd.s32 $0x4E20, v1;
	v28 =	vadd.s32 $0x7530, v9;
	v29 =	vadd.s32 $0x7530, v5;
	v26 =	vld.idx.msk [tilespmem:v6+s18+$0x0], $0xffff  }
0x60: {  	v30 =	vadd.s32 $0x4E20, v8;
	v32 =	vadd.s32 $0x4E20, v2;
	v35 =	vadd.s32 $0x7530, v10;
	v33 =	vld.idx.msk [tilespmem:v17+s1+$0x0], $0xffff  }
0x61: {  	v36 =	vadd.s32 $0x7530, v6;
	v38 =	vadd.s32 $0x2710, v1;
	v41 =	vadd.s32 $0x4E20, v9;
	v40 =	vld.idx.msk [tilespmem:v18+s18+$0x0], $0xffff  }
0x62: {  	v42 =	vadd.s32 $0x4E20, v5;
	v43 =	vadd.s32 $0x2710, v8;
	v44 =	vadd.s32 $0x4E20, v10;
	v8 =	vld.idx.msk [tilespmem:v19+s1+$0x0], $0xffff  }
0x63: {  	v45 =	vadd.s32 $0x4E20, v6;
	v46 =	vadd.s32 $0x2710, v2;
	v56 =	vadd.s32 $0x2710, v9;
	v47 =	vld.idx.msk [tilespmem:v21+s18+$0x0], $0xffff  }
0x64: {  	v27 =	vadd.s32 $0x2710, v5;
	v7 =	vadd.s32 $0x2710, v7;
	v19 =	vadd.s32 $0x2710, v10;
	v10 =	vld.idx.msk [tilespmem:v23+s1+$0x0], $0xffff  }
0x65: {  	v21 =	vadd.s32 $0x2710, v6;
	v48 =	vld.idx.msk [tilespmem:v28+s1+$0x0], $0xffff;
	v4 =	vmul.f32 v12, v4;
	v3 =	vmul.f32 v11, v3  }
0x66: {  	v60 =	vld.idx.msk [tilespmem:v38+s18+$0x0], $0xffff;
	v54 =	vunpack.i.u.bf16.f32 v13;
	v57 =	vunpack.i.l.bf16.f32 v13;
	v58 =	vunpack.i.u.bf16.f32 v14  }
0x67: {  	v61 =	vld.idx.msk [tilespmem:v35+s1+$0x0], $0xffff;
	v31 =	vunpack.i.u.bf16.f32 v15;
	v34 =	vunpack.i.l.bf16.f32 v15;
	v15 =	vunpack.i.l.bf16.f32 v14  }
0x68: {  	v50 =	vld.idx.msk [tilespmem:v36+s18+$0x0], $0xffff;
	v17 =	vunpack.i.u.bf16.f32 v20;
	v37 =	vunpack.i.u.bf16.f32 v16;
	v39 =	vunpack.i.l.bf16.f32 v16  }
0x69: {  	v12 =	vld.idx.msk [tilespmem:v25+s18+$0x0], $0xffff;
	v25 =	vunpack.i.l.bf16.f32 v20;
	v23 =	vunpack.i.u.bf16.f32 v22;
	v28 =	vunpack.i.l.bf16.f32 v22  }
0x6a: {  	v51 =	vld.idx.msk [tilespmem:v41+s1+$0x0], $0xffff;
	v18 =	vunpack.i.u.bf16.f32 v24;
	v24 =	vunpack.i.l.bf16.f32 v24;
	v20 =	vunpack.i.u.bf16.f32 v26  }
0x6b: {  	v13 =	vld.idx.msk [tilespmem:v29+s18+$0x0], $0xffff;
	v29 =	vunpack.i.l.bf16.f32 v26;
	v35 =	vmul.f32 v15, v57;
	v36 =	vmul.f32 v58, v54  }
0x6c: {  	v59 =	vld.idx.msk [tilespmem:v7+s1+$0x0], $0xffff;
	v5 =	vunpack.i.u.bf16.f32 v33;
	v22 =	vunpack.i.l.bf16.f32 v33;
	v7 =	vunpack.i.u.bf16.f32 v8  }
0x6d: {  	v14 =	vld.idx.msk [tilespmem:v30+s1+$0x0], $0xffff;
	v6 =	vunpack.i.u.bf16.f32 v40;
	v30 =	vunpack.i.l.bf16.f32 v40;
	v26 =	vunpack.i.l.bf16.f32 v8  }
0x6e: {  	v16 =	vld.idx.msk [tilespmem:v32+s18+$0x0], $0xffff;
	v8 =	vunpack.i.u.bf16.f32 v47;
	v32 =	vunpack.i.l.bf16.f32 v47;
	v9 =	vunpack.i.u.bf16.f32 v10  }
0x6f: {  	v53 =	vld.idx.msk [tilespmem:v42+s18+$0x0], $0xffff;
	v33 =	vunpack.i.l.bf16.f32 v10;
	v11 =	vunpack.i.u.bf16.f32 v48;
	v38 =	vunpack.i.l.bf16.f32 v48  }
0x70: {  	v49 =	vld.idx.msk [tilespmem:v46+s18+$0x0], $0xffff;
	v46 =	vunpack.i.u.bf16.f32 v60;
	v48 =	vunpack.i.l.bf16.f32 v60;
	v15 =	vunpack.i.u.bf16.f32 v61  }
0x71: {  	v55 =	vld.idx.msk [tilespmem:v43+s1+$0x0], $0xffff;
	v47 =	vunpack.i.l.bf16.f32 v61;
	v10 =	vunpack.i.u.bf16.f32 v12;
	v41 =	vunpack.i.l.bf16.f32 v12  }
0x72: {  	v52 =	vld.idx.msk [tilespmem:v44+s1+$0x0], $0xffff;
	v12 =	vunpack.i.u.bf16.f32 v13;
	v40 =	vunpack.i.l.bf16.f32 v13;
	v13 =	vunpack.i.u.bf16.f32 v14  }
0x73: {  	v56 =	vld.idx.msk [tilespmem:v56+s1+$0x0], $0xffff;
	v42 =	vunpack.i.l.bf16.f32 v14;
	v14 =	vunpack.i.u.bf16.f32 v16;
	v43 =	vunpack.i.l.bf16.f32 v16  }
0x74: {  	s24 =	simm.s32 $0x100;
	v54 =	vld.idx.msk [tilespmem:v45+s18+$0x0], $0xffff;
	v44 =	vunpack.i.u.bf16.f32 v59;
	v45 =	vunpack.i.l.bf16.f32 v59;
	v16 =	vunpack.i.u.bf16.f32 v50  }
.LBB2_5:
0x75: {  	p0 =	sne.s32 s24, $0xF00;
	v50 =	vunpack.i.l.bf16.f32 v50;
	v27 =	vld.idx.msk [tilespmem:v27+s18+$0x0], $0xffff;
	v57 =	vunpack.i.u.bf16.f32 v51;
	v51 =	vunpack.i.l.bf16.f32 v51  }
0x76: {  	v58 =	vunpack.i.u.bf16.f32 v53;
	v53 =	vunpack.i.l.bf16.f32 v53;
	v34 =	vmul.f32 v39, v34  }
0x77: {  	v31 =	vmul.f32 v37, v31;
	v37 =	vunpack.i.u.bf16.f32 v55;
	v39 =	vunpack.i.l.bf16.f32 v55;
	v19 =	vld.idx.msk [tilespmem:v19+s1+$0x0], $0xffff  }
0x78: {  	v59 =	vunpack.i.u.bf16.f32 v49;
	v49 =	vunpack.i.l.bf16.f32 v49;
	v55 =	vunpack.i.u.bf16.f32 v52  }
0x79: {  	v52 =	vunpack.i.l.bf16.f32 v52;
	v60 =	vunpack.i.u.bf16.f32 v54;
	v54 =	vunpack.i.l.bf16.f32 v54;
	v21 =	vld.idx.msk [tilespmem:v21+s18+$0x0], $0xffff  }
0x7a: {  	v25 =	vmul.f32 v28, v25;
	v23 =	vmul.f32 v23, v17;
	v28 =	vunpack.i.u.bf16.f32 v56  }
0x7b: {  	v24 =	vmul.f32 v29, v24;
	v29 =	vunpack.i.l.bf16.f32 v56;
	v56 =	vunpack.i.u.bf16.f32 v27  }
0x7c: {  	v20 =	vmul.f32 v20, v18;
	v22 =	vmul.f32 v30, v22;
	v27 =	vunpack.i.l.bf16.f32 v27  }
0x7d: {  	v26 =	vmul.f32 v32, v26;
	v32 =	vmul.f32 v41, v33;
	v30 =	vunpack.i.u.bf16.f32 v19  }
0x7e: {  	v33 =	vmul.f32 v40, v38;
	v38 =	vmul.f32 v43, v42;
	v19 =	vunpack.i.l.bf16.f32 v19  }
0x7f: {  	v41 =	vmul.f32 v48, v45;
	v42 =	vmul.f32 v46, v44;
	v40 =	vunpack.i.u.bf16.f32 v21  }
0x80: {  	v43 =	vmul.f32 v50, v47;
	v44 =	vmul.f32 v53, v51;
	v21 =	vunpack.i.l.bf16.f32 v21;
	v45 =	vld [tilespmem:s23+$0x198B0]  }
0x81: {  	v35 =	vadd.f32 $0.0e+00, v35;
	v36 =	vadd.f32 $0.0e+00, v36;
	v39 =	vmul.f32 v49, v39;
	v46 =	vld [tilespmem:s23+$0x198A0];
	s23 =	sshra.s32 s24, $0x2  }
0x82: {  	v34 =	vadd.f32 $0.0e+00, v34;
	v31 =	vadd.f32 $0.0e+00, v31;
	v37 =	vmul.f32 v59, v37;
	v17 =	vld [tilespmem:s23+$0x19890]  }
0x83: {  	v25 =	vadd.f32 $0.0e+00, v25;
	v23 =	vadd.f32 $0.0e+00, v23;
	v27 =	vmul.f32 v27, v29;
	v18 =	vld [tilespmem:s23+$0x19880]  }
0x84: {  	v24 =	vadd.f32 $0.0e+00, v24;
	v20 =	vadd.f32 $0.0e+00, v20;
	v28 =	vmul.f32 v56, v28;
	v29 =	vld [tilespmem:s23+$0x188B0]  }
0x85: {  	v19 =	vmul.f32 v21, v19;
	v21 =	vadd.f32 v41, v35;
	v35 =	vadd.f32 v42, v36;
	v47 =	vld [tilespmem:s23+$0x190B0]  }
0x86: {  	v34 =	vadd.f32 v39, v34;
	v31 =	vadd.f32 v37, v31;
	v30 =	vmul.f32 v40, v30;
	v36 =	vld [tilespmem:s23+$0x19090]  }
0x87: {  	v39 =	vmul.f32 v54, v52;
	v25 =	vadd.f32 v27, v25;
	v23 =	vadd.f32 v28, v23;
	v37 =	vld [tilespmem:s23+$0x19080]  }
0x88: {  	v19 =	vadd.f32 v19, v24;
	v20 =	vadd.f32 v30, v20;
	v24 =	vmul.f32 v60, v55;
	v27 =	vld [tilespmem:s23+$0x188A0]  }
0x89: {  	v34 =	vadd.f32 v38, v34;
	v30 =	vmul.f32 v58, v57;
	v21 =	vadd.f32 v32, v21;
	v28 =	vld [tilespmem:s23+$0x190A0]  }
0x8a: {  	v15 =	vmul.f32 v16, v15;
	v19 =	vadd.f32 v39, v19;
	v20 =	vadd.f32 v24, v20;
	v32 =	vld [tilespmem:s23+$0x18890]  }
0x8b: {  	v13 =	vmul.f32 v14, v13;
	v16 =	vadd.f32 v44, v25;
	v23 =	vadd.f32 v30, v23;
	v2 =	vld.idx.msk [tilespmem:v2+s19+$0x0], $0xffff  }
0x8c: {  	v11 =	vmul.f32 v12, v11;
	v19 =	vadd.f32 v43, v19;
	v15 =	vadd.f32 v15, v20;
	v14 =	vld [tilespmem:s23+$0x18880]  }
0x8d: {  	v9 =	vmul.f32 v10, v9;
	v13 =	vadd.f32 v13, v31;
	v12 =	vadd.f32 v33, v16;
	v1 =	vld.idx.msk [tilespmem:v1+s19+$0x0], $0xffff  }
0x8e: {  	v7 =	vmul.f32 v8, v7;
	v11 =	vadd.f32 v11, v23;
	v15 =	vadd.f32 v19, v15;
	v10 =	vld.idx.msk [tilespmem:v36+s19+$0x0], $0xffff  }
0x8f: {  	v5 =	vmul.f32 v6, v5;
	v16 =	vadd.f32 v26, v34;
	v9 =	vadd.f32 v9, v35;
	v8 =	vld.idx.msk [tilespmem:v37+s19+$0x0], $0xffff  }
0x90: {  	v7 =	vadd.f32 v7, v13;
	v11 =	vadd.f32 v12, v11;
	v4 =	vmul.f32 v15, v4;
	v6 =	vld.idx.msk [tilespmem:v29+s1+$0x0], $0xffff  }
0x91: {  	v5 =	vadd.f32 v5, v9;
	v15 =	vadd.f32 v22, v21;
	v13 =	vmul.f32 v2, v46;
	v12 =	vld.idx.msk [tilespmem:v47+s18+$0x0], $0xffff  }
0x92: {  	v3 =	vmul.f32 v11, v3;
	v0 =	vadd.f32 v4, v0;
	v4 =	vadd.f32 v16, v7;
	v9 =	vld.idx.msk [tilespmem:v27+s1+$0x0], $0xffff  }
0x93: {  	v11 =	vadd.s32 $0x7530, v29;
	v16 =	vadd.s32 $0x7530, v47;
	v2 =	vmovc v28;
	v19 =	vmul.f32 v1, v45;
	v1 =	vmovc v47;
	v7 =	vld.idx.msk [tilespmem:v28+s18+$0x0], $0xffff  }
0x94: {  	v0 =	vadd.f32 v3, v0;
	v3 =	vmul.f32 v4, v13;
	v4 =	vadd.f32 v15, v5;
	v20 =	vld.idx.msk [tilespmem:v32+s1+$0x0], $0xffff  }
0x95: {  	v21 =	vadd.s32 $0x4E20, v29;
	v13 =	vadd.s32 $0x7530, v27;
	v15 =	vadd.s32 $0x7530, v2;
	v5 =	vld.idx.msk [tilespmem:v36+s18+$0x0], $0xffff  }
0x96: {  	v23 =	vadd.s32 $0x4E20, v1;
	v0 =	vadd.f32 v3, v0;
	v3 =	vmul.f32 v4, v19;
	v22 =	vld.idx.msk [tilespmem:v14+s1+$0x0], $0xffff  }
0x97: {  	v25 =	vadd.s32 $0x7530, v36;
	v24 =	vadd.s32 $0x7530, v32;
	v28 =	vadd.s32 $0x4E20, v27;
	v26 =	vld.idx.msk [tilespmem:v37+s18+$0x0], $0xffff  }
0x98: {  	v29 =	vadd.s32 $0x2710, v29;
	v30 =	vadd.s32 $0x4E20, v2;
	v0 =	vadd.f32 v3, v0;
	v11 =	vld.idx.msk [tilespmem:v11+s1+$0x0], $0xffff  }
0x99: {  	v35 =	vadd.s32 $0x7530, v37;
	v33 =	vadd.s32 $0x7530, v14;
	v38 =	vadd.s32 $0x2710, v1;
	v16 =	vld.idx.msk [tilespmem:v16+s18+$0x0], $0xffff  }
0x9a: {  	v41 =	vadd.s32 $0x4E20, v36;
	v42 =	vadd.s32 $0x2710, v27;
	v40 =	vadd.s32 $0x4E20, v32;
	v13 =	vld.idx.msk [tilespmem:v13+s1+$0x0], $0xffff  }
0x9b: {  	v44 =	vadd.s32 $0x4E20, v14;
	v43 =	vadd.s32 $0x2710, v2;
	v45 =	vadd.s32 $0x4E20, v37;
	v15 =	vld.idx.msk [tilespmem:v15+s18+$0x0], $0xffff  }
0x9c: {  	v56 =	vadd.s32 $0x2710, v32;
	v27 =	vadd.s32 $0x2710, v36;
	v19 =	vadd.s32 $0x2710, v14;
	v14 =	vld.idx.msk [tilespmem:v21+s1+$0x0], $0xffff  }
0x9d: {  	v4 =	vmul.f32 v8, v18;
	v3 =	vmul.f32 v10, v17;
	v21 =	vadd.s32 $0x2710, v37;
	v36 =	vld.idx.msk [tilespmem:v23+s18+$0x0], $0xffff  }
0x9e: {  	v47 =	vunpack.i.u.bf16.f32 v6;
	v48 =	vunpack.i.l.bf16.f32 v6;
	v54 =	vunpack.i.u.bf16.f32 v12;
	v46 =	vld.idx.msk [tilespmem:v24+s1+$0x0], $0xffff  }
0x9f: {  	v57 =	vunpack.i.l.bf16.f32 v12;
	v31 =	vunpack.i.u.bf16.f32 v9;
	v34 =	vunpack.i.l.bf16.f32 v9;
	v49 =	vld.idx.msk [tilespmem:v25+s18+$0x0], $0xffff  }
0xa0: {  	v39 =	vunpack.i.l.bf16.f32 v7;
	v17 =	vunpack.i.u.bf16.f32 v20;
	v37 =	vunpack.i.u.bf16.f32 v7;
	v52 =	vld.idx.msk [tilespmem:v28+s1+$0x0], $0xffff  }
0xa1: {  	v23 =	vunpack.i.u.bf16.f32 v5;
	v25 =	vunpack.i.l.bf16.f32 v20;
	v28 =	vunpack.i.l.bf16.f32 v5;
	v58 =	vld.idx.msk [tilespmem:v30+s18+$0x0], $0xffff  }
0xa2: {  	v18 =	vunpack.i.u.bf16.f32 v22;
	v24 =	vunpack.i.l.bf16.f32 v22;
	v20 =	vunpack.i.u.bf16.f32 v26;
	v59 =	vld.idx.msk [tilespmem:v29+s1+$0x0], $0xffff  }
0xa3: {  	v22 =	vunpack.i.l.bf16.f32 v11;
	v5 =	vunpack.i.u.bf16.f32 v11;
	v29 =	vunpack.i.l.bf16.f32 v26;
	v60 =	vld.idx.msk [tilespmem:v38+s18+$0x0], $0xffff  }
0xa4: {  	v6 =	vunpack.i.u.bf16.f32 v16;
	v7 =	vunpack.i.u.bf16.f32 v13;
	v30 =	vunpack.i.l.bf16.f32 v16;
	v61 =	vld.idx.msk [tilespmem:v33+s1+$0x0], $0xffff  }
0xa5: {  	v8 =	vunpack.i.u.bf16.f32 v15;
	v32 =	vunpack.i.l.bf16.f32 v15;
	v26 =	vunpack.i.l.bf16.f32 v13;
	v50 =	vld.idx.msk [tilespmem:v35+s18+$0x0], $0xffff  }
0xa6: {  	v9 =	vunpack.i.u.bf16.f32 v14;
	v10 =	vunpack.i.u.bf16.f32 v36;
	v33 =	vunpack.i.l.bf16.f32 v14;
	v51 =	vld.idx.msk [tilespmem:v40+s1+$0x0], $0xffff  }
0xa7: {  	v11 =	vunpack.i.u.bf16.f32 v46;
	v38 =	vunpack.i.l.bf16.f32 v46;
	v53 =	vld.idx.msk [tilespmem:v41+s18+$0x0], $0xffff;
	v41 =	vunpack.i.l.bf16.f32 v36  }
.Ltmp1:
0xa8: {  	v12 =	vunpack.i.u.bf16.f32 v49;
	v13 =	vunpack.i.u.bf16.f32 v52;
	v40 =	vunpack.i.l.bf16.f32 v49;
	v55 =	vld.idx.msk [tilespmem:v42+s1+$0x0], $0xffff;
	(pc) =	sbr.rel @p0 .LBB2_5-.Ltmp1, $4  }
0xa9: {  	v14 =	vunpack.i.u.bf16.f32 v58;
	v42 =	vunpack.i.l.bf16.f32 v52;
	v49 =	vld.idx.msk [tilespmem:v43+s18+$0x0], $0xffff;
	v43 =	vunpack.i.l.bf16.f32 v58  }
0xaa: {  	v35 =	vmul.f32 v57, v48;
	v36 =	vmul.f32 v54, v47;
	v52 =	vld.idx.msk [tilespmem:v44+s1+$0x0], $0xffff;
	v44 =	vunpack.i.u.bf16.f32 v59  }
0xab: {  	v46 =	vunpack.i.u.bf16.f32 v60;
	v48 =	vunpack.i.l.bf16.f32 v60;
	v54 =	vld.idx.msk [tilespmem:v45+s18+$0x0], $0xffff;
	v45 =	vunpack.i.l.bf16.f32 v59  }
0xac: {  	s24 =	sadd.s32 $0x100, s24;
	v15 =	vunpack.i.u.bf16.f32 v61;
	v47 =	vunpack.i.l.bf16.f32 v61;
	v16 =	vunpack.i.u.bf16.f32 v50;
	v56 =	vld.idx.msk [tilespmem:v56+s1+$0x0], $0xffff  }
0xad: {  	_ =	sdelay $0x3  }
0xae: {  	v27 =	vld.idx.msk [tilespmem:v27+s18+$0x0], $0xffff  }
0xaf: {  	v57 =	vld.idx.msk [tilespmem:v19+s1+$0x0], $0xffff  }
0xb0: {  	v21 =	vld.idx.msk [tilespmem:v21+s18+$0x0], $0xffff;
	p0 =	seq.s32 s20, $0x13;
	v50 =	vunpack.i.l.bf16.f32 v50  }
0xb1: {  	v58 =	vunpack.i.u.bf16.f32 v51;
	v34 =	vmul.f32 v39, v34;
	v39 =	vld.idx.msk [tilespmem:v2+s19+$0x0], $0xffff;
	v2 =	vmul.f32 v37, v31;
	s22 =	sadd.s32 @!p0 s22, s15  }
0xb2: {  	v19 =	vld [tilespmem:s23+$0x198B0];
	v51 =	vunpack.i.l.bf16.f32 v51;
	v25 =	vmul.f32 v28, v25;
	v17 =	vmul.f32 v23, v17;
	s22 =	sshrl.u32 @!p0 s22, $0x3  }
0xb3: {  	v59 =	vld [tilespmem:s23+$0x198A0];
	v31 =	vunpack.i.u.bf16.f32 v55;
	v24 =	vmul.f32 v29, v24;
	v18 =	vmul.f32 v20, v18;
	s24 =	simm.s32 @!p0 $0x0;
	s30 =	simm.s32 @!p0 $0x18880;
	s23 =	sadd.s32 @!p0 s3, s22  }
0xb4: {  	v37 =	vunpack.i.l.bf16.f32 v55;
	v55 =	vld.idx.msk [tilespmem:v1+s19+$0x0], $0xffff;
	v22 =	vmul.f32 v30, v22;
	v26 =	vmul.f32 v32, v26;
	[tilespmem:s30], [sflag:$0x1] =	stream.linear.gather @!p0 [hbm4b:s23+s24], $0x400, $0x38  }
0xb5: {  	v60 =	vunpack.i.u.bf16.f32 v53;
	v32 =	vmul.f32 v41, v33;
	v38 =	vmul.f32 v40, v38;
	s23 =	sadd.s32 @!p0 s4, s22;
	s30 =	simm.s32 @!p0 $0x19080  }
0xb6: {  	v53 =	vunpack.i.l.bf16.f32 v53;
	v63 =	vmul.f32 v48, v45;
	v48 =	vmul.f32 v46, v44;
	[tilespmem:s30], [sflag:$0x1] =	stream.linear.gather @!p0 [hbm4b:s23+s24], $0x400, $0x38;
	[tilespmem:$0x1A090] =	vst v63  }
0xb7: {  	v35 =	vadd.f32 $0.0e+00, v35;
	v36 =	vadd.f32 $0.0e+00, v36;
	v15 =	vmul.f32 v16, v15;
	s22 =	sadd.s32 @!p0 s5, s22;
	s23 =	simm.s32 @!p0 $0x19880  }
0xb8: {  	v13 =	vmul.f32 v14, v13;
	v9 =	vmul.f32 v10, v9;
	v28 =	vunpack.i.u.bf16.f32 v49;
	[tilespmem:s23], [sflag:$0x1] =	stream.linear.gather @!p0 [hbm4b:s22+s24], $0x400, $0x38;
	[tilespmem:$0x1A090] =	vst v63  }
0xb9: {  	v49 =	vunpack.i.l.bf16.f32 v49;
	v1 =	vunpack.i.u.bf16.f32 v52;
	v34 =	vadd.f32 $0.0e+00, v34;
	_ =	swait.ge [sflag:s29], $0x400  }
0xba: {  	v52 =	vunpack.i.l.bf16.f32 v52;
	v2 =	vadd.f32 $0.0e+00, v2;
	v25 =	vadd.f32 $0.0e+00, v25;
	[sflag:s29] =	ssyncset.done $0x0  }
0xbb: {  	v37 =	vmul.f32 v49, v37;
	v17 =	vadd.f32 $0.0e+00, v17;
	v24 =	vadd.f32 $0.0e+00, v24;
	[sflag:s29] =	ssyncadd.s32 $0xFFFFFC00  }
0xbc: {  	v28 =	vmul.f32 v28, v31;
	v18 =	vadd.f32 $0.0e+00, v18;
	v31 =	vadd.f32 v48, v36;
	_ =	swait.ge [sflag:s29], $0x400  }
0xbd: {  	v23 =	vunpack.i.u.bf16.f32 v54;
	v54 =	vunpack.i.l.bf16.f32 v54;
	v29 =	vunpack.i.u.bf16.f32 v56;
	[sflag:s29] =	ssyncset.done $0x0  }
0xbe: {  	v56 =	vunpack.i.l.bf16.f32 v56;
	v2 =	vadd.f32 v28, v2;
	v1 =	vmul.f32 v23, v1;
	[sflag:s29] =	ssyncadd.s32 $0xFFFFFC00  }
0xbf: {  	v9 =	vadd.f32 v9, v31;
	v20 =	vunpack.i.u.bf16.f32 v27;
	v27 =	vunpack.i.l.bf16.f32 v27;
	_ =	swait.ge [sflag:s29], $0x400  }
0xc0: {  	v30 =	vunpack.i.u.bf16.f32 v57;
	v61 =	vunpack.i.l.bf16.f32 v57;
	v62 =	vunpack.i.u.bf16.f32 v21;
	[sflag:s29] =	ssyncset.done $0x0  }
0xc1: {  	v21 =	vunpack.i.l.bf16.f32 v21;
	v57 =	vmul.f32 v53, v51;
	v20 =	vmul.f32 v20, v29;
	s22 =	simm.s32 $0x0;
	[sflag:s29] =	ssyncadd.s32 $0xFFFFFC00  }
0xc2: {  	v21 =	vmul.f32 v21, v61;
	v29 =	vadd.f32 v63, v35;
	v30 =	vmul.f32 v62, v30;
	v28 =	vld [tilespmem:s22+$0x19C90]  }
0xc3: {  	v27 =	vmul.f32 v27, v56;
	v61 =	vadd.f32 v37, v34;
	v17 =	vadd.f32 v20, v17;
	v20 =	vld [tilespmem:s22+$0x19C80]  }
0xc4: {  	v62 =	vmul.f32 v54, v52;
	v21 =	vadd.f32 v21, v24;
	v18 =	vadd.f32 v30, v18;
	v23 =	vld [tilespmem:s22+$0x19490]  }
0xc5: {  	v13 =	vadd.f32 v13, v2;
	v25 =	vadd.f32 v27, v25;
	v24 =	vmul.f32 v60, v58;
	v30 =	vld [tilespmem:s22+$0x19480]  }
0xc6: {  	v50 =	vmul.f32 v50, v47;
	v21 =	vadd.f32 v62, v21;
	v18 =	vadd.f32 v1, v18;
	v16 =	vld [tilespmem:s22+$0x18CB0]  }
0xc7: {  	v40 =	vmul.f32 v43, v42;
	v25 =	vadd.f32 v57, v25;
	v17 =	vadd.f32 v24, v17;
	v1 =	vld [tilespmem:s22+$0x194B0]  }
0xc8: {  	v11 =	vmul.f32 v12, v11;
	v14 =	vadd.f32 v50, v21;
	v15 =	vadd.f32 v15, v18;
	v12 =	vld [tilespmem:s22+$0x18CA0]  }
0xc9: {  	v7 =	vmul.f32 v8, v7;
	v27 =	vadd.f32 v40, v61;
	v18 =	vadd.f32 v38, v25;
	v2 =	vld [tilespmem:s22+$0x194A0]  }
0xca: {  	v11 =	vadd.f32 v11, v17;
	v10 =	vadd.f32 v14, v15;
	v8 =	vld [tilespmem:s22+$0x18C90]  }
0xcb: {  	v5 =	vmul.f32 v6, v5;
	v29 =	vadd.f32 v32, v29;
	v7 =	vadd.f32 v7, v13;
	v6 =	vld [tilespmem:s22+$0x18C80]  }
0xcc: {  	v14 =	vadd.f32 v26, v27;
	v4 =	vmul.f32 v10, v4;
	v10 =	vadd.f32 v18, v11;
	v11 =	vld.idx.msk [tilespmem:v23+s19+$0x0], $0xffff  }
0xcd: {  	v5 =	vadd.f32 v5, v9;
	v13 =	vmul.f32 v39, v59;
	v15 =	vadd.f32 v22, v29;
	v9 =	vld.idx.msk [tilespmem:v30+s19+$0x0], $0xffff  }
0xce: {  	v0 =	vadd.f32 v4, v0;
	v3 =	vmul.f32 v10, v3;
	v4 =	vadd.f32 v14, v7;
	v7 =	vld.idx.msk [tilespmem:v16+s1+$0x0], $0xffff  }
0xcf: {  	v10 =	vmul.f32 v55, v19;
	v14 =	vld.idx.msk [tilespmem:v1+s18+$0x0], $0xffff  }
0xd0: {  	v0 =	vadd.f32 v3, v0;
	v3 =	vmul.f32 v4, v13;
	v4 =	vadd.f32 v15, v5;
	v5 =	vld.idx.msk [tilespmem:v12+s1+$0x0], $0xffff  }
0xd1: {  	v15 =	vadd.s32 $0x7530, v16;
	v13 =	vld.idx.msk [tilespmem:v2+s18+$0x0], $0xffff  }
0xd2: {  	v0 =	vadd.f32 v3, v0;
	v3 =	vmul.f32 v4, v10;
	v4 =	vadd.s32 $0x7530, v1;
	v10 =	vld.idx.msk [tilespmem:v8+s1+$0x0], $0xffff  }
0xd3: {  	v18 =	vadd.s32 $0x7530, v12;
	v17 =	vld.idx.msk [tilespmem:v23+s18+$0x0], $0xffff  }
0xd4: {  	v19 =	vadd.s32 $0x4E20, v16;
	v22 =	vld.idx.msk [tilespmem:v6+s1+$0x0], $0xffff  }
0xd5: {  	v24 =	vadd.s32 $0x4E20, v1;
	v25 =	vadd.s32 $0x7530, v8;
	v27 =	vld.idx.msk [tilespmem:v30+s18+$0x0], $0xffff  }
0xd6: {  	v26 =	vadd.s32 $0x7530, v23;
	v29 =	vadd.s32 $0x4E20, v12;
	v31 =	vadd.s32 $0x4E20, v2;
	v15 =	vld.idx.msk [tilespmem:v15+s1+$0x0], $0xffff  }
0xd7: {  	v63 =	vadd.s32 $0x2710, v16;
	v0 =	vadd.f32 v3, v0;
	v3 =	vadd.s32 $0x7530, v2;
	v38 =	vld.idx.msk [tilespmem:v4+s18+$0x0], $0xffff  }
0xd8: {  	v34 =	vadd.s32 $0x7530, v6;
	v36 =	vadd.s32 $0x7530, v30;
	v42 =	vadd.s32 $0x2710, v12;
	v12 =	vld.idx.msk [tilespmem:v18+s1+$0x0], $0xffff  }
0xd9: {  	v37 =	vadd.s32 $0x2710, v1;
	v39 =	vadd.s32 $0x4E20, v8;
	v40 =	vadd.s32 $0x4E20, v23;
	v46 =	vld.idx.msk [tilespmem:v19+s1+$0x0], $0xffff  }
0xda: {  	v44 =	vadd.s32 $0x4E20, v6;
	v45 =	vadd.s32 $0x4E20, v30;
	v43 =	vadd.s32 $0x2710, v2;
	v47 =	vld.idx.msk [tilespmem:v24+s18+$0x0], $0xffff  }
0xdb: {  	v56 =	vadd.s32 $0x2710, v8;
	v21 =	vadd.s32 $0x2710, v23;
	v16 =	vadd.s32 $0x2710, v30;
	v48 =	vld.idx.msk [tilespmem:v25+s1+$0x0], $0xffff  }
0xdc: {  	v18 =	vadd.s32 $0x2710, v6;
	v41 =	vld.idx.msk [tilespmem:v3+s18+$0x0], $0xffff;
	v4 =	vmul.f32 v9, v20;
	v3 =	vmul.f32 v11, v28  }
0xdd: {  	v52 =	vld.idx.msk [tilespmem:v26+s18+$0x0], $0xffff;
	v55 =	vunpack.i.u.bf16.f32 v7;
	v57 =	vunpack.i.l.bf16.f32 v7;
	v58 =	vunpack.i.u.bf16.f32 v14  }
0xde: {  	v60 =	vld.idx.msk [tilespmem:v63+s1+$0x0], $0xffff;
	v28 =	vunpack.i.u.bf16.f32 v5;
	v30 =	vunpack.i.l.bf16.f32 v5;
	v59 =	vunpack.i.l.bf16.f32 v14  }
0xdf: {  	v61 =	vld.idx.msk [tilespmem:v37+s18+$0x0], $0xffff;
	v19 =	vunpack.i.u.bf16.f32 v10;
	v33 =	vunpack.i.u.bf16.f32 v13;
	v35 =	vunpack.i.l.bf16.f32 v13  }
0xe0: {  	v62 =	vld.idx.msk [tilespmem:v34+s1+$0x0], $0xffff;
	v23 =	vunpack.i.l.bf16.f32 v10;
	v24 =	vunpack.i.u.bf16.f32 v17;
	v25 =	vunpack.i.l.bf16.f32 v17  }
0xe1: {  	v50 =	vld.idx.msk [tilespmem:v39+s1+$0x0], $0xffff;
	v20 =	vunpack.i.u.bf16.f32 v22;
	v26 =	vunpack.i.l.bf16.f32 v22;
	v22 =	vunpack.i.u.bf16.f32 v27  }
0xe2: {  	v14 =	vld.idx.msk [tilespmem:v29+s1+$0x0], $0xffff;
	v29 =	vunpack.i.l.bf16.f32 v27;
	v39 =	vmul.f32 v58, v55;
	v5 =	vunpack.i.u.bf16.f32 v15  }
0xe3: {  	v49 =	vld.idx.msk [tilespmem:v36+s18+$0x0], $0xffff;
	v27 =	vunpack.i.l.bf16.f32 v15;
	v7 =	vunpack.i.u.bf16.f32 v12;
	v6 =	vunpack.i.u.bf16.f32 v38  }
0xe4: {  	v17 =	vld.idx.msk [tilespmem:v31+s18+$0x0], $0xffff;
	v31 =	vunpack.i.l.bf16.f32 v38;
	v32 =	vunpack.i.l.bf16.f32 v12;
	v9 =	vunpack.i.u.bf16.f32 v46  }
0xe5: {  	v51 =	vld.idx.msk [tilespmem:v40+s18+$0x0], $0xffff;
	v36 =	vunpack.i.l.bf16.f32 v46;
	v10 =	vunpack.i.u.bf16.f32 v47;
	v11 =	vunpack.i.u.bf16.f32 v48  }
0xe6: {  	v54 =	vld.idx.msk [tilespmem:v44+s1+$0x0], $0xffff;
	v37 =	vunpack.i.l.bf16.f32 v48;
	v40 =	vunpack.i.l.bf16.f32 v47;
	v12 =	vunpack.i.u.bf16.f32 v52  }
0xe7: {  	v55 =	vld.idx.msk [tilespmem:v45+s18+$0x0], $0xffff;
	v38 =	vmul.f32 v59, v57;
	v44 =	vunpack.i.u.bf16.f32 v60;
	v45 =	vunpack.i.l.bf16.f32 v60  }
0xe8: {  	v46 =	vunpack.i.u.bf16.f32 v61;
	v48 =	vunpack.i.l.bf16.f32 v61;
	v15 =	vunpack.i.u.bf16.f32 v62  }
0xe9: {  	v53 =	vld.idx.msk [tilespmem:v42+s1+$0x0], $0xffff;
	v47 =	vunpack.i.l.bf16.f32 v62;
	v8 =	vunpack.i.u.bf16.f32 v41;
	v34 =	vunpack.i.l.bf16.f32 v41  }
0xea: {  	v41 =	vunpack.i.l.bf16.f32 v52;
	v52 =	vld.idx.msk [tilespmem:v43+s18+$0x0], $0xffff;
	v13 =	vunpack.i.u.bf16.f32 v14;
	v42 =	vunpack.i.l.bf16.f32 v14  }
0xeb: {  	s23 =	simm.s32 $0x100;
	v56 =	vld.idx.msk [tilespmem:v56+s1+$0x0], $0xffff;
	v14 =	vunpack.i.u.bf16.f32 v17;
	v43 =	vunpack.i.l.bf16.f32 v17;
	v17 =	vunpack.i.u.bf16.f32 v49  }
.LBB2_7:
0xec: {  	p0 =	sne.s32 s23, $0xF00;
	v49 =	vunpack.i.l.bf16.f32 v49;
	v21 =	vld.idx.msk [tilespmem:v21+s18+$0x0], $0xffff;
	v57 =	vunpack.i.u.bf16.f32 v50;
	v50 =	vunpack.i.l.bf16.f32 v50  }
0xed: {  	v58 =	vunpack.i.u.bf16.f32 v51;
	v51 =	vunpack.i.l.bf16.f32 v51;
	v30 =	vmul.f32 v35, v30  }
0xee: {  	v28 =	vmul.f32 v33, v28;
	v33 =	vunpack.i.u.bf16.f32 v53;
	v35 =	vunpack.i.l.bf16.f32 v53;
	v18 =	vld.idx.msk [tilespmem:v18+s1+$0x0], $0xffff  }
0xef: {  	v59 =	vunpack.i.u.bf16.f32 v52;
	v52 =	vunpack.i.l.bf16.f32 v52;
	v53 =	vunpack.i.u.bf16.f32 v54  }
0xf0: {  	v54 =	vunpack.i.l.bf16.f32 v54;
	v60 =	vunpack.i.u.bf16.f32 v55;
	v55 =	vunpack.i.l.bf16.f32 v55;
	v16 =	vld.idx.msk [tilespmem:v16+s18+$0x0], $0xffff  }
0xf1: {  	v23 =	vmul.f32 v25, v23;
	v24 =	vmul.f32 v24, v19;
	v25 =	vunpack.i.u.bf16.f32 v56  }
0xf2: {  	v26 =	vmul.f32 v29, v26;
	v29 =	vunpack.i.l.bf16.f32 v56;
	v56 =	vunpack.i.u.bf16.f32 v21  }
0xf3: {  	v20 =	vmul.f32 v22, v20;
	v22 =	vmul.f32 v31, v27;
	v21 =	vunpack.i.l.bf16.f32 v21  }
0xf4: {  	v31 =	vmul.f32 v34, v32;
	v32 =	vmul.f32 v40, v36;
	v27 =	vunpack.i.u.bf16.f32 v18  }
0xf5: {  	v34 =	vmul.f32 v41, v37;
	v36 =	vmul.f32 v43, v42;
	v18 =	vunpack.i.l.bf16.f32 v18  }
0xf6: {  	v40 =	vmul.f32 v48, v45;
	v41 =	vmul.f32 v46, v44;
	v37 =	vunpack.i.u.bf16.f32 v16  }
0xf7: {  	v43 =	vmul.f32 v49, v47;
	v44 =	vmul.f32 v51, v50;
	v42 =	vunpack.i.l.bf16.f32 v16;
	v45 =	vld [tilespmem:s22+$0x19CB0]  }
0xf8: {  	v38 =	vadd.f32 $0.0e+00, v38;
	v39 =	vadd.f32 $0.0e+00, v39;
	v35 =	vmul.f32 v52, v35;
	v46 =	vld [tilespmem:s22+$0x19CA0];
	s22 =	sshra.s32 s23, $0x2  }
0xf9: {  	v30 =	vadd.f32 $0.0e+00, v30;
	v28 =	vadd.f32 $0.0e+00, v28;
	v33 =	vmul.f32 v59, v33;
	v19 =	vld [tilespmem:s22+$0x19C90]  }
0xfa: {  	v23 =	vadd.f32 $0.0e+00, v23;
	v24 =	vadd.f32 $0.0e+00, v24;
	v21 =	vmul.f32 v21, v29;
	v16 =	vld [tilespmem:s22+$0x19C80]  }
0xfb: {  	v26 =	vadd.f32 $0.0e+00, v26;
	v20 =	vadd.f32 $0.0e+00, v20;
	v25 =	vmul.f32 v56, v25;
	v29 =	vld [tilespmem:s22+$0x18CB0]  }
0xfc: {  	v38 =	vadd.f32 v40, v38;
	v39 =	vadd.f32 v41, v39;
	v18 =	vmul.f32 v42, v18;
	v47 =	vld [tilespmem:s22+$0x194B0]  }
0xfd: {  	v30 =	vadd.f32 v35, v30;
	v28 =	vadd.f32 v33, v28;
	v27 =	vmul.f32 v37, v27;
	v40 =	vld [tilespmem:s22+$0x19490]  }
0xfe: {  	v35 =	vmul.f32 v55, v54;
	v21 =	vadd.f32 v21, v23;
	v23 =	vadd.f32 v25, v24;
	v33 =	vld [tilespmem:s22+$0x19480]  }
0xff: {  	v25 =	vmul.f32 v60, v53;
	v18 =	vadd.f32 v18, v26;
	v20 =	vadd.f32 v27, v20;
	v24 =	vld [tilespmem:s22+$0x18CA0]  }
0x100: {  	v32 =	vadd.f32 v32, v38;
	v30 =	vadd.f32 v36, v30;
	v27 =	vmul.f32 v58, v57;
	v26 =	vld [tilespmem:s22+$0x194A0]  }
0x101: {  	v15 =	vmul.f32 v17, v15;
	v18 =	vadd.f32 v35, v18;
	v20 =	vadd.f32 v25, v20;
	v36 =	vld [tilespmem:s22+$0x18C90]  }
0x102: {  	v13 =	vmul.f32 v14, v13;
	v17 =	vadd.f32 v44, v21;
	v21 =	vadd.f32 v27, v23;
	v2 =	vld.idx.msk [tilespmem:v2+s19+$0x0], $0xffff  }
0x103: {  	v11 =	vmul.f32 v12, v11;
	v18 =	vadd.f32 v43, v18;
	v15 =	vadd.f32 v15, v20;
	v14 =	vld [tilespmem:s22+$0x18C80]  }
0x104: {  	v9 =	vmul.f32 v10, v9;
	v13 =	vadd.f32 v13, v28;
	v12 =	vadd.f32 v34, v17;
	v1 =	vld.idx.msk [tilespmem:v1+s19+$0x0], $0xffff  }
0x105: {  	v7 =	vmul.f32 v8, v7;
	v11 =	vadd.f32 v11, v21;
	v15 =	vadd.f32 v18, v15;
	v10 =	vld.idx.msk [tilespmem:v40+s19+$0x0], $0xffff  }
0x106: {  	v5 =	vmul.f32 v6, v5;
	v9 =	vadd.f32 v9, v39;
	v17 =	vadd.f32 v31, v30;
	v8 =	vld.idx.msk [tilespmem:v33+s19+$0x0], $0xffff  }
0x107: {  	v7 =	vadd.f32 v7, v13;
	v11 =	vadd.f32 v12, v11;
	v4 =	vmul.f32 v15, v4;
	v6 =	vld.idx.msk [tilespmem:v29+s1+$0x0], $0xffff  }
0x108: {  	v5 =	vadd.f32 v5, v9;
	v15 =	vadd.f32 v22, v32;
	v13 =	vmul.f32 v2, v46;
	v12 =	vld.idx.msk [tilespmem:v47+s18+$0x0], $0xffff  }
0x109: {  	v3 =	vmul.f32 v11, v3;
	v0 =	vadd.f32 v4, v0;
	v4 =	vadd.f32 v17, v7;
	v9 =	vld.idx.msk [tilespmem:v24+s1+$0x0], $0xffff  }
0x10a: {  	v11 =	vadd.s32 $0x7530, v29;
	v17 =	vadd.s32 $0x7530, v47;
	v2 =	vmovc v26;
	v18 =	vmul.f32 v1, v45;
	v1 =	vmovc v47;
	v7 =	vld.idx.msk [tilespmem:v26+s18+$0x0], $0xffff  }
0x10b: {  	v0 =	vadd.f32 v3, v0;
	v3 =	vmul.f32 v4, v13;
	v4 =	vadd.f32 v15, v5;
	v20 =	vld.idx.msk [tilespmem:v36+s1+$0x0], $0xffff  }
0x10c: {  	v22 =	vadd.s32 $0x4E20, v29;
	v13 =	vadd.s32 $0x7530, v24;
	v15 =	vadd.s32 $0x7530, v2;
	v5 =	vld.idx.msk [tilespmem:v40+s18+$0x0], $0xffff  }
0x10d: {  	v23 =	vadd.s32 $0x4E20, v1;
	v0 =	vadd.f32 v3, v0;
	v3 =	vmul.f32 v4, v18;
	v26 =	vld.idx.msk [tilespmem:v14+s1+$0x0], $0xffff  }
0x10e: {  	v28 =	vadd.s32 $0x7530, v40;
	v31 =	vadd.s32 $0x4E20, v24;
	v25 =	vadd.s32 $0x7530, v36;
	v27 =	vld.idx.msk [tilespmem:v33+s18+$0x0], $0xffff  }
0x10f: {  	v29 =	vadd.s32 $0x2710, v29;
	v32 =	vadd.s32 $0x4E20, v2;
	v0 =	vadd.f32 v3, v0;
	v11 =	vld.idx.msk [tilespmem:v11+s1+$0x0], $0xffff  }
0x110: {  	v37 =	vadd.s32 $0x7530, v33;
	v34 =	vadd.s32 $0x7530, v14;
	v38 =	vadd.s32 $0x2710, v1;
	v17 =	vld.idx.msk [tilespmem:v17+s18+$0x0], $0xffff  }
0x111: {  	v41 =	vadd.s32 $0x4E20, v40;
	v42 =	vadd.s32 $0x2710, v24;
	v39 =	vadd.s32 $0x4E20, v36;
	v13 =	vld.idx.msk [tilespmem:v13+s1+$0x0], $0xffff  }
0x112: {  	v44 =	vadd.s32 $0x4E20, v14;
	v43 =	vadd.s32 $0x2710, v2;
	v45 =	vadd.s32 $0x4E20, v33;
	v15 =	vld.idx.msk [tilespmem:v15+s18+$0x0], $0xffff  }
0x113: {  	v21 =	vadd.s32 $0x2710, v40;
	v56 =	vadd.s32 $0x2710, v36;
	v18 =	vadd.s32 $0x2710, v14;
	v14 =	vld.idx.msk [tilespmem:v22+s1+$0x0], $0xffff  }
0x114: {  	v4 =	vmul.f32 v8, v16;
	v16 =	vadd.s32 $0x2710, v33;
	v3 =	vmul.f32 v10, v19;
	v40 =	vld.idx.msk [tilespmem:v23+s18+$0x0], $0xffff  }
0x115: {  	v47 =	vunpack.i.u.bf16.f32 v6;
	v48 =	vunpack.i.l.bf16.f32 v6;
	v55 =	vunpack.i.u.bf16.f32 v12;
	v46 =	vld.idx.msk [tilespmem:v25+s1+$0x0], $0xffff  }
0x116: {  	v57 =	vunpack.i.l.bf16.f32 v12;
	v30 =	vunpack.i.l.bf16.f32 v9;
	v52 =	vld.idx.msk [tilespmem:v28+s18+$0x0], $0xffff;
	v28 =	vunpack.i.u.bf16.f32 v9  }
0x117: {  	v33 =	vunpack.i.u.bf16.f32 v7;
	v35 =	vunpack.i.l.bf16.f32 v7;
	v19 =	vunpack.i.u.bf16.f32 v20;
	v54 =	vld.idx.msk [tilespmem:v31+s1+$0x0], $0xffff  }
0x118: {  	v24 =	vunpack.i.u.bf16.f32 v5;
	v23 =	vunpack.i.l.bf16.f32 v20;
	v25 =	vunpack.i.l.bf16.f32 v5;
	v58 =	vld.idx.msk [tilespmem:v32+s18+$0x0], $0xffff  }
0x119: {  	v22 =	vunpack.i.u.bf16.f32 v27;
	v20 =	vunpack.i.u.bf16.f32 v26;
	v26 =	vunpack.i.l.bf16.f32 v26;
	v59 =	vld.idx.msk [tilespmem:v29+s1+$0x0], $0xffff  }
0x11a: {  	v5 =	vunpack.i.u.bf16.f32 v11;
	v29 =	vunpack.i.l.bf16.f32 v27;
	v27 =	vunpack.i.l.bf16.f32 v11;
	v60 =	vld.idx.msk [tilespmem:v38+s18+$0x0], $0xffff  }
0x11b: {  	v6 =	vunpack.i.u.bf16.f32 v17;
	v7 =	vunpack.i.u.bf16.f32 v13;
	v31 =	vunpack.i.l.bf16.f32 v17;
	v61 =	vld.idx.msk [tilespmem:v34+s1+$0x0], $0xffff  }
0x11c: {  	v8 =	vunpack.i.u.bf16.f32 v15;
	v32 =	vunpack.i.l.bf16.f32 v13;
	v34 =	vunpack.i.l.bf16.f32 v15;
	v49 =	vld.idx.msk [tilespmem:v37+s18+$0x0], $0xffff  }
0x11d: {  	v9 =	vunpack.i.u.bf16.f32 v14;
	v36 =	vunpack.i.l.bf16.f32 v14;
	v10 =	vunpack.i.u.bf16.f32 v40;
	v50 =	vld.idx.msk [tilespmem:v39+s1+$0x0], $0xffff  }
0x11e: {  	v40 =	vunpack.i.l.bf16.f32 v40;
	v11 =	vunpack.i.u.bf16.f32 v46;
	v37 =	vunpack.i.l.bf16.f32 v46;
	v51 =	vld.idx.msk [tilespmem:v41+s18+$0x0], $0xffff  }
.Ltmp2:
0x11f: {  	v12 =	vunpack.i.u.bf16.f32 v52;
	v13 =	vunpack.i.u.bf16.f32 v54;
	v41 =	vunpack.i.l.bf16.f32 v52;
	v53 =	vld.idx.msk [tilespmem:v42+s1+$0x0], $0xffff;
	(pc) =	sbr.rel @p0 .LBB2_7-.Ltmp2, $4  }
0x120: {  	v14 =	vunpack.i.u.bf16.f32 v58;
	v42 =	vunpack.i.l.bf16.f32 v54;
	v52 =	vld.idx.msk [tilespmem:v43+s18+$0x0], $0xffff;
	v43 =	vunpack.i.l.bf16.f32 v58  }
0x121: {  	v38 =	vmul.f32 v57, v48;
	v39 =	vmul.f32 v55, v47;
	v54 =	vld.idx.msk [tilespmem:v44+s1+$0x0], $0xffff;
	v44 =	vunpack.i.u.bf16.f32 v59  }
0x122: {  	v46 =	vunpack.i.u.bf16.f32 v60;
	v48 =	vunpack.i.l.bf16.f32 v60;
	v55 =	vld.idx.msk [tilespmem:v45+s18+$0x0], $0xffff;
	v45 =	vunpack.i.l.bf16.f32 v59  }
0x123: {  	s23 =	sadd.s32 $0x100, s23;
	v15 =	vunpack.i.u.bf16.f32 v61;
	v47 =	vunpack.i.l.bf16.f32 v61;
	v17 =	vunpack.i.u.bf16.f32 v49;
	v56 =	vld.idx.msk [tilespmem:v56+s1+$0x0], $0xffff  }
0x124: {  	v49 =	vunpack.i.l.bf16.f32 v49;
	v57 =	vunpack.i.u.bf16.f32 v50;
	v30 =	vmul.f32 v35, v30  }
0x125: {  	v50 =	vunpack.i.l.bf16.f32 v50;
	v28 =	vmul.f32 v33, v28;
	v23 =	vmul.f32 v25, v23  }
0x126: {  	v58 =	vunpack.i.u.bf16.f32 v51;
	v19 =	vmul.f32 v24, v19;
	v25 =	vmul.f32 v29, v26  }
0x127: {  	v51 =	vunpack.i.l.bf16.f32 v51;
	v20 =	vmul.f32 v22, v20;
	v22 =	vmul.f32 v31, v27  }
0x128: {  	v33 =	vunpack.i.u.bf16.f32 v53;
	v31 =	vmul.f32 v34, v32;
	v34 =	vmul.f32 v41, v37  }
0x129: {  	v35 =	vunpack.i.l.bf16.f32 v53;
	v61 =	vmul.f32 v43, v42;
	v63 =	vmul.f32 v48, v45  }
0x12a: {  	v45 =	vmul.f32 v46, v44;
	v38 =	vadd.f32 $0.0e+00, v38;
	v39 =	vadd.f32 $0.0e+00, v39  }
0x12b: {  	v59 =	vunpack.i.u.bf16.f32 v52;
	v52 =	vunpack.i.l.bf16.f32 v52;
	v46 =	vmul.f32 v49, v47  }
0x12c: {  	v47 =	vmul.f32 v51, v50;
	v53 =	vunpack.i.u.bf16.f32 v54;
	v30 =	vadd.f32 $0.0e+00, v30  }
0x12d: {  	v21 =	vld.idx.msk [tilespmem:v21+s18+$0x0], $0xffff;
	v54 =	vunpack.i.l.bf16.f32 v54;
	v28 =	vadd.f32 $0.0e+00, v28;
	v23 =	vadd.f32 $0.0e+00, v23  }
0x12e: {  	v18 =	vld.idx.msk [tilespmem:v18+s1+$0x0], $0xffff;
	v35 =	vmul.f32 v52, v35;
	v19 =	vadd.f32 $0.0e+00, v19;
	v25 =	vadd.f32 $0.0e+00, v25  }
0x12f: {  	v16 =	vld.idx.msk [tilespmem:v16+s18+$0x0], $0xffff;
	v33 =	vmul.f32 v59, v33;
	v20 =	vadd.f32 $0.0e+00, v20;
	v48 =	vadd.f32 v63, v38  }
0x130: {  	v49 =	vadd.f32 v45, v39;
	v60 =	vunpack.i.u.bf16.f32 v55;
	v55 =	vunpack.i.l.bf16.f32 v55  }
0x131: {  	v24 =	vunpack.i.u.bf16.f32 v56;
	v26 =	vunpack.i.l.bf16.f32 v56;
	v56 =	vmul.f32 v40, v36  }
0x132: {  	v50 =	vadd.f32 v35, v30;
	v51 =	vmul.f32 v55, v54;
	v29 =	vunpack.i.u.bf16.f32 v21  }
0x133: {  	v21 =	vunpack.i.l.bf16.f32 v21;
	v27 =	vunpack.i.u.bf16.f32 v18;
	v18 =	vunpack.i.l.bf16.f32 v18  }
0x134: {  	v62 =	vunpack.i.u.bf16.f32 v16;
	v16 =	vunpack.i.l.bf16.f32 v16;
	v21 =	vmul.f32 v21, v26  }
0x135: {  	v28 =	vadd.f32 v33, v28;
	v16 =	vmul.f32 v16, v18;
	v27 =	vmul.f32 v62, v27  }
0x136: {  	v24 =	vmul.f32 v29, v24;
	v54 =	vadd.f32 v61, v50;
	v18 =	vadd.f32 v56, v48  }
0x137: {  	v52 =	vmul.f32 v60, v53;
	v16 =	vadd.f32 v16, v25;
	v20 =	vadd.f32 v27, v20  }
0x138: {  	v53 =	vmul.f32 v58, v57;
	v21 =	vadd.f32 v21, v23;
	v19 =	vadd.f32 v24, v19  }
0x139: {  	v15 =	vmul.f32 v17, v15;
	v16 =	vadd.f32 v51, v16;
	v20 =	vadd.f32 v52, v20  }
0x13a: {  	v13 =	vmul.f32 v14, v13;
	v2 =	vld.idx.msk [tilespmem:v2+s19+$0x0], $0xffff;
	v21 =	vadd.f32 v47, v21;
	v19 =	vadd.f32 v53, v19  }
0x13b: {  	v11 =	vmul.f32 v12, v11;
	v55 =	vld [tilespmem:s22+$0x19CA0];
	v56 =	vadd.f32 v46, v16;
	v15 =	vadd.f32 v15, v20  }
0x13c: {  	v9 =	vmul.f32 v10, v9;
	v1 =	vld.idx.msk [tilespmem:v1+s19+$0x0], $0xffff;
	v13 =	vadd.f32 v13, v28;
	v58 =	vadd.f32 v34, v21  }
0x13d: {  	v7 =	vmul.f32 v8, v7;
	v57 =	vld [tilespmem:s22+$0x19CB0];
	v11 =	vadd.f32 v11, v19;
	v59 =	vadd.f32 v56, v15  }
0x13e: {  	v5 =	vmul.f32 v6, v5;
	v9 =	vadd.f32 v9, v49;
	v60 =	vadd.f32 v31, v54  }
0x13f: {  	v7 =	vadd.f32 v7, v13;
	v61 =	vadd.f32 v58, v11;
	v4 =	vmul.f32 v59, v4  }
0x140: {  	v5 =	vadd.f32 v5, v9;
	v62 =	vadd.f32 v22, v18;
	v2 =	vmul.f32 v2, v55  }
0x141: {  	s20 =	sadd.s32 $0x1, s20;
	v63 =	vadd.f32 v60, v7;
	v3 =	vmul.f32 v61, v3;
	v0 =	vadd.f32 v4, v0  }
0x142: {  	p0 =	sne.s32 s20, $0x14;
	v1 =	vmul.f32 v1, v57  }
.Ltmp3:
0x143: {  	v2 =	vmul.f32 v63, v2;
	v0 =	vadd.f32 v3, v0;
	v3 =	vadd.f32 v62, v5;
	(pc) =	sbr.rel @p0 .LBB2_4-.Ltmp3, $3  }
0x144: {  	_ = 	snop  }
0x145: {  	v0 =	vadd.f32 v2, v0;
	v1 =	vmul.f32 v3, v1;
	_ =	sdelay $0x1  }
0x146: {  	v0 =	vadd.f32 v1, v0  }
0x147: {  	_ = 	snop  }
0x148: {  	s0 =	sadd.s32 $0x1, s0;
	v0 =	vmul.f32 $-9.999999740e-05, v0  }
0x149: {  	p0 =	sne.s32 s0, s17  }
.Ltmp4:
0x14a: {  	s2 =	simm.s32 $0x1A080;
	[tilespmem:$0x1A080] =	vst v0;
	(pc) =	sbr.rel @p0 .LBB2_1-.Ltmp4, $4  }
0x14b: {  	[hbm4b:s16+s1] =	stream.linear.scatter [tilespmem:s2], [sflag:$0x4], $0x10, $0x38;
	[tilespmem:$0x1A090] =	vst v63  }
0x14c: {  	_ =	swait.ge [sflag:s31], $0x10  }
0x14d: {  	[sflag:s31] =	ssyncset.done $0x0  }
0x14e: {  	[sflag:s31] =	ssyncadd.s32 $0xFFFFFFF0  }
0x14f: {  	_ =	sfence.sel $0x180000  }
0x150: {  	[bflag:$0x0] =	sbarrier.arrive $0xFFFF  }
0x151: {  	_ =	strace $0x9000004A  }
0x152: {  	s0 =	stileid.u32;
	[bflag:$0x2] =	sbarrier.arrive $0xFFFF  }
0x153: {  	p0 =	sne.s32 s0, $0x0;
	s0 =	rddreg [dreg:$0x1]  }
0x154: {  	s0 =	sadd.s32 @!p0 $0x100000, s0  }
0x155: {  	[sflag:s0] =	ssyncadd.tile.s32 @!p0 $0x1;
	_ =	shalt  }
.Lfunc_end2:
_tile_overlayer_lowered:
.L_overlay_start_2:
0x156: {  	(tag) =	ssettag $0x2  }
0x157: {  	s0 =	rddreg [dreg:$0x0];
	s2 =	stileid.u32  }
0x158: {  	s1 =	rddreg [dreg:$0x1];
	p0 =	sne.s32 s2, $0x0  }
0x159: {  	s3 =	rddreg [dreg:$0x2];
	[bflag:$0x3] =	sbarrier.arrive $0xFFFF;
	s2 =	simm.s32 @!p0 $0x1C04  }
0x15a: {  	[timem:s3], [sflag:s2] =	dma.local @!p0 [hbm:s0], s1  }
0x15b: {  	s0 =	simm.s32 @!p0 $0x4  }
0x15c: {  	_ =	swait.ge @!p0 [sflag:s0], s1  }
0x15d: {  	s1 =	ssub.s32 @!p0 $0x0, s1;
	[sflag:s0] =	ssyncset.done @!p0 $0x0  }
0x15e: {  	[sflag:s0] =	ssyncadd.s32 @!p0 s1  }
0x15f: {  	[bflag:$0x3] =	sbarrier.arrive $0xFFFF  }
0x160: {  	_ =	shalt  }

</sc_bundles>
